<compile_context>
chip_gen: v7x
topology: tpu7x:2x2x1
jax: 0.10.2.dev20260603
libtpu: 0.0.44.dev20260713+nightly
codegen_flags: <defaults>
</compile_context>

<pallas_src>
import functools

import jax
import jax.numpy as jnp
from jax import lax
from jax.experimental import pallas as pl
from jax.experimental.pallas import tpu as pltpu
from jax.experimental.pallas import tpu_sc as plsc

_C = 128
_NC = 2
_NS = 16


_K = 8


def _make_sc_agg(NP, H, E):
    nchunk = E // _C
    nw = _NC * _NS
    rps = NP // _NS
    q, rem = divmod(nchunk, nw)
    ngroups = (q + (1 if rem else 0) + _K - 1) // _K
    ngroups += ngroups % 2
    mesh = plsc.VectorSubcoreMesh(
        core_axis_name="c", subcore_axis_name="s",
        num_cores=_NC, num_subcores=_NS)

    @functools.partial(
        pl.kernel,
        out_type=jax.ShapeDtypeStruct((_NC, NP, H), jnp.float32),
        mesh=mesh,
        scratch_types=[
            pltpu.VMEM((_K, 2, _C), jnp.int32),
            pltpu.VMEM((_K, 2, _C), jnp.int32),
            pltpu.VMEM((_C, H), jnp.float32),
            pltpu.VMEM((_C, H), jnp.float32),
            pltpu.VMEM_SHARED((NP, H), jnp.float32),
            pltpu.SemaphoreType.DMA,
            pltpu.SemaphoreType.DMA,
            pltpu.SemaphoreType.DMA,
            pltpu.SemaphoreType.DMA,
            pltpu.SemaphoreType.DMA,
        ],
    )
    def sc_agg(x_hbm, adj_hbm, out_hbm, idx_a, idx_b,
               rows_0, rows_1, accum, sg_0, sg_1, ss_0, ss_1, si):
        c = lax.axis_index("c")
        s = lax.axis_index("s")
        wid = s * _NC + c
        base_row = s * rps
        idx = (idx_a, idx_b)
        rows = (rows_0, rows_1)
        sg = (sg_0, sg_1)
        ss = (ss_0, ss_1)

        start = wid * q + jnp.minimum(wid, rem)
        end = start + q + jnp.where(wid < rem, 1, 0)

        pltpu.async_copy(adj_hbm.at[pl.ds(start, _K)], idx_a, si)

        def zbody(i, carry):
            for j in range(H // 16):
                rows_0[i, pl.ds(j * 16, 16)] = jnp.zeros((16,), jnp.float32)
            return carry

        lax.fori_loop(0, _C, zbody, 0)
        for k in range(rps // _C):
            pltpu.sync_copy(rows_0, accum.at[pl.ds(base_row + k * _C, _C)])
        plsc.subcore_barrier()

        pltpu.make_async_copy(adj_hbm.at[pl.ds(start, _K)], idx_a, si).wait()
        pltpu.async_copy(x_hbm.at[idx_a.at[0, 0]], rows_0, sg_0)

        def slot(g, j, ib, nb, first_group):
            c0 = start + g * _K
            ck = c0 + j
            b = j % 2
            b1 = (j + 1) % 2

            @pl.when(ck < end)
            def _wait_gather():
                pltpu.make_async_copy(
                    x_hbm.at[ib.at[j, 0]], rows[b], sg[b]).wait()

            @pl.when(ck < end)
            def _scatter():
                pltpu.async_copy(rows[b], accum.at[ib.at[j, 1]], ss[b],
                                 add=True)

            if j == 1:
                pltpu.async_copy(adj_hbm.at[pl.ds(c0 + _K, _K)], nb, si)
            if j == _K - 1:
                pltpu.make_async_copy(
                    adj_hbm.at[pl.ds(c0 + _K, _K)], nb, si).wait()

            @pl.when(ck + 1 < end)
            def _issue_next():
                if not (first_group and j == 0):
                    pltpu.make_async_copy(
                        rows[b1], accum.at[ib.at[j, 1]], ss[b1]).wait()
                if j < _K - 1:
                    src_row = ib.at[j + 1, 0]
                else:
                    src_row = nb.at[0, 0]
                pltpu.async_copy(x_hbm.at[src_row], rows[b1], sg[b1])

        for j in range(_K):
            slot(0, j, idx_a, idx_b, True)
        for j in range(_K):
            slot(1, j, idx_b, idx_a, False)

        def group_body(g2, carry):
            g = 2 * g2 + 2
            for gg in range(2):
                for j in range(_K):
                    slot(g + gg, j, idx[gg], idx[1 - gg], False)
            return carry

        lax.fori_loop(0, (ngroups - 2) // 2, group_body, 0)

        for b in range(2):
            pltpu.make_async_copy(
                rows[b], accum.at[idx_a.at[0, 1]], ss[b]).wait()
        plsc.subcore_barrier()
        pltpu.sync_copy(accum.at[pl.ds(base_row, rps)],
                        out_hbm.at[c, pl.ds(base_row, rps)])

    return sc_agg


def _make_tc_head(N, H, O, BR):
    def tc_body(p_ref, w_ref, b_ref, mw_ref, mb_ref, out_ref):
        p = p_ref[0] + p_ref[1]
        h = jnp.dot(p, w_ref[...], preferred_element_type=jnp.float32)
        h = jnp.maximum(h + b_ref[...], 0.0)
        out_ref[...] = (
            jnp.dot(h, mw_ref[...], preferred_element_type=jnp.float32)
            + mb_ref[...])

    return pl.pallas_call(
        tc_body,
        grid=(N // BR,),
        in_specs=[
            pl.BlockSpec((2, BR, H), lambda i: (0, i, 0)),
            pl.BlockSpec((H, H), lambda i: (0, 0)),
            pl.BlockSpec((1, H), lambda i: (0, 0)),
            pl.BlockSpec((H, O), lambda i: (0, 0)),
            pl.BlockSpec((1, O), lambda i: (0, 0)),
        ],
        out_specs=pl.BlockSpec((BR, O), lambda i: (i, 0)),
        out_shape=jax.ShapeDtypeStruct((N, O), jnp.float32),
    )


def kernel(x, adj, W, b, mlp_W, mlp_b):
    N, H = x.shape
    E = adj.shape[1]
    nclass = mlp_W.shape[0]
    blk = _NS * _C
    NP = ((N + blk - 1) // blk) * blk
    nchunk = E // _C
    nw = _NC * _NS
    q, rem = divmod(nchunk, nw)
    ngroups = (q + (1 if rem else 0) + _K - 1) // _K
    ngroups += ngroups % 2
    nchunk_pad = (nw - 1) * q + rem + (ngroups + 1) * _K
    adj4 = jnp.stack(
        [adj[0].reshape(nchunk, _C), adj[1].reshape(nchunk, _C)], axis=1)
    adj4 = jnp.pad(adj4, ((0, nchunk_pad - nchunk), (0, 0), (0, 0)))
    partials = _make_sc_agg(NP, H, E)(x, adj4)

    outp = _make_tc_head(NP, H, nclass, BR=2048)(
        partials, W, b.reshape(1, H), mlp_W.T, mlp_b.reshape(1, nclass))
    return outp[:N]

# --- scband reference (transcript-rebuilt; emitter-appended) ---
"""Pipeline reference for scband-classifier-13151189860953 (READ-ONLY COPY).

The authoritative reference and input builder live on the scoring server;
editing this copy changes nothing except your own understanding.
"""

import jax, jax.numpy as jnp
import numpy as np

N = 10000
E = 320000
NHID = 128
NCLASS = 64

def setup_inputs(seed: int = 0) -> dict:
    key = jax.random.key(seed)
    k1, k2, k3, k4 = jax.random.split(key, 4)
    x = jax.random.normal(k1, (N, NHID), dtype=jnp.float32)
    adj = jax.random.randint(k2, (2, E), 0, N, dtype=jnp.int32)
    # GraphConvolution params: support = x @ W; out = spmm(adj, support) + b
    W = jax.random.normal(k3, (NHID, NHID), dtype=jnp.float32) * 0.05
    b = jnp.zeros((NHID,), dtype=jnp.float32)
    # mlp = nn.Linear(nhid, nclass), weight init normal std=0.05
    mlp_W = jax.random.normal(k4, (NCLASS, NHID), dtype=jnp.float32) * 0.05
    mlp_b = jnp.zeros((NCLASS,), dtype=jnp.float32)
    return {"x": x, "adj": adj, "W": W, "b": b, "mlp_W": mlp_W, "mlp_b": mlp_b}

def reference(x, adj, W, b, mlp_W, mlp_b):
    # GraphConvolution (gcn branch): out = A @ (x @ W) + b
    support = x @ W
    src = adj[0]
    dst = adj[1]
    messages = jnp.take(support, src, axis=0)          # gather along edges
    agg = jax.ops.segment_sum(messages, dst, num_segments=N)  # scatter-add by dst node
    h = agg + b
    # activation = ReLU (gcn branch)
    h = jax.nn.relu(h)
    # dropout is identity at inference (eval mode)
    # mlp: torch Linear -> x @ W.T + b
    out = h @ mlp_W.T + mlp_b
    return out

if __name__ == "__main__":
    import jax
    _d = setup_inputs()
    print(jax.jit(kernel)(*tuple(_d.values())))

</pallas_src>

<mosaic_0001>
#map = affine_map<(d0, d1) -> (0, 0)>
#map1 = affine_map<(d0, d1) -> (0, 0, 0)>
module attributes {stable_mosaic.version = 14 : i64} {
  func.func @sc_agg(%arg0: i32, %arg1: i32, %arg2: memref<10000x128xf32, #tpu.memory_space<hbm>>, %arg3: memref<2510x2x128xi32, #tpu.memory_space<hbm>>, %arg4: memref<2x10240x128xf32, #tpu.memory_space<hbm>>, %arg5: memref<8x2x128xi32, #tpu.memory_space<vmem>>, %arg6: memref<8x2x128xi32, #tpu.memory_space<vmem>>, %arg7: memref<128x128xf32, #tpu.memory_space<vmem>>, %arg8: memref<128x128xf32, #tpu.memory_space<vmem>>, %arg9: memref<10240x128xf32, #tpu.memory_space<vmem_shared>>, %arg10: memref<!tpu.dma_semaphore, #tpu.memory_space<semaphore_mem>>, %arg11: memref<!tpu.dma_semaphore, #tpu.memory_space<semaphore_mem>>, %arg12: memref<!tpu.dma_semaphore, #tpu.memory_space<semaphore_mem>>, %arg13: memref<!tpu.dma_semaphore, #tpu.memory_space<semaphore_mem>>, %arg14: memref<!tpu.dma_semaphore, #tpu.memory_space<semaphore_mem>>) attributes {dimension_semantics = [#tpu.dimension_semantics<core_parallel>, #tpu.dimension_semantics<subcore_parallel>], iteration_bounds = array<i64: 2, 16>, scalar_prefetch = 0 : i64, scratch_operands = 10 : i64, tpu.core_type = #tpu.core_type<sc_vector_subcore>, window_params = [{transform_indices = #map}, {transform_indices = #map1}, {transform_indices = #map1}]} {
    %mul3A = arith.constant 2 : i32
    %mul3A_0 = arith.muli %arg1, %mul3A : i32
    %add3A = arith.addi %mul3A_0, %arg0 : i32
    %mul3A_1 = arith.constant 640 : i32
    %mul3A_2 = arith.muli %arg1, %mul3A_1 : i32
    %mul3A_3 = arith.constant 78 : i32
    %mul3A_4 = arith.muli %add3A, %mul3A_3 : i32
    %min3A = arith.constant 4 : i32
    %min3A_5 = arith.minsi %add3A, %min3A : i32
    %add3A_6 = arith.addi %mul3A_4, %min3A_5 : i32
    %add3A_7 = arith.constant 78 : i32
    %add3A_8 = arith.addi %add3A_6, %add3A_7 : i32
    %lt3A = arith.constant 4 : i32
    %lt3A_9 = arith.cmpi slt, %add3A, %lt3A : i32
    %jit3A = arith.constant 1 : i32
    %jit3A_10 = arith.constant 0 : i32
    %select_n3A = arith.select %lt3A_9, %jit3A, %jit3A_10 : i32
    %add3A_11 = arith.addi %add3A_8, %select_n3A : i32
    %dma_start3A = arith.constant 0 : i32
    %dma_start3A_12 = arith.constant 0 : i32
    %dma_start3A_13 = tpu.memref_slice %arg3[%add3A_6, %dma_start3A, %dma_start3A_12] : memref<2510x2x128xi32, #tpu.memory_space<hbm>> -> memref<8x2x128xi32, #tpu.memory_space<hbm>>
    %dma_start3A_14 = arith.constant 0 : i32
    %dma_start3A_15 = arith.constant 0 : i32
    %dma_start3A_16 = tpu.memref_slice %arg3[%add3A_6, %dma_start3A_14, %dma_start3A_15] : memref<2510x2x128xi32, #tpu.memory_space<hbm>> -> memref<8x2x128xi32, #tpu.memory_space<hbm>>
    tpu.enqueue_dma source(%dma_start3A_16 : memref<8x2x128xi32, #tpu.memory_space<hbm>>) target(%arg5 : memref<8x2x128xi32, #tpu.memory_space<vmem>>) target_semaphore(%arg14 : memref<!tpu.dma_semaphore, #tpu.memory_space<semaphore_mem>>)
    %scan3A = arith.constant 0 : i32
    %scan3A_17 = arith.constant 0 : i32
    %scan3A_18 = arith.constant 128 : i32
    %scan3A_19 = arith.addi %scan3A_17, %scan3A_18 : i32
    %scan3A_20 = arith.constant 1 : i32
    scf.for %scan3A_386 = %scan3A_17 to %scan3A_19 step %scan3A_20  : i32 {
      %broadcast_in_dim3A = arith.constant 0.000000e+00 : f32
      %broadcast_in_dim3A_387 = vector.broadcast %broadcast_in_dim3A : f32 to vector<16xf32>
      %swap3A = arith.index_cast %scan3A_386 : i32 to index
      %swap3A_388 = arith.constant 0 : index
      %swap3A_389 = tpu.vector_load %arg7[%swap3A, %swap3A_388] {strides = array<i32>} : memref<128x128xf32, #tpu.memory_space<vmem>>, vector<1x16xf32>,
      %swap3A_390 = vector.shape_cast %swap3A_389 : vector<1x16xf32> to vector<16xf32>
      %swap3A_391 = vector.shape_cast %broadcast_in_dim3A_387 : vector<16xf32> to vector<1x16xf32>
      tpu.vector_store %arg7[%swap3A, %swap3A_388], %swap3A_391 {strides = array<i32>} : memref<128x128xf32, #tpu.memory_space<vmem>>, vector<1x16xf32>,
      %broadcast_in_dim3A_392 = arith.constant 0.000000e+00 : f32
      %broadcast_in_dim3A_393 = vector.broadcast %broadcast_in_dim3A_392 : f32 to vector<16xf32>
      %swap3A_394 = arith.index_cast %scan3A_386 : i32 to index
      %swap3A_395 = arith.constant 16 : index
      %swap3A_396 = tpu.vector_load %arg7[%swap3A_394, %swap3A_395] {strides = array<i32>} : memref<128x128xf32, #tpu.memory_space<vmem>>, vector<1x16xf32>,
      %swap3A_397 = vector.shape_cast %swap3A_396 : vector<1x16xf32> to vector<16xf32>
      %swap3A_398 = vector.shape_cast %broadcast_in_dim3A_393 : vector<16xf32> to vector<1x16xf32>
      tpu.vector_store %arg7[%swap3A_394, %swap3A_395], %swap3A_398 {strides = array<i32>} : memref<128x128xf32, #tpu.memory_space<vmem>>, vector<1x16xf32>,
      %broadcast_in_dim3A_399 = arith.constant 0.000000e+00 : f32
      %broadcast_in_dim3A_400 = vector.broadcast %broadcast_in_dim3A_399 : f32 to vector<16xf32>
      %swap3A_401 = arith.index_cast %scan3A_386 : i32 to index
      %swap3A_402 = arith.constant 32 : index
      %swap3A_403 = tpu.vector_load %arg7[%swap3A_401, %swap3A_402] {strides = array<i32>} : memref<128x128xf32, #tpu.memory_space<vmem>>, vector<1x16xf32>,
      %swap3A_404 = vector.shape_cast %swap3A_403 : vector<1x16xf32> to vector<16xf32>
      %swap3A_405 = vector.shape_cast %broadcast_in_dim3A_400 : vector<16xf32> to vector<1x16xf32>
      tpu.vector_store %arg7[%swap3A_401, %swap3A_402], %swap3A_405 {strides = array<i32>} : memref<128x128xf32, #tpu.memory_space<vmem>>, vector<1x16xf32>,
      %broadcast_in_dim3A_406 = arith.constant 0.000000e+00 : f32
      %broadcast_in_dim3A_407 = vector.broadcast %broadcast_in_dim3A_406 : f32 to vector<16xf32>
      %swap3A_408 = arith.index_cast %scan3A_386 : i32 to index
      %swap3A_409 = arith.constant 48 : index
      %swap3A_410 = tpu.vector_load %arg7[%swap3A_408, %swap3A_409] {strides = array<i32>} : memref<128x128xf32, #tpu.memory_space<vmem>>, vector<1x16xf32>,
      %swap3A_411 = vector.shape_cast %swap3A_410 : vector<1x16xf32> to vector<16xf32>
      %swap3A_412 = vector.shape_cast %broadcast_in_dim3A_407 : vector<16xf32> to vector<1x16xf32>
      tpu.vector_store %arg7[%swap3A_408, %swap3A_409], %swap3A_412 {strides = array<i32>} : memref<128x128xf32, #tpu.memory_space<vmem>>, vector<1x16xf32>,
      %broadcast_in_dim3A_413 = arith.constant 0.000000e+00 : f32
      %broadcast_in_dim3A_414 = vector.broadcast %broadcast_in_dim3A_413 : f32 to vector<16xf32>
      %swap3A_415 = arith.index_cast %scan3A_386 : i32 to index
      %swap3A_416 = arith.constant 64 : index
      %swap3A_417 = tpu.vector_load %arg7[%swap3A_415, %swap3A_416] {strides = array<i32>} : memref<128x128xf32, #tpu.memory_space<vmem>>, vector<1x16xf32>,
      %swap3A_418 = vector.shape_cast %swap3A_417 : vector<1x16xf32> to vector<16xf32>
      %swap3A_419 = vector.shape_cast %broadcast_in_dim3A_414 : vector<16xf32> to vector<1x16xf32>
      tpu.vector_store %arg7[%swap3A_415, %swap3A_416], %swap3A_419 {strides = array<i32>} : memref<128x128xf32, #tpu.memory_space<vmem>>, vector<1x16xf32>,
      %broadcast_in_dim3A_420 = arith.constant 0.000000e+00 : f32
      %broadcast_in_dim3A_421 = vector.broadcast %broadcast_in_dim3A_420 : f32 to vector<16xf32>
      %swap3A_422 = arith.index_cast %scan3A_386 : i32 to index
      %swap3A_423 = arith.constant 80 : index
      %swap3A_424 = tpu.vector_load %arg7[%swap3A_422, %swap3A_423] {strides = array<i32>} : memref<128x128xf32, #tpu.memory_space<vmem>>, vector<1x16xf32>,
      %swap3A_425 = vector.shape_cast %swap3A_424 : vector<1x16xf32> to vector<16xf32>
      %swap3A_426 = vector.shape_cast %broadcast_in_dim3A_421 : vector<16xf32> to vector<1x16xf32>
      tpu.vector_store %arg7[%swap3A_422, %swap3A_423], %swap3A_426 {strides = array<i32>} : memref<128x128xf32, #tpu.memory_space<vmem>>, vector<1x16xf32>,
      %broadcast_in_dim3A_427 = arith.constant 0.000000e+00 : f32
      %broadcast_in_dim3A_428 = vector.broadcast %broadcast_in_dim3A_427 : f32 to vector<16xf32>
      %swap3A_429 = arith.index_cast %scan3A_386 : i32 to index
      %swap3A_430 = arith.constant 96 : index
      %swap3A_431 = tpu.vector_load %arg7[%swap3A_429, %swap3A_430] {strides = array<i32>} : memref<128x128xf32, #tpu.memory_space<vmem>>, vector<1x16xf32>,
      %swap3A_432 = vector.shape_cast %swap3A_431 : vector<1x16xf32> to vector<16xf32>
      %swap3A_433 = vector.shape_cast %broadcast_in_dim3A_428 : vector<16xf32> to vector<1x16xf32>
      tpu.vector_store %arg7[%swap3A_429, %swap3A_430], %swap3A_433 {strides = array<i32>} : memref<128x128xf32, #tpu.memory_space<vmem>>, vector<1x16xf32>,
      %broadcast_in_dim3A_434 = arith.constant 0.000000e+00 : f32
      %broadcast_in_dim3A_435 = vector.broadcast %broadcast_in_dim3A_434 : f32 to vector<16xf32>
      %swap3A_436 = arith.index_cast %scan3A_386 : i32 to index
      %swap3A_437 = arith.constant 112 : index
      %swap3A_438 = tpu.vector_load %arg7[%swap3A_436, %swap3A_437] {strides = array<i32>} : memref<128x128xf32, #tpu.memory_space<vmem>>, vector<1x16xf32>,
      %swap3A_439 = vector.shape_cast %swap3A_438 : vector<1x16xf32> to vector<16xf32>
      %swap3A_440 = vector.shape_cast %broadcast_in_dim3A_435 : vector<16xf32> to vector<1x16xf32>
      tpu.vector_store %arg7[%swap3A_436, %swap3A_437], %swap3A_440 {strides = array<i32>} : memref<128x128xf32, #tpu.memory_space<vmem>>, vector<1x16xf32>,
    }
    %scan3A_21 = arith.constant 128 : i32
    %add3A_22 = arith.constant 0 : i32
    %add3A_23 = arith.addi %mul3A_2, %add3A_22 : i32
    "tpu.region"() ({
      %run_scoped3A = tpu.sem_alloc : memref<!tpu.dma_semaphore, #tpu.memory_space<semaphore_mem>>
      %dma_start3A_386 = arith.constant 0 : i32
      %dma_start3A_387 = tpu.memref_slice %arg9[%add3A_23, %dma_start3A_386] : memref<10240x128xf32, #tpu.memory_space<vmem_shared>> -> memref<128x128xf32, #tpu.memory_space<vmem_shared>>
      %dma_start3A_388 = arith.constant 0 : i32
      %dma_start3A_389 = tpu.memref_slice %arg9[%add3A_23, %dma_start3A_388] : memref<10240x128xf32, #tpu.memory_space<vmem_shared>> -> memref<128x128xf32, #tpu.memory_space<vmem_shared>>
      tpu.enqueue_dma source(%arg7 : memref<128x128xf32, #tpu.memory_space<vmem>>) target(%dma_start3A_389 : memref<128x128xf32, #tpu.memory_space<vmem_shared>>) target_semaphore(%run_scoped3A : memref<!tpu.dma_semaphore, #tpu.memory_space<semaphore_mem>>)
      %dma_wait3A_390 = arith.constant 0 : i32
      %dma_wait3A_391 = tpu.memref_slice %arg9[%add3A_23, %dma_wait3A_390] : memref<10240x128xf32, #tpu.memory_space<vmem_shared>> -> memref<128x128xf32, #tpu.memory_space<vmem_shared>>
      %dma_wait3A_392 = arith.constant 0 : i32
      %dma_wait3A_393 = tpu.memref_slice %arg9[%add3A_23, %dma_wait3A_392] : memref<10240x128xf32, #tpu.memory_space<vmem_shared>> -> memref<128x128xf32, #tpu.memory_space<vmem_shared>>
      tpu.wait_dma2 semaphore(%run_scoped3A : memref<!tpu.dma_semaphore, #tpu.memory_space<semaphore_mem>>) src(%arg7 : memref<128x128xf32, #tpu.memory_space<vmem>>) dst(%dma_wait3A_393 : memref<128x128xf32, #tpu.memory_space<vmem_shared>>)
      tpu.yield
    }) : () -> ()
    %add3A_24 = arith.constant 128 : i32
    %add3A_25 = arith.addi %mul3A_2, %add3A_24 : i32
    "tpu.region"() ({
      %run_scoped3A = tpu.sem_alloc : memref<!tpu.dma_semaphore, #tpu.memory_space<semaphore_mem>>
      %dma_start3A_386 = arith.constant 0 : i32
      %dma_start3A_387 = tpu.memref_slice %arg9[%add3A_25, %dma_start3A_386] : memref<10240x128xf32, #tpu.memory_space<vmem_shared>> -> memref<128x128xf32, #tpu.memory_space<vmem_shared>>
      %dma_start3A_388 = arith.constant 0 : i32
      %dma_start3A_389 = tpu.memref_slice %arg9[%add3A_25, %dma_start3A_388] : memref<10240x128xf32, #tpu.memory_space<vmem_shared>> -> memref<128x128xf32, #tpu.memory_space<vmem_shared>>
      tpu.enqueue_dma source(%arg7 : memref<128x128xf32, #tpu.memory_space<vmem>>) target(%dma_start3A_389 : memref<128x128xf32, #tpu.memory_space<vmem_shared>>) target_semaphore(%run_scoped3A : memref<!tpu.dma_semaphore, #tpu.memory_space<semaphore_mem>>)
      %dma_wait3A_390 = arith.constant 0 : i32
      %dma_wait3A_391 = tpu.memref_slice %arg9[%add3A_25, %dma_wait3A_390] : memref<10240x128xf32, #tpu.memory_space<vmem_shared>> -> memref<128x128xf32, #tpu.memory_space<vmem_shared>>
      %dma_wait3A_392 = arith.constant 0 : i32
      %dma_wait3A_393 = tpu.memref_slice %arg9[%add3A_25, %dma_wait3A_392] : memref<10240x128xf32, #tpu.memory_space<vmem_shared>> -> memref<128x128xf32, #tpu.memory_space<vmem_shared>>
      tpu.wait_dma2 semaphore(%run_scoped3A : memref<!tpu.dma_semaphore, #tpu.memory_space<semaphore_mem>>) src(%arg7 : memref<128x128xf32, #tpu.memory_space<vmem>>) dst(%dma_wait3A_393 : memref<128x128xf32, #tpu.memory_space<vmem_shared>>)
      tpu.yield
    }) : () -> ()
    %add3A_26 = arith.constant 256 : i32
    %add3A_27 = arith.addi %mul3A_2, %add3A_26 : i32
    "tpu.region"() ({
      %run_scoped3A = tpu.sem_alloc : memref<!tpu.dma_semaphore, #tpu.memory_space<semaphore_mem>>
      %dma_start3A_386 = arith.constant 0 : i32
      %dma_start3A_387 = tpu.memref_slice %arg9[%add3A_27, %dma_start3A_386] : memref<10240x128xf32, #tpu.memory_space<vmem_shared>> -> memref<128x128xf32, #tpu.memory_space<vmem_shared>>
      %dma_start3A_388 = arith.constant 0 : i32
      %dma_start3A_389 = tpu.memref_slice %arg9[%add3A_27, %dma_start3A_388] : memref<10240x128xf32, #tpu.memory_space<vmem_shared>> -> memref<128x128xf32, #tpu.memory_space<vmem_shared>>
      tpu.enqueue_dma source(%arg7 : memref<128x128xf32, #tpu.memory_space<vmem>>) target(%dma_start3A_389 : memref<128x128xf32, #tpu.memory_space<vmem_shared>>) target_semaphore(%run_scoped3A : memref<!tpu.dma_semaphore, #tpu.memory_space<semaphore_mem>>)
      %dma_wait3A_390 = arith.constant 0 : i32
      %dma_wait3A_391 = tpu.memref_slice %arg9[%add3A_27, %dma_wait3A_390] : memref<10240x128xf32, #tpu.memory_space<vmem_shared>> -> memref<128x128xf32, #tpu.memory_space<vmem_shared>>
      %dma_wait3A_392 = arith.constant 0 : i32
      %dma_wait3A_393 = tpu.memref_slice %arg9[%add3A_27, %dma_wait3A_392] : memref<10240x128xf32, #tpu.memory_space<vmem_shared>> -> memref<128x128xf32, #tpu.memory_space<vmem_shared>>
      tpu.wait_dma2 semaphore(%run_scoped3A : memref<!tpu.dma_semaphore, #tpu.memory_space<semaphore_mem>>) src(%arg7 : memref<128x128xf32, #tpu.memory_space<vmem>>) dst(%dma_wait3A_393 : memref<128x128xf32, #tpu.memory_space<vmem_shared>>)
      tpu.yield
    }) : () -> ()
    %add3A_28 = arith.constant 384 : i32
    %add3A_29 = arith.addi %mul3A_2, %add3A_28 : i32
    "tpu.region"() ({
      %run_scoped3A = tpu.sem_alloc : memref<!tpu.dma_semaphore, #tpu.memory_space<semaphore_mem>>
      %dma_start3A_386 = arith.constant 0 : i32
      %dma_start3A_387 = tpu.memref_slice %arg9[%add3A_29, %dma_start3A_386] : memref<10240x128xf32, #tpu.memory_space<vmem_shared>> -> memref<128x128xf32, #tpu.memory_space<vmem_shared>>
      %dma_start3A_388 = arith.constant 0 : i32
      %dma_start3A_389 = tpu.memref_slice %arg9[%add3A_29, %dma_start3A_388] : memref<10240x128xf32, #tpu.memory_space<vmem_shared>> -> memref<128x128xf32, #tpu.memory_space<vmem_shared>>
      tpu.enqueue_dma source(%arg7 : memref<128x128xf32, #tpu.memory_space<vmem>>) target(%dma_start3A_389 : memref<128x128xf32, #tpu.memory_space<vmem_shared>>) target_semaphore(%run_scoped3A : memref<!tpu.dma_semaphore, #tpu.memory_space<semaphore_mem>>)
      %dma_wait3A_390 = arith.constant 0 : i32
      %dma_wait3A_391 = tpu.memref_slice %arg9[%add3A_29, %dma_wait3A_390] : memref<10240x128xf32, #tpu.memory_space<vmem_shared>> -> memref<128x128xf32, #tpu.memory_space<vmem_shared>>
      %dma_wait3A_392 = arith.constant 0 : i32
      %dma_wait3A_393 = tpu.memref_slice %arg9[%add3A_29, %dma_wait3A_392] : memref<10240x128xf32, #tpu.memory_space<vmem_shared>> -> memref<128x128xf32, #tpu.memory_space<vmem_shared>>
      tpu.wait_dma2 semaphore(%run_scoped3A : memref<!tpu.dma_semaphore, #tpu.memory_space<semaphore_mem>>) src(%arg7 : memref<128x128xf32, #tpu.memory_space<vmem>>) dst(%dma_wait3A_393 : memref<128x128xf32, #tpu.memory_space<vmem_shared>>)
      tpu.yield
    }) : () -> ()
    %add3A_30 = arith.constant 512 : i32
    %add3A_31 = arith.addi %mul3A_2, %add3A_30 : i32
    "tpu.region"() ({
      %run_scoped3A = tpu.sem_alloc : memref<!tpu.dma_semaphore, #tpu.memory_space<semaphore_mem>>
      %dma_start3A_386 = arith.constant 0 : i32
      %dma_start3A_387 = tpu.memref_slice %arg9[%add3A_31, %dma_start3A_386] : memref<10240x128xf32, #tpu.memory_space<vmem_shared>> -> memref<128x128xf32, #tpu.memory_space<vmem_shared>>
      %dma_start3A_388 = arith.constant 0 : i32
      %dma_start3A_389 = tpu.memref_slice %arg9[%add3A_31, %dma_start3A_388] : memref<10240x128xf32, #tpu.memory_space<vmem_shared>> -> memref<128x128xf32, #tpu.memory_space<vmem_shared>>
      tpu.enqueue_dma source(%arg7 : memref<128x128xf32, #tpu.memory_space<vmem>>) target(%dma_start3A_389 : memref<128x128xf32, #tpu.memory_space<vmem_shared>>) target_semaphore(%run_scoped3A : memref<!tpu.dma_semaphore, #tpu.memory_space<semaphore_mem>>)
      %dma_wait3A_390 = arith.constant 0 : i32
      %dma_wait3A_391 = tpu.memref_slice %arg9[%add3A_31, %dma_wait3A_390] : memref<10240x128xf32, #tpu.memory_space<vmem_shared>> -> memref<128x128xf32, #tpu.memory_space<vmem_shared>>
      %dma_wait3A_392 = arith.constant 0 : i32
      %dma_wait3A_393 = tpu.memref_slice %arg9[%add3A_31, %dma_wait3A_392] : memref<10240x128xf32, #tpu.memory_space<vmem_shared>> -> memref<128x128xf32, #tpu.memory_space<vmem_shared>>
      tpu.wait_dma2 semaphore(%run_scoped3A : memref<!tpu.dma_semaphore, #tpu.memory_space<semaphore_mem>>) src(%arg7 : memref<128x128xf32, #tpu.memory_space<vmem>>) dst(%dma_wait3A_393 : memref<128x128xf32, #tpu.memory_space<vmem_shared>>)
      tpu.yield
    }) : () -> ()
    %barrier3A = arith.constant 0 : index
    tpu.barrier barrier_id(%barrier3A)
    %dma_wait3A = arith.constant 0 : i32
    %dma_wait3A_32 = arith.constant 0 : i32
    %dma_wait3A_33 = tpu.memref_slice %arg3[%add3A_6, %dma_wait3A, %dma_wait3A_32] : memref<2510x2x128xi32, #tpu.memory_space<hbm>> -> memref<8x2x128xi32, #tpu.memory_space<hbm>>
    %dma_wait3A_34 = arith.constant 0 : i32
    %dma_wait3A_35 = arith.constant 0 : i32
    %dma_wait3A_36 = tpu.memref_slice %arg3[%add3A_6, %dma_wait3A_34, %dma_wait3A_35] : memref<2510x2x128xi32, #tpu.memory_space<hbm>> -> memref<8x2x128xi32, #tpu.memory_space<hbm>>
    tpu.wait_dma2 semaphore(%arg14 : memref<!tpu.dma_semaphore, #tpu.memory_space<semaphore_mem>>) src(%dma_wait3A_36 : memref<8x2x128xi32, #tpu.memory_space<hbm>>) dst(%arg5 : memref<8x2x128xi32, #tpu.memory_space<vmem>>)
    %dma_start3A_37 = arith.constant 0 : i32
    %dma_start3A_38 = arith.constant 0 : i32
    %dma_start3A_39 = arith.constant 0 : i32
    %dma_start3A_40 = tpu.memref_slice %arg5[%dma_start3A_37, %dma_start3A_38, %dma_start3A_39] : memref<8x2x128xi32, #tpu.memory_space<vmem>> -> memref<1x1x128xi32, #tpu.memory_space<vmem>>
    %dma_start3A_41 = tpu.memref_squeeze %dma_start3A_40 : memref<1x1x128xi32, #tpu.memory_space<vmem>> -> memref<128xi32, #tpu.memory_space<vmem>>
    %dma_start3A_42 = arith.constant 0 : i32
    %dma_start3A_43 = arith.constant 0 : i32
    %dma_start3A_44 = tpu.memref_slice %arg2[%dma_start3A_42, %dma_start3A_43] : memref<10000x128xf32, #tpu.memory_space<hbm>> -> memref<10000x128xf32, #tpu.memory_space<hbm>>
    tpu.enqueue_indirect_dma source(%dma_start3A_44 : memref<10000x128xf32, #tpu.memory_space<hbm>>) target(%arg7 : memref<128x128xf32, #tpu.memory_space<vmem>>) offsets(%dma_start3A_41 : memref<128xi32, #tpu.memory_space<vmem>>) semaphore(%arg10 : memref<!tpu.dma_semaphore, #tpu.memory_space<semaphore_mem>>)
    %add3A_45 = arith.constant 0 : i32
    %add3A_46 = arith.addi %add3A_6, %add3A_45 : i32
    %add3A_47 = arith.constant 0 : i32
    %add3A_48 = arith.addi %add3A_46, %add3A_47 : i32
    %lt3A_49 = arith.cmpi slt, %add3A_48, %add3A_11 : i32
    %convert_element_type3A = arith.extui %lt3A_49 : i1 to i32
    %cond3A = arith.constant 0 : i32
    %cond3A_50 = arith.cmpi ne, %convert_element_type3A, %cond3A : i32
    scf.if %cond3A_50 {
      %dma_wait3A_386 = arith.constant 0 : i32
      %dma_wait3A_387 = arith.constant 0 : i32
      %dma_wait3A_388 = arith.constant 0 : i32
      %dma_wait3A_389 = tpu.memref_slice %arg5[%dma_wait3A_386, %dma_wait3A_387, %dma_wait3A_388] : memref<8x2x128xi32, #tpu.memory_space<vmem>> -> memref<1x1x128xi32, #tpu.memory_space<vmem>>
      %dma_wait3A_390 = tpu.memref_squeeze %dma_wait3A_389 : memref<1x1x128xi32, #tpu.memory_space<vmem>> -> memref<128xi32, #tpu.memory_space<vmem>>
      %dma_wait3A_391 = arith.constant 0 : i32
      %dma_wait3A_392 = arith.constant 0 : i32
      %dma_wait3A_393 = tpu.memref_slice %arg2[%dma_wait3A_391, %dma_wait3A_392] : memref<10000x128xf32, #tpu.memory_space<hbm>> -> memref<10000x128xf32, #tpu.memory_space<hbm>>
      tpu.wait_indirect_dma semaphore(%arg10 : memref<!tpu.dma_semaphore, #tpu.memory_space<semaphore_mem>>) src(%dma_wait3A_393 : memref<10000x128xf32, #tpu.memory_space<hbm>>) dst(%arg7 : memref<128x128xf32, #tpu.memory_space<vmem>>)
    } else {
    }
    %lt3A_51 = arith.cmpi slt, %add3A_48, %add3A_11 : i32
    %convert_element_type3A_52 = arith.extui %lt3A_51 : i1 to i32
    %cond3A_53 = arith.constant 0 : i32
    %cond3A_54 = arith.cmpi ne, %convert_element_type3A_52, %cond3A_53 : i32
    scf.if %cond3A_54 {
      %dma_start3A_386 = arith.constant 0 : i32
      %dma_start3A_387 = arith.constant 1 : i32
      %dma_start3A_388 = arith.constant 0 : i32
      %dma_start3A_389 = tpu.memref_slice %arg5[%dma_start3A_386, %dma_start3A_387, %dma_start3A_388] : memref<8x2x128xi32, #tpu.memory_space<vmem>> -> memref<1x1x128xi32, #tpu.memory_space<vmem>>
      %dma_start3A_390 = tpu.memref_squeeze %dma_start3A_389 : memref<1x1x128xi32, #tpu.memory_space<vmem>> -> memref<128xi32, #tpu.memory_space<vmem>>
      %dma_start3A_391 = arith.constant 0 : i32
      %dma_start3A_392 = arith.constant 0 : i32
      %dma_start3A_393 = tpu.memref_slice %arg9[%dma_start3A_391, %dma_start3A_392] : memref<10240x128xf32, #tpu.memory_space<vmem_shared>> -> memref<10240x128xf32, #tpu.memory_space<vmem_shared>>
      tpu.enqueue_indirect_dma source(%arg7 : memref<128x128xf32, #tpu.memory_space<vmem>>) target(%dma_start3A_393 : memref<10240x128xf32, #tpu.memory_space<vmem_shared>>) offsets(%dma_start3A_390 : memref<128xi32, #tpu.memory_space<vmem>>) semaphore(%arg12 : memref<!tpu.dma_semaphore, #tpu.memory_space<semaphore_mem>>) {add = true}
    } else {
    }
    %add3A_55 = arith.constant 1 : i32
    %add3A_56 = arith.addi %add3A_48, %add3A_55 : i32
    %lt3A_57 = arith.cmpi slt, %add3A_56, %add3A_11 : i32
    %convert_element_type3A_58 = arith.extui %lt3A_57 : i1 to i32
    %cond3A_59 = arith.constant 0 : i32
    %cond3A_60 = arith.cmpi ne, %convert_element_type3A_58, %cond3A_59 : i32
    scf.if %cond3A_60 {
      %dma_start3A_386 = arith.constant 1 : i32
      %dma_start3A_387 = arith.constant 0 : i32
      %dma_start3A_388 = arith.constant 0 : i32
      %dma_start3A_389 = tpu.memref_slice %arg5[%dma_start3A_386, %dma_start3A_387, %dma_start3A_388] : memref<8x2x128xi32, #tpu.memory_space<vmem>> -> memref<1x1x128xi32, #tpu.memory_space<vmem>>
      %dma_start3A_390 = tpu.memref_squeeze %dma_start3A_389 : memref<1x1x128xi32, #tpu.memory_space<vmem>> -> memref<128xi32, #tpu.memory_space<vmem>>
      %dma_start3A_391 = arith.constant 0 : i32
      %dma_start3A_392 = arith.constant 0 : i32
      %dma_start3A_393 = tpu.memref_slice %arg2[%dma_start3A_391, %dma_start3A_392] : memref<10000x128xf32, #tpu.memory_space<hbm>> -> memref<10000x128xf32, #tpu.memory_space<hbm>>
      tpu.enqueue_indirect_dma source(%dma_start3A_393 : memref<10000x128xf32, #tpu.memory_space<hbm>>) target(%arg8 : memref<128x128xf32, #tpu.memory_space<vmem>>) offsets(%dma_start3A_390 : memref<128xi32, #tpu.memory_space<vmem>>) semaphore(%arg11 : memref<!tpu.dma_semaphore, #tpu.memory_space<semaphore_mem>>)
    } else {
    }
    %add3A_61 = arith.constant 0 : i32
    %add3A_62 = arith.addi %add3A_6, %add3A_61 : i32
    %add3A_63 = arith.constant 1 : i32
    %add3A_64 = arith.addi %add3A_62, %add3A_63 : i32
    %lt3A_65 = arith.cmpi slt, %add3A_64, %add3A_11 : i32
    %convert_element_type3A_66 = arith.extui %lt3A_65 : i1 to i32
    %cond3A_67 = arith.constant 0 : i32
    %cond3A_68 = arith.cmpi ne, %convert_element_type3A_66, %cond3A_67 : i32
    scf.if %cond3A_68 {
      %dma_wait3A_386 = arith.constant 1 : i32
      %dma_wait3A_387 = arith.constant 0 : i32
      %dma_wait3A_388 = arith.constant 0 : i32
      %dma_wait3A_389 = tpu.memref_slice %arg5[%dma_wait3A_386, %dma_wait3A_387, %dma_wait3A_388] : memref<8x2x128xi32, #tpu.memory_space<vmem>> -> memref<1x1x128xi32, #tpu.memory_space<vmem>>
      %dma_wait3A_390 = tpu.memref_squeeze %dma_wait3A_389 : memref<1x1x128xi32, #tpu.memory_space<vmem>> -> memref<128xi32, #tpu.memory_space<vmem>>
      %dma_wait3A_391 = arith.constant 0 : i32
      %dma_wait3A_392 = arith.constant 0 : i32
      %dma_wait3A_393 = tpu.memref_slice %arg2[%dma_wait3A_391, %dma_wait3A_392] : memref<10000x128xf32, #tpu.memory_space<hbm>> -> memref<10000x128xf32, #tpu.memory_space<hbm>>
      tpu.wait_indirect_dma semaphore(%arg11 : memref<!tpu.dma_semaphore, #tpu.memory_space<semaphore_mem>>) src(%dma_wait3A_393 : memref<10000x128xf32, #tpu.memory_space<hbm>>) dst(%arg8 : memref<128x128xf32, #tpu.memory_space<vmem>>)
    } else {
    }
    %lt3A_69 = arith.cmpi slt, %add3A_64, %add3A_11 : i32
    %convert_element_type3A_70 = arith.extui %lt3A_69 : i1 to i32
    %cond3A_71 = arith.constant 0 : i32
    %cond3A_72 = arith.cmpi ne, %convert_element_type3A_70, %cond3A_71 : i32
    scf.if %cond3A_72 {
      %dma_start3A_386 = arith.constant 1 : i32
      %dma_start3A_387 = arith.constant 1 : i32
      %dma_start3A_388 = arith.constant 0 : i32
      %dma_start3A_389 = tpu.memref_slice %arg5[%dma_start3A_386, %dma_start3A_387, %dma_start3A_388] : memref<8x2x128xi32, #tpu.memory_space<vmem>> -> memref<1x1x128xi32, #tpu.memory_space<vmem>>
      %dma_start3A_390 = tpu.memref_squeeze %dma_start3A_389 : memref<1x1x128xi32, #tpu.memory_space<vmem>> -> memref<128xi32, #tpu.memory_space<vmem>>
      %dma_start3A_391 = arith.constant 0 : i32
      %dma_start3A_392 = arith.constant 0 : i32
      %dma_start3A_393 = tpu.memref_slice %arg9[%dma_start3A_391, %dma_start3A_392] : memref<10240x128xf32, #tpu.memory_space<vmem_shared>> -> memref<10240x128xf32, #tpu.memory_space<vmem_shared>>
      tpu.enqueue_indirect_dma source(%arg8 : memref<128x128xf32, #tpu.memory_space<vmem>>) target(%dma_start3A_393 : memref<10240x128xf32, #tpu.memory_space<vmem_shared>>) offsets(%dma_start3A_390 : memref<128xi32, #tpu.memory_space<vmem>>) semaphore(%arg13 : memref<!tpu.dma_semaphore, #tpu.memory_space<semaphore_mem>>) {add = true}
    } else {
    }
    %add3A_73 = arith.constant 8 : i32
    %add3A_74 = arith.addi %add3A_62, %add3A_73 : i32
    %dma_start3A_75 = arith.constant 0 : i32
    %dma_start3A_76 = arith.constant 0 : i32
    %dma_start3A_77 = tpu.memref_slice %arg3[%add3A_74, %dma_start3A_75, %dma_start3A_76] : memref<2510x2x128xi32, #tpu.memory_space<hbm>> -> memref<8x2x128xi32, #tpu.memory_space<hbm>>
    %dma_start3A_78 = arith.constant 0 : i32
    %dma_start3A_79 = arith.constant 0 : i32
    %dma_start3A_80 = tpu.memref_slice %arg3[%add3A_74, %dma_start3A_78, %dma_start3A_79] : memref<2510x2x128xi32, #tpu.memory_space<hbm>> -> memref<8x2x128xi32, #tpu.memory_space<hbm>>
    tpu.enqueue_dma source(%dma_start3A_80 : memref<8x2x128xi32, #tpu.memory_space<hbm>>) target(%arg6 : memref<8x2x128xi32, #tpu.memory_space<vmem>>) target_semaphore(%arg14 : memref<!tpu.dma_semaphore, #tpu.memory_space<semaphore_mem>>)
    %add3A_81 = arith.constant 1 : i32
    %add3A_82 = arith.addi %add3A_64, %add3A_81 : i32
    %lt3A_83 = arith.cmpi slt, %add3A_82, %add3A_11 : i32
    %convert_element_type3A_84 = arith.extui %lt3A_83 : i1 to i32
    %cond3A_85 = arith.constant 0 : i32
    %cond3A_86 = arith.cmpi ne, %convert_element_type3A_84, %cond3A_85 : i32
    scf.if %cond3A_86 {
      %dma_wait3A_386 = arith.constant 1 : i32
      %dma_wait3A_387 = arith.constant 1 : i32
      %dma_wait3A_388 = arith.constant 0 : i32
      %dma_wait3A_389 = tpu.memref_slice %arg5[%dma_wait3A_386, %dma_wait3A_387, %dma_wait3A_388] : memref<8x2x128xi32, #tpu.memory_space<vmem>> -> memref<1x1x128xi32, #tpu.memory_space<vmem>>
      %dma_wait3A_390 = tpu.memref_squeeze %dma_wait3A_389 : memref<1x1x128xi32, #tpu.memory_space<vmem>> -> memref<128xi32, #tpu.memory_space<vmem>>
      %dma_wait3A_391 = arith.constant 0 : i32
      %dma_wait3A_392 = arith.constant 0 : i32
      %dma_wait3A_393 = tpu.memref_slice %arg9[%dma_wait3A_391, %dma_wait3A_392] : memref<10240x128xf32, #tpu.memory_space<vmem_shared>> -> memref<10240x128xf32, #tpu.memory_space<vmem_shared>>
      tpu.wait_indirect_dma semaphore(%arg12 : memref<!tpu.dma_semaphore, #tpu.memory_space<semaphore_mem>>) src(%arg7 : memref<128x128xf32, #tpu.memory_space<vmem>>) dst(%dma_wait3A_393 : memref<10240x128xf32, #tpu.memory_space<vmem_shared>>)
      %dma_start3A_394 = arith.constant 2 : i32
      %dma_start3A_395 = arith.constant 0 : i32
      %dma_start3A_396 = arith.constant 0 : i32
      %dma_start3A_397 = tpu.memref_slice %arg5[%dma_start3A_394, %dma_start3A_395, %dma_start3A_396] : memref<8x2x128xi32, #tpu.memory_space<vmem>> -> memref<1x1x128xi32, #tpu.memory_space<vmem>>
      %dma_start3A_398 = tpu.memref_squeeze %dma_start3A_397 : memref<1x1x128xi32, #tpu.memory_space<vmem>> -> memref<128xi32, #tpu.memory_space<vmem>>
      %dma_start3A_399 = arith.constant 0 : i32
      %dma_start3A_400 = arith.constant 0 : i32
      %dma_start3A_401 = tpu.memref_slice %arg2[%dma_start3A_399, %dma_start3A_400] : memref<10000x128xf32, #tpu.memory_space<hbm>> -> memref<10000x128xf32, #tpu.memory_space<hbm>>
      tpu.enqueue_indirect_dma source(%dma_start3A_401 : memref<10000x128xf32, #tpu.memory_space<hbm>>) target(%arg7 : memref<128x128xf32, #tpu.memory_space<vmem>>) offsets(%dma_start3A_398 : memref<128xi32, #tpu.memory_space<vmem>>) semaphore(%arg10 : memref<!tpu.dma_semaphore, #tpu.memory_space<semaphore_mem>>)
    } else {
    }
    %add3A_87 = arith.constant 0 : i32
    %add3A_88 = arith.addi %add3A_6, %add3A_87 : i32
    %add3A_89 = arith.constant 2 : i32
    %add3A_90 = arith.addi %add3A_88, %add3A_89 : i32
    %lt3A_91 = arith.cmpi slt, %add3A_90, %add3A_11 : i32
    %convert_element_type3A_92 = arith.extui %lt3A_91 : i1 to i32
    %cond3A_93 = arith.constant 0 : i32
    %cond3A_94 = arith.cmpi ne, %convert_element_type3A_92, %cond3A_93 : i32
    scf.if %cond3A_94 {
      %dma_wait3A_386 = arith.constant 2 : i32
      %dma_wait3A_387 = arith.constant 0 : i32
      %dma_wait3A_388 = arith.constant 0 : i32
      %dma_wait3A_389 = tpu.memref_slice %arg5[%dma_wait3A_386, %dma_wait3A_387, %dma_wait3A_388] : memref<8x2x128xi32, #tpu.memory_space<vmem>> -> memref<1x1x128xi32, #tpu.memory_space<vmem>>
      %dma_wait3A_390 = tpu.memref_squeeze %dma_wait3A_389 : memref<1x1x128xi32, #tpu.memory_space<vmem>> -> memref<128xi32, #tpu.memory_space<vmem>>
      %dma_wait3A_391 = arith.constant 0 : i32
      %dma_wait3A_392 = arith.constant 0 : i32
      %dma_wait3A_393 = tpu.memref_slice %arg2[%dma_wait3A_391, %dma_wait3A_392] : memref<10000x128xf32, #tpu.memory_space<hbm>> -> memref<10000x128xf32, #tpu.memory_space<hbm>>
      tpu.wait_indirect_dma semaphore(%arg10 : memref<!tpu.dma_semaphore, #tpu.memory_space<semaphore_mem>>) src(%dma_wait3A_393 : memref<10000x128xf32, #tpu.memory_space<hbm>>) dst(%arg7 : memref<128x128xf32, #tpu.memory_space<vmem>>)
    } else {
    }
    %lt3A_95 = arith.cmpi slt, %add3A_90, %add3A_11 : i32
    %convert_element_type3A_96 = arith.extui %lt3A_95 : i1 to i32
    %cond3A_97 = arith.constant 0 : i32
    %cond3A_98 = arith.cmpi ne, %convert_element_type3A_96, %cond3A_97 : i32
    scf.if %cond3A_98 {
      %dma_start3A_386 = arith.constant 2 : i32
      %dma_start3A_387 = arith.constant 1 : i32
      %dma_start3A_388 = arith.constant 0 : i32
      %dma_start3A_389 = tpu.memref_slice %arg5[%dma_start3A_386, %dma_start3A_387, %dma_start3A_388] : memref<8x2x128xi32, #tpu.memory_space<vmem>> -> memref<1x1x128xi32, #tpu.memory_space<vmem>>
      %dma_start3A_390 = tpu.memref_squeeze %dma_start3A_389 : memref<1x1x128xi32, #tpu.memory_space<vmem>> -> memref<128xi32, #tpu.memory_space<vmem>>
      %dma_start3A_391 = arith.constant 0 : i32
      %dma_start3A_392 = arith.constant 0 : i32
      %dma_start3A_393 = tpu.memref_slice %arg9[%dma_start3A_391, %dma_start3A_392] : memref<10240x128xf32, #tpu.memory_space<vmem_shared>> -> memref<10240x128xf32, #tpu.memory_space<vmem_shared>>
      tpu.enqueue_indirect_dma source(%arg7 : memref<128x128xf32, #tpu.memory_space<vmem>>) target(%dma_start3A_393 : memref<10240x128xf32, #tpu.memory_space<vmem_shared>>) offsets(%dma_start3A_390 : memref<128xi32, #tpu.memory_space<vmem>>) semaphore(%arg12 : memref<!tpu.dma_semaphore, #tpu.memory_space<semaphore_mem>>) {add = true}
    } else {
    }
    %add3A_99 = arith.constant 1 : i32
    %add3A_100 = arith.addi %add3A_90, %add3A_99 : i32
    %lt3A_101 = arith.cmpi slt, %add3A_100, %add3A_11 : i32
    %convert_element_type3A_102 = arith.extui %lt3A_101 : i1 to i32
    %cond3A_103 = arith.constant 0 : i32
    %cond3A_104 = arith.cmpi ne, %convert_element_type3A_102, %cond3A_103 : i32
    scf.if %cond3A_104 {
      %dma_wait3A_386 = arith.constant 2 : i32
      %dma_wait3A_387 = arith.constant 1 : i32
      %dma_wait3A_388 = arith.constant 0 : i32
      %dma_wait3A_389 = tpu.memref_slice %arg5[%dma_wait3A_386, %dma_wait3A_387, %dma_wait3A_388] : memref<8x2x128xi32, #tpu.memory_space<vmem>> -> memref<1x1x128xi32, #tpu.memory_space<vmem>>
      %dma_wait3A_390 = tpu.memref_squeeze %dma_wait3A_389 : memref<1x1x128xi32, #tpu.memory_space<vmem>> -> memref<128xi32, #tpu.memory_space<vmem>>
      %dma_wait3A_391 = arith.constant 0 : i32
      %dma_wait3A_392 = arith.constant 0 : i32
      %dma_wait3A_393 = tpu.memref_slice %arg9[%dma_wait3A_391, %dma_wait3A_392] : memref<10240x128xf32, #tpu.memory_space<vmem_shared>> -> memref<10240x128xf32, #tpu.memory_space<vmem_shared>>
      tpu.wait_indirect_dma semaphore(%arg13 : memref<!tpu.dma_semaphore, #tpu.memory_space<semaphore_mem>>) src(%arg8 : memref<128x128xf32, #tpu.memory_space<vmem>>) dst(%dma_wait3A_393 : memref<10240x128xf32, #tpu.memory_space<vmem_shared>>)
      %dma_start3A_394 = arith.constant 3 : i32
      %dma_start3A_395 = arith.constant 0 : i32
      %dma_start3A_396 = arith.constant 0 : i32
      %dma_start3A_397 = tpu.memref_slice %arg5[%dma_start3A_394, %dma_start3A_395, %dma_start3A_396] : memref<8x2x128xi32, #tpu.memory_space<vmem>> -> memref<1x1x128xi32, #tpu.memory_space<vmem>>
      %dma_start3A_398 = tpu.memref_squeeze %dma_start3A_397 : memref<1x1x128xi32, #tpu.memory_space<vmem>> -> memref<128xi32, #tpu.memory_space<vmem>>
      %dma_start3A_399 = arith.constant 0 : i32
      %dma_start3A_400 = arith.constant 0 : i32
      %dma_start3A_401 = tpu.memref_slice %arg2[%dma_start3A_399, %dma_start3A_400] : memref<10000x128xf32, #tpu.memory_space<hbm>> -> memref<10000x128xf32, #tpu.memory_space<hbm>>
      tpu.enqueue_indirect_dma source(%dma_start3A_401 : memref<10000x128xf32, #tpu.memory_space<hbm>>) target(%arg8 : memref<128x128xf32, #tpu.memory_space<vmem>>) offsets(%dma_start3A_398 : memref<128xi32, #tpu.memory_space<vmem>>) semaphore(%arg11 : memref<!tpu.dma_semaphore, #tpu.memory_space<semaphore_mem>>)
    } else {
    }
    %add3A_105 = arith.constant 0 : i32
    %add3A_106 = arith.addi %add3A_6, %add3A_105 : i32
    %add3A_107 = arith.constant 3 : i32
    %add3A_108 = arith.addi %add3A_106, %add3A_107 : i32
    %lt3A_109 = arith.cmpi slt, %add3A_108, %add3A_11 : i32
    %convert_element_type3A_110 = arith.extui %lt3A_109 : i1 to i32
    %cond3A_111 = arith.constant 0 : i32
    %cond3A_112 = arith.cmpi ne, %convert_element_type3A_110, %cond3A_111 : i32
    scf.if %cond3A_112 {
      %dma_wait3A_386 = arith.constant 3 : i32
      %dma_wait3A_387 = arith.constant 0 : i32
      %dma_wait3A_388 = arith.constant 0 : i32
      %dma_wait3A_389 = tpu.memref_slice %arg5[%dma_wait3A_386, %dma_wait3A_387, %dma_wait3A_388] : memref<8x2x128xi32, #tpu.memory_space<vmem>> -> memref<1x1x128xi32, #tpu.memory_space<vmem>>
      %dma_wait3A_390 = tpu.memref_squeeze %dma_wait3A_389 : memref<1x1x128xi32, #tpu.memory_space<vmem>> -> memref<128xi32, #tpu.memory_space<vmem>>
      %dma_wait3A_391 = arith.constant 0 : i32
      %dma_wait3A_392 = arith.constant 0 : i32
      %dma_wait3A_393 = tpu.memref_slice %arg2[%dma_wait3A_391, %dma_wait3A_392] : memref<10000x128xf32, #tpu.memory_space<hbm>> -> memref<10000x128xf32, #tpu.memory_space<hbm>>
      tpu.wait_indirect_dma semaphore(%arg11 : memref<!tpu.dma_semaphore, #tpu.memory_space<semaphore_mem>>) src(%dma_wait3A_393 : memref<10000x128xf32, #tpu.memory_space<hbm>>) dst(%arg8 : memref<128x128xf32, #tpu.memory_space<vmem>>)
    } else {
    }
    %lt3A_113 = arith.cmpi slt, %add3A_108, %add3A_11 : i32
    %convert_element_type3A_114 = arith.extui %lt3A_113 : i1 to i32
    %cond3A_115 = arith.constant 0 : i32
    %cond3A_116 = arith.cmpi ne, %convert_element_type3A_114, %cond3A_115 : i32
    scf.if %cond3A_116 {
      %dma_start3A_386 = arith.constant 3 : i32
      %dma_start3A_387 = arith.constant 1 : i32
      %dma_start3A_388 = arith.constant 0 : i32
      %dma_start3A_389 = tpu.memref_slice %arg5[%dma_start3A_386, %dma_start3A_387, %dma_start3A_388] : memref<8x2x128xi32, #tpu.memory_space<vmem>> -> memref<1x1x128xi32, #tpu.memory_space<vmem>>
      %dma_start3A_390 = tpu.memref_squeeze %dma_start3A_389 : memref<1x1x128xi32, #tpu.memory_space<vmem>> -> memref<128xi32, #tpu.memory_space<vmem>>
      %dma_start3A_391 = arith.constant 0 : i32
      %dma_start3A_392 = arith.constant 0 : i32
      %dma_start3A_393 = tpu.memref_slice %arg9[%dma_start3A_391, %dma_start3A_392] : memref<10240x128xf32, #tpu.memory_space<vmem_shared>> -> memref<10240x128xf32, #tpu.memory_space<vmem_shared>>
      tpu.enqueue_indirect_dma source(%arg8 : memref<128x128xf32, #tpu.memory_space<vmem>>) target(%dma_start3A_393 : memref<10240x128xf32, #tpu.memory_space<vmem_shared>>) offsets(%dma_start3A_390 : memref<128xi32, #tpu.memory_space<vmem>>) semaphore(%arg13 : memref<!tpu.dma_semaphore, #tpu.memory_space<semaphore_mem>>) {add = true}
    } else {
    }
    %add3A_117 = arith.constant 1 : i32
    %add3A_118 = arith.addi %add3A_108, %add3A_117 : i32
    %lt3A_119 = arith.cmpi slt, %add3A_118, %add3A_11 : i32
    %convert_element_type3A_120 = arith.extui %lt3A_119 : i1 to i32
    %cond3A_121 = arith.constant 0 : i32
    %cond3A_122 = arith.cmpi ne, %convert_element_type3A_120, %cond3A_121 : i32
    scf.if %cond3A_122 {
      %dma_wait3A_386 = arith.constant 3 : i32
      %dma_wait3A_387 = arith.constant 1 : i32
      %dma_wait3A_388 = arith.constant 0 : i32
      %dma_wait3A_389 = tpu.memref_slice %arg5[%dma_wait3A_386, %dma_wait3A_387, %dma_wait3A_388] : memref<8x2x128xi32, #tpu.memory_space<vmem>> -> memref<1x1x128xi32, #tpu.memory_space<vmem>>
      %dma_wait3A_390 = tpu.memref_squeeze %dma_wait3A_389 : memref<1x1x128xi32, #tpu.memory_space<vmem>> -> memref<128xi32, #tpu.memory_space<vmem>>
      %dma_wait3A_391 = arith.constant 0 : i32
      %dma_wait3A_392 = arith.constant 0 : i32
      %dma_wait3A_393 = tpu.memref_slice %arg9[%dma_wait3A_391, %dma_wait3A_392] : memref<10240x128xf32, #tpu.memory_space<vmem_shared>> -> memref<10240x128xf32, #tpu.memory_space<vmem_shared>>
      tpu.wait_indirect_dma semaphore(%arg12 : memref<!tpu.dma_semaphore, #tpu.memory_space<semaphore_mem>>) src(%arg7 : memref<128x128xf32, #tpu.memory_space<vmem>>) dst(%dma_wait3A_393 : memref<10240x128xf32, #tpu.memory_space<vmem_shared>>)
      %dma_start3A_394 = arith.constant 4 : i32
      %dma_start3A_395 = arith.constant 0 : i32
      %dma_start3A_396 = arith.constant 0 : i32
      %dma_start3A_397 = tpu.memref_slice %arg5[%dma_start3A_394, %dma_start3A_395, %dma_start3A_396] : memref<8x2x128xi32, #tpu.memory_space<vmem>> -> memref<1x1x128xi32, #tpu.memory_space<vmem>>
      %dma_start3A_398 = tpu.memref_squeeze %dma_start3A_397 : memref<1x1x128xi32, #tpu.memory_space<vmem>> -> memref<128xi32, #tpu.memory_space<vmem>>
      %dma_start3A_399 = arith.constant 0 : i32
      %dma_start3A_400 = arith.constant 0 : i32
      %dma_start3A_401 = tpu.memref_slice %arg2[%dma_start3A_399, %dma_start3A_400] : memref<10000x128xf32, #tpu.memory_space<hbm>> -> memref<10000x128xf32, #tpu.memory_space<hbm>>
      tpu.enqueue_indirect_dma source(%dma_start3A_401 : memref<10000x128xf32, #tpu.memory_space<hbm>>) target(%arg7 : memref<128x128xf32, #tpu.memory_space<vmem>>) offsets(%dma_start3A_398 : memref<128xi32, #tpu.memory_space<vmem>>) semaphore(%arg10 : memref<!tpu.dma_semaphore, #tpu.memory_space<semaphore_mem>>)
    } else {
    }
    %add3A_123 = arith.constant 0 : i32
    %add3A_124 = arith.addi %add3A_6, %add3A_123 : i32
    %add3A_125 = arith.constant 4 : i32
    %add3A_126 = arith.addi %add3A_124, %add3A_125 : i32
    %lt3A_127 = arith.cmpi slt, %add3A_126, %add3A_11 : i32
    %convert_element_type3A_128 = arith.extui %lt3A_127 : i1 to i32
    %cond3A_129 = arith.constant 0 : i32
    %cond3A_130 = arith.cmpi ne, %convert_element_type3A_128, %cond3A_129 : i32
    scf.if %cond3A_130 {
      %dma_wait3A_386 = arith.constant 4 : i32
      %dma_wait3A_387 = arith.constant 0 : i32
      %dma_wait3A_388 = arith.constant 0 : i32
      %dma_wait3A_389 = tpu.memref_slice %arg5[%dma_wait3A_386, %dma_wait3A_387, %dma_wait3A_388] : memref<8x2x128xi32, #tpu.memory_space<vmem>> -> memref<1x1x128xi32, #tpu.memory_space<vmem>>
      %dma_wait3A_390 = tpu.memref_squeeze %dma_wait3A_389 : memref<1x1x128xi32, #tpu.memory_space<vmem>> -> memref<128xi32, #tpu.memory_space<vmem>>
      %dma_wait3A_391 = arith.constant 0 : i32
      %dma_wait3A_392 = arith.constant 0 : i32
      %dma_wait3A_393 = tpu.memref_slice %arg2[%dma_wait3A_391, %dma_wait3A_392] : memref<10000x128xf32, #tpu.memory_space<hbm>> -> memref<10000x128xf32, #tpu.memory_space<hbm>>
      tpu.wait_indirect_dma semaphore(%arg10 : memref<!tpu.dma_semaphore, #tpu.memory_space<semaphore_mem>>) src(%dma_wait3A_393 : memref<10000x128xf32, #tpu.memory_space<hbm>>) dst(%arg7 : memref<128x128xf32, #tpu.memory_space<vmem>>)
    } else {
    }
    %lt3A_131 = arith.cmpi slt, %add3A_126, %add3A_11 : i32
    %convert_element_type3A_132 = arith.extui %lt3A_131 : i1 to i32
    %cond3A_133 = arith.constant 0 : i32
    %cond3A_134 = arith.cmpi ne, %convert_element_type3A_132, %cond3A_133 : i32
    scf.if %cond3A_134 {
      %dma_start3A_386 = arith.constant 4 : i32
      %dma_start3A_387 = arith.constant 1 : i32
      %dma_start3A_388 = arith.constant 0 : i32
      %dma_start3A_389 = tpu.memref_slice %arg5[%dma_start3A_386, %dma_start3A_387, %dma_start3A_388] : memref<8x2x128xi32, #tpu.memory_space<vmem>> -> memref<1x1x128xi32, #tpu.memory_space<vmem>>
      %dma_start3A_390 = tpu.memref_squeeze %dma_start3A_389 : memref<1x1x128xi32, #tpu.memory_space<vmem>> -> memref<128xi32, #tpu.memory_space<vmem>>
      %dma_start3A_391 = arith.constant 0 : i32
      %dma_start3A_392 = arith.constant 0 : i32
      %dma_start3A_393 = tpu.memref_slice %arg9[%dma_start3A_391, %dma_start3A_392] : memref<10240x128xf32, #tpu.memory_space<vmem_shared>> -> memref<10240x128xf32, #tpu.memory_space<vmem_shared>>
      tpu.enqueue_indirect_dma source(%arg7 : memref<128x128xf32, #tpu.memory_space<vmem>>) target(%dma_start3A_393 : memref<10240x128xf32, #tpu.memory_space<vmem_shared>>) offsets(%dma_start3A_390 : memref<128xi32, #tpu.memory_space<vmem>>) semaphore(%arg12 : memref<!tpu.dma_semaphore, #tpu.memory_space<semaphore_mem>>) {add = true}
    } else {
    }
    %add3A_135 = arith.constant 1 : i32
    %add3A_136 = arith.addi %add3A_126, %add3A_135 : i32
    %lt3A_137 = arith.cmpi slt, %add3A_136, %add3A_11 : i32
    %convert_element_type3A_138 = arith.extui %lt3A_137 : i1 to i32
    %cond3A_139 = arith.constant 0 : i32
    %cond3A_140 = arith.cmpi ne, %convert_element_type3A_138, %cond3A_139 : i32
    scf.if %cond3A_140 {
      %dma_wait3A_386 = arith.constant 4 : i32
      %dma_wait3A_387 = arith.constant 1 : i32
      %dma_wait3A_388 = arith.constant 0 : i32
      %dma_wait3A_389 = tpu.memref_slice %arg5[%dma_wait3A_386, %dma_wait3A_387, %dma_wait3A_388] : memref<8x2x128xi32, #tpu.memory_space<vmem>> -> memref<1x1x128xi32, #tpu.memory_space<vmem>>
      %dma_wait3A_390 = tpu.memref_squeeze %dma_wait3A_389 : memref<1x1x128xi32, #tpu.memory_space<vmem>> -> memref<128xi32, #tpu.memory_space<vmem>>
      %dma_wait3A_391 = arith.constant 0 : i32
      %dma_wait3A_392 = arith.constant 0 : i32
      %dma_wait3A_393 = tpu.memref_slice %arg9[%dma_wait3A_391, %dma_wait3A_392] : memref<10240x128xf32, #tpu.memory_space<vmem_shared>> -> memref<10240x128xf32, #tpu.memory_space<vmem_shared>>
      tpu.wait_indirect_dma semaphore(%arg13 : memref<!tpu.dma_semaphore, #tpu.memory_space<semaphore_mem>>) src(%arg8 : memref<128x128xf32, #tpu.memory_space<vmem>>) dst(%dma_wait3A_393 : memref<10240x128xf32, #tpu.memory_space<vmem_shared>>)
      %dma_start3A_394 = arith.constant 5 : i32
      %dma_start3A_395 = arith.constant 0 : i32
      %dma_start3A_396 = arith.constant 0 : i32
      %dma_start3A_397 = tpu.memref_slice %arg5[%dma_start3A_394, %dma_start3A_395, %dma_start3A_396] : memref<8x2x128xi32, #tpu.memory_space<vmem>> -> memref<1x1x128xi32, #tpu.memory_space<vmem>>
      %dma_start3A_398 = tpu.memref_squeeze %dma_start3A_397 : memref<1x1x128xi32, #tpu.memory_space<vmem>> -> memref<128xi32, #tpu.memory_space<vmem>>
      %dma_start3A_399 = arith.constant 0 : i32
      %dma_start3A_400 = arith.constant 0 : i32
      %dma_start3A_401 = tpu.memref_slice %arg2[%dma_start3A_399, %dma_start3A_400] : memref<10000x128xf32, #tpu.memory_space<hbm>> -> memref<10000x128xf32, #tpu.memory_space<hbm>>
      tpu.enqueue_indirect_dma source(%dma_start3A_401 : memref<10000x128xf32, #tpu.memory_space<hbm>>) target(%arg8 : memref<128x128xf32, #tpu.memory_space<vmem>>) offsets(%dma_start3A_398 : memref<128xi32, #tpu.memory_space<vmem>>) semaphore(%arg11 : memref<!tpu.dma_semaphore, #tpu.memory_space<semaphore_mem>>)
    } else {
    }
    %add3A_141 = arith.constant 0 : i32
    %add3A_142 = arith.addi %add3A_6, %add3A_141 : i32
    %add3A_143 = arith.constant 5 : i32
    %add3A_144 = arith.addi %add3A_142, %add3A_143 : i32
    %lt3A_145 = arith.cmpi slt, %add3A_144, %add3A_11 : i32
    %convert_element_type3A_146 = arith.extui %lt3A_145 : i1 to i32
    %cond3A_147 = arith.constant 0 : i32
    %cond3A_148 = arith.cmpi ne, %convert_element_type3A_146, %cond3A_147 : i32
    scf.if %cond3A_148 {
      %dma_wait3A_386 = arith.constant 5 : i32
      %dma_wait3A_387 = arith.constant 0 : i32
      %dma_wait3A_388 = arith.constant 0 : i32
      %dma_wait3A_389 = tpu.memref_slice %arg5[%dma_wait3A_386, %dma_wait3A_387, %dma_wait3A_388] : memref<8x2x128xi32, #tpu.memory_space<vmem>> -> memref<1x1x128xi32, #tpu.memory_space<vmem>>
      %dma_wait3A_390 = tpu.memref_squeeze %dma_wait3A_389 : memref<1x1x128xi32, #tpu.memory_space<vmem>> -> memref<128xi32, #tpu.memory_space<vmem>>
      %dma_wait3A_391 = arith.constant 0 : i32
      %dma_wait3A_392 = arith.constant 0 : i32
      %dma_wait3A_393 = tpu.memref_slice %arg2[%dma_wait3A_391, %dma_wait3A_392] : memref<10000x128xf32, #tpu.memory_space<hbm>> -> memref<10000x128xf32, #tpu.memory_space<hbm>>
      tpu.wait_indirect_dma semaphore(%arg11 : memref<!tpu.dma_semaphore, #tpu.memory_space<semaphore_mem>>) src(%dma_wait3A_393 : memref<10000x128xf32, #tpu.memory_space<hbm>>) dst(%arg8 : memref<128x128xf32, #tpu.memory_space<vmem>>)
    } else {
    }
    %lt3A_149 = arith.cmpi slt, %add3A_144, %add3A_11 : i32
    %convert_element_type3A_150 = arith.extui %lt3A_149 : i1 to i32
    %cond3A_151 = arith.constant 0 : i32
    %cond3A_152 = arith.cmpi ne, %convert_element_type3A_150, %cond3A_151 : i32
    scf.if %cond3A_152 {
      %dma_start3A_386 = arith.constant 5 : i32
      %dma_start3A_387 = arith.constant 1 : i32
      %dma_start3A_388 = arith.constant 0 : i32
      %dma_start3A_389 = tpu.memref_slice %arg5[%dma_start3A_386, %dma_start3A_387, %dma_start3A_388] : memref<8x2x128xi32, #tpu.memory_space<vmem>> -> memref<1x1x128xi32, #tpu.memory_space<vmem>>
      %dma_start3A_390 = tpu.memref_squeeze %dma_start3A_389 : memref<1x1x128xi32, #tpu.memory_space<vmem>> -> memref<128xi32, #tpu.memory_space<vmem>>
      %dma_start3A_391 = arith.constant 0 : i32
      %dma_start3A_392 = arith.constant 0 : i32
      %dma_start3A_393 = tpu.memref_slice %arg9[%dma_start3A_391, %dma_start3A_392] : memref<10240x128xf32, #tpu.memory_space<vmem_shared>> -> memref<10240x128xf32, #tpu.memory_space<vmem_shared>>
      tpu.enqueue_indirect_dma source(%arg8 : memref<128x128xf32, #tpu.memory_space<vmem>>) target(%dma_start3A_393 : memref<10240x128xf32, #tpu.memory_space<vmem_shared>>) offsets(%dma_start3A_390 : memref<128xi32, #tpu.memory_space<vmem>>) semaphore(%arg13 : memref<!tpu.dma_semaphore, #tpu.memory_space<semaphore_mem>>) {add = true}
    } else {
    }
    %add3A_153 = arith.constant 1 : i32
    %add3A_154 = arith.addi %add3A_144, %add3A_153 : i32
    %lt3A_155 = arith.cmpi slt, %add3A_154, %add3A_11 : i32
    %convert_element_type3A_156 = arith.extui %lt3A_155 : i1 to i32
    %cond3A_157 = arith.constant 0 : i32
    %cond3A_158 = arith.cmpi ne, %convert_element_type3A_156, %cond3A_157 : i32
    scf.if %cond3A_158 {
      %dma_wait3A_386 = arith.constant 5 : i32
      %dma_wait3A_387 = arith.constant 1 : i32
      %dma_wait3A_388 = arith.constant 0 : i32
      %dma_wait3A_389 = tpu.memref_slice %arg5[%dma_wait3A_386, %dma_wait3A_387, %dma_wait3A_388] : memref<8x2x128xi32, #tpu.memory_space<vmem>> -> memref<1x1x128xi32, #tpu.memory_space<vmem>>
      %dma_wait3A_390 = tpu.memref_squeeze %dma_wait3A_389 : memref<1x1x128xi32, #tpu.memory_space<vmem>> -> memref<128xi32, #tpu.memory_space<vmem>>
      %dma_wait3A_391 = arith.constant 0 : i32
      %dma_wait3A_392 = arith.constant 0 : i32
      %dma_wait3A_393 = tpu.memref_slice %arg9[%dma_wait3A_391, %dma_wait3A_392] : memref<10240x128xf32, #tpu.memory_space<vmem_shared>> -> memref<10240x128xf32, #tpu.memory_space<vmem_shared>>
      tpu.wait_indirect_dma semaphore(%arg12 : memref<!tpu.dma_semaphore, #tpu.memory_space<semaphore_mem>>) src(%arg7 : memref<128x128xf32, #tpu.memory_space<vmem>>) dst(%dma_wait3A_393 : memref<10240x128xf32, #tpu.memory_space<vmem_shared>>)
      %dma_start3A_394 = arith.constant 6 : i32
      %dma_start3A_395 = arith.constant 0 : i32
      %dma_start3A_396 = arith.constant 0 : i32
      %dma_start3A_397 = tpu.memref_slice %arg5[%dma_start3A_394, %dma_start3A_395, %dma_start3A_396] : memref<8x2x128xi32, #tpu.memory_space<vmem>> -> memref<1x1x128xi32, #tpu.memory_space<vmem>>
      %dma_start3A_398 = tpu.memref_squeeze %dma_start3A_397 : memref<1x1x128xi32, #tpu.memory_space<vmem>> -> memref<128xi32, #tpu.memory_space<vmem>>
      %dma_start3A_399 = arith.constant 0 : i32
      %dma_start3A_400 = arith.constant 0 : i32
      %dma_start3A_401 = tpu.memref_slice %arg2[%dma_start3A_399, %dma_start3A_400] : memref<10000x128xf32, #tpu.memory_space<hbm>> -> memref<10000x128xf32, #tpu.memory_space<hbm>>
      tpu.enqueue_indirect_dma source(%dma_start3A_401 : memref<10000x128xf32, #tpu.memory_space<hbm>>) target(%arg7 : memref<128x128xf32, #tpu.memory_space<vmem>>) offsets(%dma_start3A_398 : memref<128xi32, #tpu.memory_space<vmem>>) semaphore(%arg10 : memref<!tpu.dma_semaphore, #tpu.memory_space<semaphore_mem>>)
    } else {
    }
    %add3A_159 = arith.constant 0 : i32
    %add3A_160 = arith.addi %add3A_6, %add3A_159 : i32
    %add3A_161 = arith.constant 6 : i32
    %add3A_162 = arith.addi %add3A_160, %add3A_161 : i32
    %lt3A_163 = arith.cmpi slt, %add3A_162, %add3A_11 : i32
    %convert_element_type3A_164 = arith.extui %lt3A_163 : i1 to i32
    %cond3A_165 = arith.constant 0 : i32
    %cond3A_166 = arith.cmpi ne, %convert_element_type3A_164, %cond3A_165 : i32
    scf.if %cond3A_166 {
      %dma_wait3A_386 = arith.constant 6 : i32
      %dma_wait3A_387 = arith.constant 0 : i32
      %dma_wait3A_388 = arith.constant 0 : i32
      %dma_wait3A_389 = tpu.memref_slice %arg5[%dma_wait3A_386, %dma_wait3A_387, %dma_wait3A_388] : memref<8x2x128xi32, #tpu.memory_space<vmem>> -> memref<1x1x128xi32, #tpu.memory_space<vmem>>
      %dma_wait3A_390 = tpu.memref_squeeze %dma_wait3A_389 : memref<1x1x128xi32, #tpu.memory_space<vmem>> -> memref<128xi32, #tpu.memory_space<vmem>>
      %dma_wait3A_391 = arith.constant 0 : i32
      %dma_wait3A_392 = arith.constant 0 : i32
      %dma_wait3A_393 = tpu.memref_slice %arg2[%dma_wait3A_391, %dma_wait3A_392] : memref<10000x128xf32, #tpu.memory_space<hbm>> -> memref<10000x128xf32, #tpu.memory_space<hbm>>
      tpu.wait_indirect_dma semaphore(%arg10 : memref<!tpu.dma_semaphore, #tpu.memory_space<semaphore_mem>>) src(%dma_wait3A_393 : memref<10000x128xf32, #tpu.memory_space<hbm>>) dst(%arg7 : memref<128x128xf32, #tpu.memory_space<vmem>>)
    } else {
    }
    %lt3A_167 = arith.cmpi slt, %add3A_162, %add3A_11 : i32
    %convert_element_type3A_168 = arith.extui %lt3A_167 : i1 to i32
    %cond3A_169 = arith.constant 0 : i32
    %cond3A_170 = arith.cmpi ne, %convert_element_type3A_168, %cond3A_169 : i32
    scf.if %cond3A_170 {
      %dma_start3A_386 = arith.constant 6 : i32
      %dma_start3A_387 = arith.constant 1 : i32
      %dma_start3A_388 = arith.constant 0 : i32
      %dma_start3A_389 = tpu.memref_slice %arg5[%dma_start3A_386, %dma_start3A_387, %dma_start3A_388] : memref<8x2x128xi32, #tpu.memory_space<vmem>> -> memref<1x1x128xi32, #tpu.memory_space<vmem>>
      %dma_start3A_390 = tpu.memref_squeeze %dma_start3A_389 : memref<1x1x128xi32, #tpu.memory_space<vmem>> -> memref<128xi32, #tpu.memory_space<vmem>>
      %dma_start3A_391 = arith.constant 0 : i32
      %dma_start3A_392 = arith.constant 0 : i32
      %dma_start3A_393 = tpu.memref_slice %arg9[%dma_start3A_391, %dma_start3A_392] : memref<10240x128xf32, #tpu.memory_space<vmem_shared>> -> memref<10240x128xf32, #tpu.memory_space<vmem_shared>>
      tpu.enqueue_indirect_dma source(%arg7 : memref<128x128xf32, #tpu.memory_space<vmem>>) target(%dma_start3A_393 : memref<10240x128xf32, #tpu.memory_space<vmem_shared>>) offsets(%dma_start3A_390 : memref<128xi32, #tpu.memory_space<vmem>>) semaphore(%arg12 : memref<!tpu.dma_semaphore, #tpu.memory_space<semaphore_mem>>) {add = true}
    } else {
    }
    %add3A_171 = arith.constant 1 : i32
    %add3A_172 = arith.addi %add3A_162, %add3A_171 : i32
    %lt3A_173 = arith.cmpi slt, %add3A_172, %add3A_11 : i32
    %convert_element_type3A_174 = arith.extui %lt3A_173 : i1 to i32
    %cond3A_175 = arith.constant 0 : i32
    %cond3A_176 = arith.cmpi ne, %convert_element_type3A_174, %cond3A_175 : i32
    scf.if %cond3A_176 {
      %dma_wait3A_386 = arith.constant 6 : i32
      %dma_wait3A_387 = arith.constant 1 : i32
      %dma_wait3A_388 = arith.constant 0 : i32
      %dma_wait3A_389 = tpu.memref_slice %arg5[%dma_wait3A_386, %dma_wait3A_387, %dma_wait3A_388] : memref<8x2x128xi32, #tpu.memory_space<vmem>> -> memref<1x1x128xi32, #tpu.memory_space<vmem>>
      %dma_wait3A_390 = tpu.memref_squeeze %dma_wait3A_389 : memref<1x1x128xi32, #tpu.memory_space<vmem>> -> memref<128xi32, #tpu.memory_space<vmem>>
      %dma_wait3A_391 = arith.constant 0 : i32
      %dma_wait3A_392 = arith.constant 0 : i32
      %dma_wait3A_393 = tpu.memref_slice %arg9[%dma_wait3A_391, %dma_wait3A_392] : memref<10240x128xf32, #tpu.memory_space<vmem_shared>> -> memref<10240x128xf32, #tpu.memory_space<vmem_shared>>
      tpu.wait_indirect_dma semaphore(%arg13 : memref<!tpu.dma_semaphore, #tpu.memory_space<semaphore_mem>>) src(%arg8 : memref<128x128xf32, #tpu.memory_space<vmem>>) dst(%dma_wait3A_393 : memref<10240x128xf32, #tpu.memory_space<vmem_shared>>)
      %dma_start3A_394 = arith.constant 7 : i32
      %dma_start3A_395 = arith.constant 0 : i32
      %dma_start3A_396 = arith.constant 0 : i32
      %dma_start3A_397 = tpu.memref_slice %arg5[%dma_start3A_394, %dma_start3A_395, %dma_start3A_396] : memref<8x2x128xi32, #tpu.memory_space<vmem>> -> memref<1x1x128xi32, #tpu.memory_space<vmem>>
      %dma_start3A_398 = tpu.memref_squeeze %dma_start3A_397 : memref<1x1x128xi32, #tpu.memory_space<vmem>> -> memref<128xi32, #tpu.memory_space<vmem>>
      %dma_start3A_399 = arith.constant 0 : i32
      %dma_start3A_400 = arith.constant 0 : i32
      %dma_start3A_401 = tpu.memref_slice %arg2[%dma_start3A_399, %dma_start3A_400] : memref<10000x128xf32, #tpu.memory_space<hbm>> -> memref<10000x128xf32, #tpu.memory_space<hbm>>
      tpu.enqueue_indirect_dma source(%dma_start3A_401 : memref<10000x128xf32, #tpu.memory_space<hbm>>) target(%arg8 : memref<128x128xf32, #tpu.memory_space<vmem>>) offsets(%dma_start3A_398 : memref<128xi32, #tpu.memory_space<vmem>>) semaphore(%arg11 : memref<!tpu.dma_semaphore, #tpu.memory_space<semaphore_mem>>)
    } else {
    }
    %add3A_177 = arith.constant 0 : i32
    %add3A_178 = arith.addi %add3A_6, %add3A_177 : i32
    %add3A_179 = arith.constant 7 : i32
    %add3A_180 = arith.addi %add3A_178, %add3A_179 : i32
    %lt3A_181 = arith.cmpi slt, %add3A_180, %add3A_11 : i32
    %convert_element_type3A_182 = arith.extui %lt3A_181 : i1 to i32
    %cond3A_183 = arith.constant 0 : i32
    %cond3A_184 = arith.cmpi ne, %convert_element_type3A_182, %cond3A_183 : i32
    scf.if %cond3A_184 {
      %dma_wait3A_386 = arith.constant 7 : i32
      %dma_wait3A_387 = arith.constant 0 : i32
      %dma_wait3A_388 = arith.constant 0 : i32
      %dma_wait3A_389 = tpu.memref_slice %arg5[%dma_wait3A_386, %dma_wait3A_387, %dma_wait3A_388] : memref<8x2x128xi32, #tpu.memory_space<vmem>> -> memref<1x1x128xi32, #tpu.memory_space<vmem>>
      %dma_wait3A_390 = tpu.memref_squeeze %dma_wait3A_389 : memref<1x1x128xi32, #tpu.memory_space<vmem>> -> memref<128xi32, #tpu.memory_space<vmem>>
      %dma_wait3A_391 = arith.constant 0 : i32
      %dma_wait3A_392 = arith.constant 0 : i32
      %dma_wait3A_393 = tpu.memref_slice %arg2[%dma_wait3A_391, %dma_wait3A_392] : memref<10000x128xf32, #tpu.memory_space<hbm>> -> memref<10000x128xf32, #tpu.memory_space<hbm>>
      tpu.wait_indirect_dma semaphore(%arg11 : memref<!tpu.dma_semaphore, #tpu.memory_space<semaphore_mem>>) src(%dma_wait3A_393 : memref<10000x128xf32, #tpu.memory_space<hbm>>) dst(%arg8 : memref<128x128xf32, #tpu.memory_space<vmem>>)
    } else {
    }
    %lt3A_185 = arith.cmpi slt, %add3A_180, %add3A_11 : i32
    %convert_element_type3A_186 = arith.extui %lt3A_185 : i1 to i32
    %cond3A_187 = arith.constant 0 : i32
    %cond3A_188 = arith.cmpi ne, %convert_element_type3A_186, %cond3A_187 : i32
    scf.if %cond3A_188 {
      %dma_start3A_386 = arith.constant 7 : i32
      %dma_start3A_387 = arith.constant 1 : i32
      %dma_start3A_388 = arith.constant 0 : i32
      %dma_start3A_389 = tpu.memref_slice %arg5[%dma_start3A_386, %dma_start3A_387, %dma_start3A_388] : memref<8x2x128xi32, #tpu.memory_space<vmem>> -> memref<1x1x128xi32, #tpu.memory_space<vmem>>
      %dma_start3A_390 = tpu.memref_squeeze %dma_start3A_389 : memref<1x1x128xi32, #tpu.memory_space<vmem>> -> memref<128xi32, #tpu.memory_space<vmem>>
      %dma_start3A_391 = arith.constant 0 : i32
      %dma_start3A_392 = arith.constant 0 : i32
      %dma_start3A_393 = tpu.memref_slice %arg9[%dma_start3A_391, %dma_start3A_392] : memref<10240x128xf32, #tpu.memory_space<vmem_shared>> -> memref<10240x128xf32, #tpu.memory_space<vmem_shared>>
      tpu.enqueue_indirect_dma source(%arg8 : memref<128x128xf32, #tpu.memory_space<vmem>>) target(%dma_start3A_393 : memref<10240x128xf32, #tpu.memory_space<vmem_shared>>) offsets(%dma_start3A_390 : memref<128xi32, #tpu.memory_space<vmem>>) semaphore(%arg13 : memref<!tpu.dma_semaphore, #tpu.memory_space<semaphore_mem>>) {add = true}
    } else {
    }
    %add3A_189 = arith.constant 8 : i32
    %add3A_190 = arith.addi %add3A_178, %add3A_189 : i32
    %dma_wait3A_191 = arith.constant 0 : i32
    %dma_wait3A_192 = arith.constant 0 : i32
    %dma_wait3A_193 = tpu.memref_slice %arg3[%add3A_190, %dma_wait3A_191, %dma_wait3A_192] : memref<2510x2x128xi32, #tpu.memory_space<hbm>> -> memref<8x2x128xi32, #tpu.memory_space<hbm>>
    %dma_wait3A_194 = arith.constant 0 : i32
    %dma_wait3A_195 = arith.constant 0 : i32
    %dma_wait3A_196 = tpu.memref_slice %arg3[%add3A_190, %dma_wait3A_194, %dma_wait3A_195] : memref<2510x2x128xi32, #tpu.memory_space<hbm>> -> memref<8x2x128xi32, #tpu.memory_space<hbm>>
    tpu.wait_dma2 semaphore(%arg14 : memref<!tpu.dma_semaphore, #tpu.memory_space<semaphore_mem>>) src(%dma_wait3A_196 : memref<8x2x128xi32, #tpu.memory_space<hbm>>) dst(%arg6 : memref<8x2x128xi32, #tpu.memory_space<vmem>>)
    %add3A_197 = arith.constant 1 : i32
    %add3A_198 = arith.addi %add3A_180, %add3A_197 : i32
    %lt3A_199 = arith.cmpi slt, %add3A_198, %add3A_11 : i32
    %convert_element_type3A_200 = arith.extui %lt3A_199 : i1 to i32
    %cond3A_201 = arith.constant 0 : i32
    %cond3A_202 = arith.cmpi ne, %convert_element_type3A_200, %cond3A_201 : i32
    scf.if %cond3A_202 {
      %dma_wait3A_386 = arith.constant 7 : i32
      %dma_wait3A_387 = arith.constant 1 : i32
      %dma_wait3A_388 = arith.constant 0 : i32
      %dma_wait3A_389 = tpu.memref_slice %arg5[%dma_wait3A_386, %dma_wait3A_387, %dma_wait3A_388] : memref<8x2x128xi32, #tpu.memory_space<vmem>> -> memref<1x1x128xi32, #tpu.memory_space<vmem>>
      %dma_wait3A_390 = tpu.memref_squeeze %dma_wait3A_389 : memref<1x1x128xi32, #tpu.memory_space<vmem>> -> memref<128xi32, #tpu.memory_space<vmem>>
      %dma_wait3A_391 = arith.constant 0 : i32
      %dma_wait3A_392 = arith.constant 0 : i32
      %dma_wait3A_393 = tpu.memref_slice %arg9[%dma_wait3A_391, %dma_wait3A_392] : memref<10240x128xf32, #tpu.memory_space<vmem_shared>> -> memref<10240x128xf32, #tpu.memory_space<vmem_shared>>
      tpu.wait_indirect_dma semaphore(%arg12 : memref<!tpu.dma_semaphore, #tpu.memory_space<semaphore_mem>>) src(%arg7 : memref<128x128xf32, #tpu.memory_space<vmem>>) dst(%dma_wait3A_393 : memref<10240x128xf32, #tpu.memory_space<vmem_shared>>)
      %dma_start3A_394 = arith.constant 0 : i32
      %dma_start3A_395 = arith.constant 0 : i32
      %dma_start3A_396 = arith.constant 0 : i32
      %dma_start3A_397 = tpu.memref_slice %arg6[%dma_start3A_394, %dma_start3A_395, %dma_start3A_396] : memref<8x2x128xi32, #tpu.memory_space<vmem>> -> memref<1x1x128xi32, #tpu.memory_space<vmem>>
      %dma_start3A_398 = tpu.memref_squeeze %dma_start3A_397 : memref<1x1x128xi32, #tpu.memory_space<vmem>> -> memref<128xi32, #tpu.memory_space<vmem>>
      %dma_start3A_399 = arith.constant 0 : i32
      %dma_start3A_400 = arith.constant 0 : i32
      %dma_start3A_401 = tpu.memref_slice %arg2[%dma_start3A_399, %dma_start3A_400] : memref<10000x128xf32, #tpu.memory_space<hbm>> -> memref<10000x128xf32, #tpu.memory_space<hbm>>
      tpu.enqueue_indirect_dma source(%dma_start3A_401 : memref<10000x128xf32, #tpu.memory_space<hbm>>) target(%arg7 : memref<128x128xf32, #tpu.memory_space<vmem>>) offsets(%dma_start3A_398 : memref<128xi32, #tpu.memory_space<vmem>>) semaphore(%arg10 : memref<!tpu.dma_semaphore, #tpu.memory_space<semaphore_mem>>)
    } else {
    }
    %add3A_203 = arith.constant 8 : i32
    %add3A_204 = arith.addi %add3A_6, %add3A_203 : i32
    %add3A_205 = arith.constant 0 : i32
    %add3A_206 = arith.addi %add3A_204, %add3A_205 : i32
    %lt3A_207 = arith.cmpi slt, %add3A_206, %add3A_11 : i32
    %convert_element_type3A_208 = arith.extui %lt3A_207 : i1 to i32
    %cond3A_209 = arith.constant 0 : i32
    %cond3A_210 = arith.cmpi ne, %convert_element_type3A_208, %cond3A_209 : i32
    scf.if %cond3A_210 {
      %dma_wait3A_386 = arith.constant 0 : i32
      %dma_wait3A_387 = arith.constant 0 : i32
      %dma_wait3A_388 = arith.constant 0 : i32
      %dma_wait3A_389 = tpu.memref_slice %arg6[%dma_wait3A_386, %dma_wait3A_387, %dma_wait3A_388] : memref<8x2x128xi32, #tpu.memory_space<vmem>> -> memref<1x1x128xi32, #tpu.memory_space<vmem>>
      %dma_wait3A_390 = tpu.memref_squeeze %dma_wait3A_389 : memref<1x1x128xi32, #tpu.memory_space<vmem>> -> memref<128xi32, #tpu.memory_space<vmem>>
      %dma_wait3A_391 = arith.constant 0 : i32
      %dma_wait3A_392 = arith.constant 0 : i32
      %dma_wait3A_393 = tpu.memref_slice %arg2[%dma_wait3A_391, %dma_wait3A_392] : memref<10000x128xf32, #tpu.memory_space<hbm>> -> memref<10000x128xf32, #tpu.memory_space<hbm>>
      tpu.wait_indirect_dma semaphore(%arg10 : memref<!tpu.dma_semaphore, #tpu.memory_space<semaphore_mem>>) src(%dma_wait3A_393 : memref<10000x128xf32, #tpu.memory_space<hbm>>) dst(%arg7 : memref<128x128xf32, #tpu.memory_space<vmem>>)
    } else {
    }
    %lt3A_211 = arith.cmpi slt, %add3A_206, %add3A_11 : i32
    %convert_element_type3A_212 = arith.extui %lt3A_211 : i1 to i32
    %cond3A_213 = arith.constant 0 : i32
    %cond3A_214 = arith.cmpi ne, %convert_element_type3A_212, %cond3A_213 : i32
    scf.if %cond3A_214 {
      %dma_start3A_386 = arith.constant 0 : i32
      %dma_start3A_387 = arith.constant 1 : i32
      %dma_start3A_388 = arith.constant 0 : i32
      %dma_start3A_389 = tpu.memref_slice %arg6[%dma_start3A_386, %dma_start3A_387, %dma_start3A_388] : memref<8x2x128xi32, #tpu.memory_space<vmem>> -> memref<1x1x128xi32, #tpu.memory_space<vmem>>
      %dma_start3A_390 = tpu.memref_squeeze %dma_start3A_389 : memref<1x1x128xi32, #tpu.memory_space<vmem>> -> memref<128xi32, #tpu.memory_space<vmem>>
      %dma_start3A_391 = arith.constant 0 : i32
      %dma_start3A_392 = arith.constant 0 : i32
      %dma_start3A_393 = tpu.memref_slice %arg9[%dma_start3A_391, %dma_start3A_392] : memref<10240x128xf32, #tpu.memory_space<vmem_shared>> -> memref<10240x128xf32, #tpu.memory_space<vmem_shared>>
      tpu.enqueue_indirect_dma source(%arg7 : memref<128x128xf32, #tpu.memory_space<vmem>>) target(%dma_start3A_393 : memref<10240x128xf32, #tpu.memory_space<vmem_shared>>) offsets(%dma_start3A_390 : memref<128xi32, #tpu.memory_space<vmem>>) semaphore(%arg12 : memref<!tpu.dma_semaphore, #tpu.memory_space<semaphore_mem>>) {add = true}
    } else {
    }
    %add3A_215 = arith.constant 1 : i32
    %add3A_216 = arith.addi %add3A_206, %add3A_215 : i32
    %lt3A_217 = arith.cmpi slt, %add3A_216, %add3A_11 : i32
    %convert_element_type3A_218 = arith.extui %lt3A_217 : i1 to i32
    %cond3A_219 = arith.constant 0 : i32
    %cond3A_220 = arith.cmpi ne, %convert_element_type3A_218, %cond3A_219 : i32
    scf.if %cond3A_220 {
      %dma_wait3A_386 = arith.constant 0 : i32
      %dma_wait3A_387 = arith.constant 1 : i32
      %dma_wait3A_388 = arith.constant 0 : i32
      %dma_wait3A_389 = tpu.memref_slice %arg6[%dma_wait3A_386, %dma_wait3A_387, %dma_wait3A_388] : memref<8x2x128xi32, #tpu.memory_space<vmem>> -> memref<1x1x128xi32, #tpu.memory_space<vmem>>
      %dma_wait3A_390 = tpu.memref_squeeze %dma_wait3A_389 : memref<1x1x128xi32, #tpu.memory_space<vmem>> -> memref<128xi32, #tpu.memory_space<vmem>>
      %dma_wait3A_391 = arith.constant 0 : i32
      %dma_wait3A_392 = arith.constant 0 : i32
      %dma_wait3A_393 = tpu.memref_slice %arg9[%dma_wait3A_391, %dma_wait3A_392] : memref<10240x128xf32, #tpu.memory_space<vmem_shared>> -> memref<10240x128xf32, #tpu.memory_space<vmem_shared>>
      tpu.wait_indirect_dma semaphore(%arg13 : memref<!tpu.dma_semaphore, #tpu.memory_space<semaphore_mem>>) src(%arg8 : memref<128x128xf32, #tpu.memory_space<vmem>>) dst(%dma_wait3A_393 : memref<10240x128xf32, #tpu.memory_space<vmem_shared>>)
      %dma_start3A_394 = arith.constant 1 : i32
      %dma_start3A_395 = arith.constant 0 : i32
      %dma_start3A_396 = arith.constant 0 : i32
      %dma_start3A_397 = tpu.memref_slice %arg6[%dma_start3A_394, %dma_start3A_395, %dma_start3A_396] : memref<8x2x128xi32, #tpu.memory_space<vmem>> -> memref<1x1x128xi32, #tpu.memory_space<vmem>>
      %dma_start3A_398 = tpu.memref_squeeze %dma_start3A_397 : memref<1x1x128xi32, #tpu.memory_space<vmem>> -> memref<128xi32, #tpu.memory_space<vmem>>
      %dma_start3A_399 = arith.constant 0 : i32
      %dma_start3A_400 = arith.constant 0 : i32
      %dma_start3A_401 = tpu.memref_slice %arg2[%dma_start3A_399, %dma_start3A_400] : memref<10000x128xf32, #tpu.memory_space<hbm>> -> memref<10000x128xf32, #tpu.memory_space<hbm>>
      tpu.enqueue_indirect_dma source(%dma_start3A_401 : memref<10000x128xf32, #tpu.memory_space<hbm>>) target(%arg8 : memref<128x128xf32, #tpu.memory_space<vmem>>) offsets(%dma_start3A_398 : memref<128xi32, #tpu.memory_space<vmem>>) semaphore(%arg11 : memref<!tpu.dma_semaphore, #tpu.memory_space<semaphore_mem>>)
    } else {
    }
    %add3A_221 = arith.constant 8 : i32
    %add3A_222 = arith.addi %add3A_6, %add3A_221 : i32
    %add3A_223 = arith.constant 1 : i32
    %add3A_224 = arith.addi %add3A_222, %add3A_223 : i32
    %lt3A_225 = arith.cmpi slt, %add3A_224, %add3A_11 : i32
    %convert_element_type3A_226 = arith.extui %lt3A_225 : i1 to i32
    %cond3A_227 = arith.constant 0 : i32
    %cond3A_228 = arith.cmpi ne, %convert_element_type3A_226, %cond3A_227 : i32
    scf.if %cond3A_228 {
      %dma_wait3A_386 = arith.constant 1 : i32
      %dma_wait3A_387 = arith.constant 0 : i32
      %dma_wait3A_388 = arith.constant 0 : i32
      %dma_wait3A_389 = tpu.memref_slice %arg6[%dma_wait3A_386, %dma_wait3A_387, %dma_wait3A_388] : memref<8x2x128xi32, #tpu.memory_space<vmem>> -> memref<1x1x128xi32, #tpu.memory_space<vmem>>
      %dma_wait3A_390 = tpu.memref_squeeze %dma_wait3A_389 : memref<1x1x128xi32, #tpu.memory_space<vmem>> -> memref<128xi32, #tpu.memory_space<vmem>>
      %dma_wait3A_391 = arith.constant 0 : i32
      %dma_wait3A_392 = arith.constant 0 : i32
      %dma_wait3A_393 = tpu.memref_slice %arg2[%dma_wait3A_391, %dma_wait3A_392] : memref<10000x128xf32, #tpu.memory_space<hbm>> -> memref<10000x128xf32, #tpu.memory_space<hbm>>
      tpu.wait_indirect_dma semaphore(%arg11 : memref<!tpu.dma_semaphore, #tpu.memory_space<semaphore_mem>>) src(%dma_wait3A_393 : memref<10000x128xf32, #tpu.memory_space<hbm>>) dst(%arg8 : memref<128x128xf32, #tpu.memory_space<vmem>>)
    } else {
    }
    %lt3A_229 = arith.cmpi slt, %add3A_224, %add3A_11 : i32
    %convert_element_type3A_230 = arith.extui %lt3A_229 : i1 to i32
    %cond3A_231 = arith.constant 0 : i32
    %cond3A_232 = arith.cmpi ne, %convert_element_type3A_230, %cond3A_231 : i32
    scf.if %cond3A_232 {
      %dma_start3A_386 = arith.constant 1 : i32
      %dma_start3A_387 = arith.constant 1 : i32
      %dma_start3A_388 = arith.constant 0 : i32
      %dma_start3A_389 = tpu.memref_slice %arg6[%dma_start3A_386, %dma_start3A_387, %dma_start3A_388] : memref<8x2x128xi32, #tpu.memory_space<vmem>> -> memref<1x1x128xi32, #tpu.memory_space<vmem>>
      %dma_start3A_390 = tpu.memref_squeeze %dma_start3A_389 : memref<1x1x128xi32, #tpu.memory_space<vmem>> -> memref<128xi32, #tpu.memory_space<vmem>>
      %dma_start3A_391 = arith.constant 0 : i32
      %dma_start3A_392 = arith.constant 0 : i32
      %dma_start3A_393 = tpu.memref_slice %arg9[%dma_start3A_391, %dma_start3A_392] : memref<10240x128xf32, #tpu.memory_space<vmem_shared>> -> memref<10240x128xf32, #tpu.memory_space<vmem_shared>>
      tpu.enqueue_indirect_dma source(%arg8 : memref<128x128xf32, #tpu.memory_space<vmem>>) target(%dma_start3A_393 : memref<10240x128xf32, #tpu.memory_space<vmem_shared>>) offsets(%dma_start3A_390 : memref<128xi32, #tpu.memory_space<vmem>>) semaphore(%arg13 : memref<!tpu.dma_semaphore, #tpu.memory_space<semaphore_mem>>) {add = true}
    } else {
    }
    %add3A_233 = arith.constant 8 : i32
    %add3A_234 = arith.addi %add3A_222, %add3A_233 : i32
    %dma_start3A_235 = arith.constant 0 : i32
    %dma_start3A_236 = arith.constant 0 : i32
    %dma_start3A_237 = tpu.memref_slice %arg3[%add3A_234, %dma_start3A_235, %dma_start3A_236] : memref<2510x2x128xi32, #tpu.memory_space<hbm>> -> memref<8x2x128xi32, #tpu.memory_space<hbm>>
    %dma_start3A_238 = arith.constant 0 : i32
    %dma_start3A_239 = arith.constant 0 : i32
    %dma_start3A_240 = tpu.memref_slice %arg3[%add3A_234, %dma_start3A_238, %dma_start3A_239] : memref<2510x2x128xi32, #tpu.memory_space<hbm>> -> memref<8x2x128xi32, #tpu.memory_space<hbm>>
    tpu.enqueue_dma source(%dma_start3A_240 : memref<8x2x128xi32, #tpu.memory_space<hbm>>) target(%arg5 : memref<8x2x128xi32, #tpu.memory_space<vmem>>) target_semaphore(%arg14 : memref<!tpu.dma_semaphore, #tpu.memory_space<semaphore_mem>>)
    %add3A_241 = arith.constant 1 : i32
    %add3A_242 = arith.addi %add3A_224, %add3A_241 : i32
    %lt3A_243 = arith.cmpi slt, %add3A_242, %add3A_11 : i32
    %convert_element_type3A_244 = arith.extui %lt3A_243 : i1 to i32
    %cond3A_245 = arith.constant 0 : i32
    %cond3A_246 = arith.cmpi ne, %convert_element_type3A_244, %cond3A_245 : i32
    scf.if %cond3A_246 {
      %dma_wait3A_386 = arith.constant 1 : i32
      %dma_wait3A_387 = arith.constant 1 : i32
      %dma_wait3A_388 = arith.constant 0 : i32
      %dma_wait3A_389 = tpu.memref_slice %arg6[%dma_wait3A_386, %dma_wait3A_387, %dma_wait3A_388] : memref<8x2x128xi32, #tpu.memory_space<vmem>> -> memref<1x1x128xi32, #tpu.memory_space<vmem>>
      %dma_wait3A_390 = tpu.memref_squeeze %dma_wait3A_389 : memref<1x1x128xi32, #tpu.memory_space<vmem>> -> memref<128xi32, #tpu.memory_space<vmem>>
      %dma_wait3A_391 = arith.constant 0 : i32
      %dma_wait3A_392 = arith.constant 0 : i32
      %dma_wait3A_393 = tpu.memref_slice %arg9[%dma_wait3A_391, %dma_wait3A_392] : memref<10240x128xf32, #tpu.memory_space<vmem_shared>> -> memref<10240x128xf32, #tpu.memory_space<vmem_shared>>
      tpu.wait_indirect_dma semaphore(%arg12 : memref<!tpu.dma_semaphore, #tpu.memory_space<semaphore_mem>>) src(%arg7 : memref<128x128xf32, #tpu.memory_space<vmem>>) dst(%dma_wait3A_393 : memref<10240x128xf32, #tpu.memory_space<vmem_shared>>)
      %dma_start3A_394 = arith.constant 2 : i32
      %dma_start3A_395 = arith.constant 0 : i32
      %dma_start3A_396 = arith.constant 0 : i32
      %dma_start3A_397 = tpu.memref_slice %arg6[%dma_start3A_394, %dma_start3A_395, %dma_start3A_396] : memref<8x2x128xi32, #tpu.memory_space<vmem>> -> memref<1x1x128xi32, #tpu.memory_space<vmem>>
      %dma_start3A_398 = tpu.memref_squeeze %dma_start3A_397 : memref<1x1x128xi32, #tpu.memory_space<vmem>> -> memref<128xi32, #tpu.memory_space<vmem>>
      %dma_start3A_399 = arith.constant 0 : i32
      %dma_start3A_400 = arith.constant 0 : i32
      %dma_start3A_401 = tpu.memref_slice %arg2[%dma_start3A_399, %dma_start3A_400] : memref<10000x128xf32, #tpu.memory_space<hbm>> -> memref<10000x128xf32, #tpu.memory_space<hbm>>
      tpu.enqueue_indirect_dma source(%dma_start3A_401 : memref<10000x128xf32, #tpu.memory_space<hbm>>) target(%arg7 : memref<128x128xf32, #tpu.memory_space<vmem>>) offsets(%dma_start3A_398 : memref<128xi32, #tpu.memory_space<vmem>>) semaphore(%arg10 : memref<!tpu.dma_semaphore, #tpu.memory_space<semaphore_mem>>)
    } else {
    }
    %add3A_247 = arith.constant 8 : i32
    %add3A_248 = arith.addi %add3A_6, %add3A_247 : i32
    %add3A_249 = arith.constant 2 : i32
    %add3A_250 = arith.addi %add3A_248, %add3A_249 : i32
    %lt3A_251 = arith.cmpi slt, %add3A_250, %add3A_11 : i32
    %convert_element_type3A_252 = arith.extui %lt3A_251 : i1 to i32
    %cond3A_253 = arith.constant 0 : i32
    %cond3A_254 = arith.cmpi ne, %convert_element_type3A_252, %cond3A_253 : i32
    scf.if %cond3A_254 {
      %dma_wait3A_386 = arith.constant 2 : i32
      %dma_wait3A_387 = arith.constant 0 : i32
      %dma_wait3A_388 = arith.constant 0 : i32
      %dma_wait3A_389 = tpu.memref_slice %arg6[%dma_wait3A_386, %dma_wait3A_387, %dma_wait3A_388] : memref<8x2x128xi32, #tpu.memory_space<vmem>> -> memref<1x1x128xi32, #tpu.memory_space<vmem>>
      %dma_wait3A_390 = tpu.memref_squeeze %dma_wait3A_389 : memref<1x1x128xi32, #tpu.memory_space<vmem>> -> memref<128xi32, #tpu.memory_space<vmem>>
      %dma_wait3A_391 = arith.constant 0 : i32
      %dma_wait3A_392 = arith.constant 0 : i32
      %dma_wait3A_393 = tpu.memref_slice %arg2[%dma_wait3A_391, %dma_wait3A_392] : memref<10000x128xf32, #tpu.memory_space<hbm>> -> memref<10000x128xf32, #tpu.memory_space<hbm>>
      tpu.wait_indirect_dma semaphore(%arg10 : memref<!tpu.dma_semaphore, #tpu.memory_space<semaphore_mem>>) src(%dma_wait3A_393 : memref<10000x128xf32, #tpu.memory_space<hbm>>) dst(%arg7 : memref<128x128xf32, #tpu.memory_space<vmem>>)
    } else {
    }
    %lt3A_255 = arith.cmpi slt, %add3A_250, %add3A_11 : i32
    %convert_element_type3A_256 = arith.extui %lt3A_255 : i1 to i32
    %cond3A_257 = arith.constant 0 : i32
    %cond3A_258 = arith.cmpi ne, %convert_element_type3A_256, %cond3A_257 : i32
    scf.if %cond3A_258 {
      %dma_start3A_386 = arith.constant 2 : i32
      %dma_start3A_387 = arith.constant 1 : i32
      %dma_start3A_388 = arith.constant 0 : i32
      %dma_start3A_389 = tpu.memref_slice %arg6[%dma_start3A_386, %dma_start3A_387, %dma_start3A_388] : memref<8x2x128xi32, #tpu.memory_space<vmem>> -> memref<1x1x128xi32, #tpu.memory_space<vmem>>
      %dma_start3A_390 = tpu.memref_squeeze %dma_start3A_389 : memref<1x1x128xi32, #tpu.memory_space<vmem>> -> memref<128xi32, #tpu.memory_space<vmem>>
      %dma_start3A_391 = arith.constant 0 : i32
      %dma_start3A_392 = arith.constant 0 : i32
      %dma_start3A_393 = tpu.memref_slice %arg9[%dma_start3A_391, %dma_start3A_392] : memref<10240x128xf32, #tpu.memory_space<vmem_shared>> -> memref<10240x128xf32, #tpu.memory_space<vmem_shared>>
      tpu.enqueue_indirect_dma source(%arg7 : memref<128x128xf32, #tpu.memory_space<vmem>>) target(%dma_start3A_393 : memref<10240x128xf32, #tpu.memory_space<vmem_shared>>) offsets(%dma_start3A_390 : memref<128xi32, #tpu.memory_space<vmem>>) semaphore(%arg12 : memref<!tpu.dma_semaphore, #tpu.memory_space<semaphore_mem>>) {add = true}
    } else {
    }
    %add3A_259 = arith.constant 1 : i32
    %add3A_260 = arith.addi %add3A_250, %add3A_259 : i32
    %lt3A_261 = arith.cmpi slt, %add3A_260, %add3A_11 : i32
    %convert_element_type3A_262 = arith.extui %lt3A_261 : i1 to i32
    %cond3A_263 = arith.constant 0 : i32
    %cond3A_264 = arith.cmpi ne, %convert_element_type3A_262, %cond3A_263 : i32
    scf.if %cond3A_264 {
      %dma_wait3A_386 = arith.constant 2 : i32
      %dma_wait3A_387 = arith.constant 1 : i32
      %dma_wait3A_388 = arith.constant 0 : i32
      %dma_wait3A_389 = tpu.memref_slice %arg6[%dma_wait3A_386, %dma_wait3A_387, %dma_wait3A_388] : memref<8x2x128xi32, #tpu.memory_space<vmem>> -> memref<1x1x128xi32, #tpu.memory_space<vmem>>
      %dma_wait3A_390 = tpu.memref_squeeze %dma_wait3A_389 : memref<1x1x128xi32, #tpu.memory_space<vmem>> -> memref<128xi32, #tpu.memory_space<vmem>>
      %dma_wait3A_391 = arith.constant 0 : i32
      %dma_wait3A_392 = arith.constant 0 : i32
      %dma_wait3A_393 = tpu.memref_slice %arg9[%dma_wait3A_391, %dma_wait3A_392] : memref<10240x128xf32, #tpu.memory_space<vmem_shared>> -> memref<10240x128xf32, #tpu.memory_space<vmem_shared>>
      tpu.wait_indirect_dma semaphore(%arg13 : memref<!tpu.dma_semaphore, #tpu.memory_space<semaphore_mem>>) src(%arg8 : memref<128x128xf32, #tpu.memory_space<vmem>>) dst(%dma_wait3A_393 : memref<10240x128xf32, #tpu.memory_space<vmem_shared>>)
      %dma_start3A_394 = arith.constant 3 : i32
      %dma_start3A_395 = arith.constant 0 : i32
      %dma_start3A_396 = arith.constant 0 : i32
      %dma_start3A_397 = tpu.memref_slice %arg6[%dma_start3A_394, %dma_start3A_395, %dma_start3A_396] : memref<8x2x128xi32, #tpu.memory_space<vmem>> -> memref<1x1x128xi32, #tpu.memory_space<vmem>>
      %dma_start3A_398 = tpu.memref_squeeze %dma_start3A_397 : memref<1x1x128xi32, #tpu.memory_space<vmem>> -> memref<128xi32, #tpu.memory_space<vmem>>
      %dma_start3A_399 = arith.constant 0 : i32
      %dma_start3A_400 = arith.constant 0 : i32
      %dma_start3A_401 = tpu.memref_slice %arg2[%dma_start3A_399, %dma_start3A_400] : memref<10000x128xf32, #tpu.memory_space<hbm>> -> memref<10000x128xf32, #tpu.memory_space<hbm>>
      tpu.enqueue_indirect_dma source(%dma_start3A_401 : memref<10000x128xf32, #tpu.memory_space<hbm>>) target(%arg8 : memref<128x128xf32, #tpu.memory_space<vmem>>) offsets(%dma_start3A_398 : memref<128xi32, #tpu.memory_space<vmem>>) semaphore(%arg11 : memref<!tpu.dma_semaphore, #tpu.memory_space<semaphore_mem>>)
    } else {
    }
    %add3A_265 = arith.constant 8 : i32
    %add3A_266 = arith.addi %add3A_6, %add3A_265 : i32
    %add3A_267 = arith.constant 3 : i32
    %add3A_268 = arith.addi %add3A_266, %add3A_267 : i32
    %lt3A_269 = arith.cmpi slt, %add3A_268, %add3A_11 : i32
    %convert_element_type3A_270 = arith.extui %lt3A_269 : i1 to i32
    %cond3A_271 = arith.constant 0 : i32
    %cond3A_272 = arith.cmpi ne, %convert_element_type3A_270, %cond3A_271 : i32
    scf.if %cond3A_272 {
      %dma_wait3A_386 = arith.constant 3 : i32
      %dma_wait3A_387 = arith.constant 0 : i32
      %dma_wait3A_388 = arith.constant 0 : i32
      %dma_wait3A_389 = tpu.memref_slice %arg6[%dma_wait3A_386, %dma_wait3A_387, %dma_wait3A_388] : memref<8x2x128xi32, #tpu.memory_space<vmem>> -> memref<1x1x128xi32, #tpu.memory_space<vmem>>
      %dma_wait3A_390 = tpu.memref_squeeze %dma_wait3A_389 : memref<1x1x128xi32, #tpu.memory_space<vmem>> -> memref<128xi32, #tpu.memory_space<vmem>>
      %dma_wait3A_391 = arith.constant 0 : i32
      %dma_wait3A_392 = arith.constant 0 : i32
      %dma_wait3A_393 = tpu.memref_slice %arg2[%dma_wait3A_391, %dma_wait3A_392] : memref<10000x128xf32, #tpu.memory_space<hbm>> -> memref<10000x128xf32, #tpu.memory_space<hbm>>
      tpu.wait_indirect_dma semaphore(%arg11 : memref<!tpu.dma_semaphore, #tpu.memory_space<semaphore_mem>>) src(%dma_wait3A_393 : memref<10000x128xf32, #tpu.memory_space<hbm>>) dst(%arg8 : memref<128x128xf32, #tpu.memory_space<vmem>>)
    } else {
    }
    %lt3A_273 = arith.cmpi slt, %add3A_268, %add3A_11 : i32
    %convert_element_type3A_274 = arith.extui %lt3A_273 : i1 to i32
    %cond3A_275 = arith.constant 0 : i32
    %cond3A_276 = arith.cmpi ne, %convert_element_type3A_274, %cond3A_275 : i32
    scf.if %cond3A_276 {
      %dma_start3A_386 = arith.constant 3 : i32
      %dma_start3A_387 = arith.constant 1 : i32
      %dma_start3A_388 = arith.constant 0 : i32
      %dma_start3A_389 = tpu.memref_slice %arg6[%dma_start3A_386, %dma_start3A_387, %dma_start3A_388] : memref<8x2x128xi32, #tpu.memory_space<vmem>> -> memref<1x1x128xi32, #tpu.memory_space<vmem>>
      %dma_start3A_390 = tpu.memref_squeeze %dma_start3A_389 : memref<1x1x128xi32, #tpu.memory_space<vmem>> -> memref<128xi32, #tpu.memory_space<vmem>>
      %dma_start3A_391 = arith.constant 0 : i32
      %dma_start3A_392 = arith.constant 0 : i32
      %dma_start3A_393 = tpu.memref_slice %arg9[%dma_start3A_391, %dma_start3A_392] : memref<10240x128xf32, #tpu.memory_space<vmem_shared>> -> memref<10240x128xf32, #tpu.memory_space<vmem_shared>>
      tpu.enqueue_indirect_dma source(%arg8 : memref<128x128xf32, #tpu.memory_space<vmem>>) target(%dma_start3A_393 : memref<10240x128xf32, #tpu.memory_space<vmem_shared>>) offsets(%dma_start3A_390 : memref<128xi32, #tpu.memory_space<vmem>>) semaphore(%arg13 : memref<!tpu.dma_semaphore, #tpu.memory_space<semaphore_mem>>) {add = true}
    } else {
    }
    %add3A_277 = arith.constant 1 : i32
    %add3A_278 = arith.addi %add3A_268, %add3A_277 : i32
    %lt3A_279 = arith.cmpi slt, %add3A_278, %add3A_11 : i32
    %convert_element_type3A_280 = arith.extui %lt3A_279 : i1 to i32
    %cond3A_281 = arith.constant 0 : i32
    %cond3A_282 = arith.cmpi ne, %convert_element_type3A_280, %cond3A_281 : i32
    scf.if %cond3A_282 {
      %dma_wait3A_386 = arith.constant 3 : i32
      %dma_wait3A_387 = arith.constant 1 : i32
      %dma_wait3A_388 = arith.constant 0 : i32
      %dma_wait3A_389 = tpu.memref_slice %arg6[%dma_wait3A_386, %dma_wait3A_387, %dma_wait3A_388] : memref<8x2x128xi32, #tpu.memory_space<vmem>> -> memref<1x1x128xi32, #tpu.memory_space<vmem>>
      %dma_wait3A_390 = tpu.memref_squeeze %dma_wait3A_389 : memref<1x1x128xi32, #tpu.memory_space<vmem>> -> memref<128xi32, #tpu.memory_space<vmem>>
      %dma_wait3A_391 = arith.constant 0 : i32
      %dma_wait3A_392 = arith.constant 0 : i32
      %dma_wait3A_393 = tpu.memref_slice %arg9[%dma_wait3A_391, %dma_wait3A_392] : memref<10240x128xf32, #tpu.memory_space<vmem_shared>> -> memref<10240x128xf32, #tpu.memory_space<vmem_shared>>
      tpu.wait_indirect_dma semaphore(%arg12 : memref<!tpu.dma_semaphore, #tpu.memory_space<semaphore_mem>>) src(%arg7 : memref<128x128xf32, #tpu.memory_space<vmem>>) dst(%dma_wait3A_393 : memref<10240x128xf32, #tpu.memory_space<vmem_shared>>)
      %dma_start3A_394 = arith.constant 4 : i32
      %dma_start3A_395 = arith.constant 0 : i32
      %dma_start3A_396 = arith.constant 0 : i32
      %dma_start3A_397 = tpu.memref_slice %arg6[%dma_start3A_394, %dma_start3A_395, %dma_start3A_396] : memref<8x2x128xi32, #tpu.memory_space<vmem>> -> memref<1x1x128xi32, #tpu.memory_space<vmem>>
      %dma_start3A_398 = tpu.memref_squeeze %dma_start3A_397 : memref<1x1x128xi32, #tpu.memory_space<vmem>> -> memref<128xi32, #tpu.memory_space<vmem>>
      %dma_start3A_399 = arith.constant 0 : i32
      %dma_start3A_400 = arith.constant 0 : i32
      %dma_start3A_401 = tpu.memref_slice %arg2[%dma_start3A_399, %dma_start3A_400] : memref<10000x128xf32, #tpu.memory_space<hbm>> -> memref<10000x128xf32, #tpu.memory_space<hbm>>
      tpu.enqueue_indirect_dma source(%dma_start3A_401 : memref<10000x128xf32, #tpu.memory_space<hbm>>) target(%arg7 : memref<128x128xf32, #tpu.memory_space<vmem>>) offsets(%dma_start3A_398 : memref<128xi32, #tpu.memory_space<vmem>>) semaphore(%arg10 : memref<!tpu.dma_semaphore, #tpu.memory_space<semaphore_mem>>)
    } else {
    }
    %add3A_283 = arith.constant 8 : i32
    %add3A_284 = arith.addi %add3A_6, %add3A_283 : i32
    %add3A_285 = arith.constant 4 : i32
    %add3A_286 = arith.addi %add3A_284, %add3A_285 : i32
    %lt3A_287 = arith.cmpi slt, %add3A_286, %add3A_11 : i32
    %convert_element_type3A_288 = arith.extui %lt3A_287 : i1 to i32
    %cond3A_289 = arith.constant 0 : i32
    %cond3A_290 = arith.cmpi ne, %convert_element_type3A_288, %cond3A_289 : i32
    scf.if %cond3A_290 {
      %dma_wait3A_386 = arith.constant 4 : i32
      %dma_wait3A_387 = arith.constant 0 : i32
      %dma_wait3A_388 = arith.constant 0 : i32
      %dma_wait3A_389 = tpu.memref_slice %arg6[%dma_wait3A_386, %dma_wait3A_387, %dma_wait3A_388] : memref<8x2x128xi32, #tpu.memory_space<vmem>> -> memref<1x1x128xi32, #tpu.memory_space<vmem>>
      %dma_wait3A_390 = tpu.memref_squeeze %dma_wait3A_389 : memref<1x1x128xi32, #tpu.memory_space<vmem>> -> memref<128xi32, #tpu.memory_space<vmem>>
      %dma_wait3A_391 = arith.constant 0 : i32
      %dma_wait3A_392 = arith.constant 0 : i32
      %dma_wait3A_393 = tpu.memref_slice %arg2[%dma_wait3A_391, %dma_wait3A_392] : memref<10000x128xf32, #tpu.memory_space<hbm>> -> memref<10000x128xf32, #tpu.memory_space<hbm>>
      tpu.wait_indirect_dma semaphore(%arg10 : memref<!tpu.dma_semaphore, #tpu.memory_space<semaphore_mem>>) src(%dma_wait3A_393 : memref<10000x128xf32, #tpu.memory_space<hbm>>) dst(%arg7 : memref<128x128xf32, #tpu.memory_space<vmem>>)
    } else {
    }
    %lt3A_291 = arith.cmpi slt, %add3A_286, %add3A_11 : i32
    %convert_element_type3A_292 = arith.extui %lt3A_291 : i1 to i32
    %cond3A_293 = arith.constant 0 : i32
    %cond3A_294 = arith.cmpi ne, %convert_element_type3A_292, %cond3A_293 : i32
    scf.if %cond3A_294 {
      %dma_start3A_386 = arith.constant 4 : i32
      %dma_start3A_387 = arith.constant 1 : i32
      %dma_start3A_388 = arith.constant 0 : i32
      %dma_start3A_389 = tpu.memref_slice %arg6[%dma_start3A_386, %dma_start3A_387, %dma_start3A_388] : memref<8x2x128xi32, #tpu.memory_space<vmem>> -> memref<1x1x128xi32, #tpu.memory_space<vmem>>
      %dma_start3A_390 = tpu.memref_squeeze %dma_start3A_389 : memref<1x1x128xi32, #tpu.memory_space<vmem>> -> memref<128xi32, #tpu.memory_space<vmem>>
      %dma_start3A_391 = arith.constant 0 : i32
      %dma_start3A_392 = arith.constant 0 : i32
      %dma_start3A_393 = tpu.memref_slice %arg9[%dma_start3A_391, %dma_start3A_392] : memref<10240x128xf32, #tpu.memory_space<vmem_shared>> -> memref<10240x128xf32, #tpu.memory_space<vmem_shared>>
      tpu.enqueue_indirect_dma source(%arg7 : memref<128x128xf32, #tpu.memory_space<vmem>>) target(%dma_start3A_393 : memref<10240x128xf32, #tpu.memory_space<vmem_shared>>) offsets(%dma_start3A_390 : memref<128xi32, #tpu.memory_space<vmem>>) semaphore(%arg12 : memref<!tpu.dma_semaphore, #tpu.memory_space<semaphore_mem>>) {add = true}
    } else {
    }
    %add3A_295 = arith.constant 1 : i32
    %add3A_296 = arith.addi %add3A_286, %add3A_295 : i32
    %lt3A_297 = arith.cmpi slt, %add3A_296, %add3A_11 : i32
    %convert_element_type3A_298 = arith.extui %lt3A_297 : i1 to i32
    %cond3A_299 = arith.constant 0 : i32
    %cond3A_300 = arith.cmpi ne, %convert_element_type3A_298, %cond3A_299 : i32
    scf.if %cond3A_300 {
      %dma_wait3A_386 = arith.constant 4 : i32
      %dma_wait3A_387 = arith.constant 1 : i32
      %dma_wait3A_388 = arith.constant 0 : i32
      %dma_wait3A_389 = tpu.memref_slice %arg6[%dma_wait3A_386, %dma_wait3A_387, %dma_wait3A_388] : memref<8x2x128xi32, #tpu.memory_space<vmem>> -> memref<1x1x128xi32, #tpu.memory_space<vmem>>
      %dma_wait3A_390 = tpu.memref_squeeze %dma_wait3A_389 : memref<1x1x128xi32, #tpu.memory_space<vmem>> -> memref<128xi32, #tpu.memory_space<vmem>>
      %dma_wait3A_391 = arith.constant 0 : i32
      %dma_wait3A_392 = arith.constant 0 : i32
      %dma_wait3A_393 = tpu.memref_slice %arg9[%dma_wait3A_391, %dma_wait3A_392] : memref<10240x128xf32, #tpu.memory_space<vmem_shared>> -> memref<10240x128xf32, #tpu.memory_space<vmem_shared>>
      tpu.wait_indirect_dma semaphore(%arg13 : memref<!tpu.dma_semaphore, #tpu.memory_space<semaphore_mem>>) src(%arg8 : memref<128x128xf32, #tpu.memory_space<vmem>>) dst(%dma_wait3A_393 : memref<10240x128xf32, #tpu.memory_space<vmem_shared>>)
      %dma_start3A_394 = arith.constant 5 : i32
      %dma_start3A_395 = arith.constant 0 : i32
      %dma_start3A_396 = arith.constant 0 : i32
      %dma_start3A_397 = tpu.memref_slice %arg6[%dma_start3A_394, %dma_start3A_395, %dma_start3A_396] : memref<8x2x128xi32, #tpu.memory_space<vmem>> -> memref<1x1x128xi32, #tpu.memory_space<vmem>>
      %dma_start3A_398 = tpu.memref_squeeze %dma_start3A_397 : memref<1x1x128xi32, #tpu.memory_space<vmem>> -> memref<128xi32, #tpu.memory_space<vmem>>
      %dma_start3A_399 = arith.constant 0 : i32
      %dma_start3A_400 = arith.constant 0 : i32
      %dma_start3A_401 = tpu.memref_slice %arg2[%dma_start3A_399, %dma_start3A_400] : memref<10000x128xf32, #tpu.memory_space<hbm>> -> memref<10000x128xf32, #tpu.memory_space<hbm>>
      tpu.enqueue_indirect_dma source(%dma_start3A_401 : memref<10000x128xf32, #tpu.memory_space<hbm>>) target(%arg8 : memref<128x128xf32, #tpu.memory_space<vmem>>) offsets(%dma_start3A_398 : memref<128xi32, #tpu.memory_space<vmem>>) semaphore(%arg11 : memref<!tpu.dma_semaphore, #tpu.memory_space<semaphore_mem>>)
    } else {
    }
    %add3A_301 = arith.constant 8 : i32
    %add3A_302 = arith.addi %add3A_6, %add3A_301 : i32
    %add3A_303 = arith.constant 5 : i32
    %add3A_304 = arith.addi %add3A_302, %add3A_303 : i32
    %lt3A_305 = arith.cmpi slt, %add3A_304, %add3A_11 : i32
    %convert_element_type3A_306 = arith.extui %lt3A_305 : i1 to i32
    %cond3A_307 = arith.constant 0 : i32
    %cond3A_308 = arith.cmpi ne, %convert_element_type3A_306, %cond3A_307 : i32
    scf.if %cond3A_308 {
      %dma_wait3A_386 = arith.constant 5 : i32
      %dma_wait3A_387 = arith.constant 0 : i32
      %dma_wait3A_388 = arith.constant 0 : i32
      %dma_wait3A_389 = tpu.memref_slice %arg6[%dma_wait3A_386, %dma_wait3A_387, %dma_wait3A_388] : memref<8x2x128xi32, #tpu.memory_space<vmem>> -> memref<1x1x128xi32, #tpu.memory_space<vmem>>
      %dma_wait3A_390 = tpu.memref_squeeze %dma_wait3A_389 : memref<1x1x128xi32, #tpu.memory_space<vmem>> -> memref<128xi32, #tpu.memory_space<vmem>>
      %dma_wait3A_391 = arith.constant 0 : i32
      %dma_wait3A_392 = arith.constant 0 : i32
      %dma_wait3A_393 = tpu.memref_slice %arg2[%dma_wait3A_391, %dma_wait3A_392] : memref<10000x128xf32, #tpu.memory_space<hbm>> -> memref<10000x128xf32, #tpu.memory_space<hbm>>
      tpu.wait_indirect_dma semaphore(%arg11 : memref<!tpu.dma_semaphore, #tpu.memory_space<semaphore_mem>>) src(%dma_wait3A_393 : memref<10000x128xf32, #tpu.memory_space<hbm>>) dst(%arg8 : memref<128x128xf32, #tpu.memory_space<vmem>>)
    } else {
    }
    %lt3A_309 = arith.cmpi slt, %add3A_304, %add3A_11 : i32
    %convert_element_type3A_310 = arith.extui %lt3A_309 : i1 to i32
    %cond3A_311 = arith.constant 0 : i32
    %cond3A_312 = arith.cmpi ne, %convert_element_type3A_310, %cond3A_311 : i32
    scf.if %cond3A_312 {
      %dma_start3A_386 = arith.constant 5 : i32
      %dma_start3A_387 = arith.constant 1 : i32
      %dma_start3A_388 = arith.constant 0 : i32
      %dma_start3A_389 = tpu.memref_slice %arg6[%dma_start3A_386, %dma_start3A_387, %dma_start3A_388] : memref<8x2x128xi32, #tpu.memory_space<vmem>> -> memref<1x1x128xi32, #tpu.memory_space<vmem>>
      %dma_start3A_390 = tpu.memref_squeeze %dma_start3A_389 : memref<1x1x128xi32, #tpu.memory_space<vmem>> -> memref<128xi32, #tpu.memory_space<vmem>>
      %dma_start3A_391 = arith.constant 0 : i32
      %dma_start3A_392 = arith.constant 0 : i32
      %dma_start3A_393 = tpu.memref_slice %arg9[%dma_start3A_391, %dma_start3A_392] : memref<10240x128xf32, #tpu.memory_space<vmem_shared>> -> memref<10240x128xf32, #tpu.memory_space<vmem_shared>>
      tpu.enqueue_indirect_dma source(%arg8 : memref<128x128xf32, #tpu.memory_space<vmem>>) target(%dma_start3A_393 : memref<10240x128xf32, #tpu.memory_space<vmem_shared>>) offsets(%dma_start3A_390 : memref<128xi32, #tpu.memory_space<vmem>>) semaphore(%arg13 : memref<!tpu.dma_semaphore, #tpu.memory_space<semaphore_mem>>) {add = true}
    } else {
    }
    %add3A_313 = arith.constant 1 : i32
    %add3A_314 = arith.addi %add3A_304, %add3A_313 : i32
    %lt3A_315 = arith.cmpi slt, %add3A_314, %add3A_11 : i32
    %convert_element_type3A_316 = arith.extui %lt3A_315 : i1 to i32
    %cond3A_317 = arith.constant 0 : i32
    %cond3A_318 = arith.cmpi ne, %convert_element_type3A_316, %cond3A_317 : i32
    scf.if %cond3A_318 {
      %dma_wait3A_386 = arith.constant 5 : i32
      %dma_wait3A_387 = arith.constant 1 : i32
      %dma_wait3A_388 = arith.constant 0 : i32
      %dma_wait3A_389 = tpu.memref_slice %arg6[%dma_wait3A_386, %dma_wait3A_387, %dma_wait3A_388] : memref<8x2x128xi32, #tpu.memory_space<vmem>> -> memref<1x1x128xi32, #tpu.memory_space<vmem>>
      %dma_wait3A_390 = tpu.memref_squeeze %dma_wait3A_389 : memref<1x1x128xi32, #tpu.memory_space<vmem>> -> memref<128xi32, #tpu.memory_space<vmem>>
      %dma_wait3A_391 = arith.constant 0 : i32
      %dma_wait3A_392 = arith.constant 0 : i32
      %dma_wait3A_393 = tpu.memref_slice %arg9[%dma_wait3A_391, %dma_wait3A_392] : memref<10240x128xf32, #tpu.memory_space<vmem_shared>> -> memref<10240x128xf32, #tpu.memory_space<vmem_shared>>
      tpu.wait_indirect_dma semaphore(%arg12 : memref<!tpu.dma_semaphore, #tpu.memory_space<semaphore_mem>>) src(%arg7 : memref<128x128xf32, #tpu.memory_space<vmem>>) dst(%dma_wait3A_393 : memref<10240x128xf32, #tpu.memory_space<vmem_shared>>)
      %dma_start3A_394 = arith.constant 6 : i32
      %dma_start3A_395 = arith.constant 0 : i32
      %dma_start3A_396 = arith.constant 0 : i32
      %dma_start3A_397 = tpu.memref_slice %arg6[%dma_start3A_394, %dma_start3A_395, %dma_start3A_396] : memref<8x2x128xi32, #tpu.memory_space<vmem>> -> memref<1x1x128xi32, #tpu.memory_space<vmem>>
      %dma_start3A_398 = tpu.memref_squeeze %dma_start3A_397 : memref<1x1x128xi32, #tpu.memory_space<vmem>> -> memref<128xi32, #tpu.memory_space<vmem>>
      %dma_start3A_399 = arith.constant 0 : i32
      %dma_start3A_400 = arith.constant 0 : i32
      %dma_start3A_401 = tpu.memref_slice %arg2[%dma_start3A_399, %dma_start3A_400] : memref<10000x128xf32, #tpu.memory_space<hbm>> -> memref<10000x128xf32, #tpu.memory_space<hbm>>
      tpu.enqueue_indirect_dma source(%dma_start3A_401 : memref<10000x128xf32, #tpu.memory_space<hbm>>) target(%arg7 : memref<128x128xf32, #tpu.memory_space<vmem>>) offsets(%dma_start3A_398 : memref<128xi32, #tpu.memory_space<vmem>>) semaphore(%arg10 : memref<!tpu.dma_semaphore, #tpu.memory_space<semaphore_mem>>)
    } else {
    }
    %add3A_319 = arith.constant 8 : i32
    %add3A_320 = arith.addi %add3A_6, %add3A_319 : i32
    %add3A_321 = arith.constant 6 : i32
    %add3A_322 = arith.addi %add3A_320, %add3A_321 : i32
    %lt3A_323 = arith.cmpi slt, %add3A_322, %add3A_11 : i32
    %convert_element_type3A_324 = arith.extui %lt3A_323 : i1 to i32
    %cond3A_325 = arith.constant 0 : i32
    %cond3A_326 = arith.cmpi ne, %convert_element_type3A_324, %cond3A_325 : i32
    scf.if %cond3A_326 {
      %dma_wait3A_386 = arith.constant 6 : i32
      %dma_wait3A_387 = arith.constant 0 : i32
      %dma_wait3A_388 = arith.constant 0 : i32
      %dma_wait3A_389 = tpu.memref_slice %arg6[%dma_wait3A_386, %dma_wait3A_387, %dma_wait3A_388] : memref<8x2x128xi32, #tpu.memory_space<vmem>> -> memref<1x1x128xi32, #tpu.memory_space<vmem>>
      %dma_wait3A_390 = tpu.memref_squeeze %dma_wait3A_389 : memref<1x1x128xi32, #tpu.memory_space<vmem>> -> memref<128xi32, #tpu.memory_space<vmem>>
      %dma_wait3A_391 = arith.constant 0 : i32
      %dma_wait3A_392 = arith.constant 0 : i32
      %dma_wait3A_393 = tpu.memref_slice %arg2[%dma_wait3A_391, %dma_wait3A_392] : memref<10000x128xf32, #tpu.memory_space<hbm>> -> memref<10000x128xf32, #tpu.memory_space<hbm>>
      tpu.wait_indirect_dma semaphore(%arg10 : memref<!tpu.dma_semaphore, #tpu.memory_space<semaphore_mem>>) src(%dma_wait3A_393 : memref<10000x128xf32, #tpu.memory_space<hbm>>) dst(%arg7 : memref<128x128xf32, #tpu.memory_space<vmem>>)
    } else {
    }
    %lt3A_327 = arith.cmpi slt, %add3A_322, %add3A_11 : i32
    %convert_element_type3A_328 = arith.extui %lt3A_327 : i1 to i32
    %cond3A_329 = arith.constant 0 : i32
    %cond3A_330 = arith.cmpi ne, %convert_element_type3A_328, %cond3A_329 : i32
    scf.if %cond3A_330 {
      %dma_start3A_386 = arith.constant 6 : i32
      %dma_start3A_387 = arith.constant 1 : i32
      %dma_start3A_388 = arith.constant 0 : i32
      %dma_start3A_389 = tpu.memref_slice %arg6[%dma_start3A_386, %dma_start3A_387, %dma_start3A_388] : memref<8x2x128xi32, #tpu.memory_space<vmem>> -> memref<1x1x128xi32, #tpu.memory_space<vmem>>
      %dma_start3A_390 = tpu.memref_squeeze %dma_start3A_389 : memref<1x1x128xi32, #tpu.memory_space<vmem>> -> memref<128xi32, #tpu.memory_space<vmem>>
      %dma_start3A_391 = arith.constant 0 : i32
      %dma_start3A_392 = arith.constant 0 : i32
      %dma_start3A_393 = tpu.memref_slice %arg9[%dma_start3A_391, %dma_start3A_392] : memref<10240x128xf32, #tpu.memory_space<vmem_shared>> -> memref<10240x128xf32, #tpu.memory_space<vmem_shared>>
      tpu.enqueue_indirect_dma source(%arg7 : memref<128x128xf32, #tpu.memory_space<vmem>>) target(%dma_start3A_393 : memref<10240x128xf32, #tpu.memory_space<vmem_shared>>) offsets(%dma_start3A_390 : memref<128xi32, #tpu.memory_space<vmem>>) semaphore(%arg12 : memref<!tpu.dma_semaphore, #tpu.memory_space<semaphore_mem>>) {add = true}
    } else {
    }
    %add3A_331 = arith.constant 1 : i32
    %add3A_332 = arith.addi %add3A_322, %add3A_331 : i32
    %lt3A_333 = arith.cmpi slt, %add3A_332, %add3A_11 : i32
    %convert_element_type3A_334 = arith.extui %lt3A_333 : i1 to i32
    %cond3A_335 = arith.constant 0 : i32
    %cond3A_336 = arith.cmpi ne, %convert_element_type3A_334, %cond3A_335 : i32
    scf.if %cond3A_336 {
      %dma_wait3A_386 = arith.constant 6 : i32
      %dma_wait3A_387 = arith.constant 1 : i32
      %dma_wait3A_388 = arith.constant 0 : i32
      %dma_wait3A_389 = tpu.memref_slice %arg6[%dma_wait3A_386, %dma_wait3A_387, %dma_wait3A_388] : memref<8x2x128xi32, #tpu.memory_space<vmem>> -> memref<1x1x128xi32, #tpu.memory_space<vmem>>
      %dma_wait3A_390 = tpu.memref_squeeze %dma_wait3A_389 : memref<1x1x128xi32, #tpu.memory_space<vmem>> -> memref<128xi32, #tpu.memory_space<vmem>>
      %dma_wait3A_391 = arith.constant 0 : i32
      %dma_wait3A_392 = arith.constant 0 : i32
      %dma_wait3A_393 = tpu.memref_slice %arg9[%dma_wait3A_391, %dma_wait3A_392] : memref<10240x128xf32, #tpu.memory_space<vmem_shared>> -> memref<10240x128xf32, #tpu.memory_space<vmem_shared>>
      tpu.wait_indirect_dma semaphore(%arg13 : memref<!tpu.dma_semaphore, #tpu.memory_space<semaphore_mem>>) src(%arg8 : memref<128x128xf32, #tpu.memory_space<vmem>>) dst(%dma_wait3A_393 : memref<10240x128xf32, #tpu.memory_space<vmem_shared>>)
      %dma_start3A_394 = arith.constant 7 : i32
      %dma_start3A_395 = arith.constant 0 : i32
      %dma_start3A_396 = arith.constant 0 : i32
      %dma_start3A_397 = tpu.memref_slice %arg6[%dma_start3A_394, %dma_start3A_395, %dma_start3A_396] : memref<8x2x128xi32, #tpu.memory_space<vmem>> -> memref<1x1x128xi32, #tpu.memory_space<vmem>>
      %dma_start3A_398 = tpu.memref_squeeze %dma_start3A_397 : memref<1x1x128xi32, #tpu.memory_space<vmem>> -> memref<128xi32, #tpu.memory_space<vmem>>
      %dma_start3A_399 = arith.constant 0 : i32
      %dma_start3A_400 = arith.constant 0 : i32
      %dma_start3A_401 = tpu.memref_slice %arg2[%dma_start3A_399, %dma_start3A_400] : memref<10000x128xf32, #tpu.memory_space<hbm>> -> memref<10000x128xf32, #tpu.memory_space<hbm>>
      tpu.enqueue_indirect_dma source(%dma_start3A_401 : memref<10000x128xf32, #tpu.memory_space<hbm>>) target(%arg8 : memref<128x128xf32, #tpu.memory_space<vmem>>) offsets(%dma_start3A_398 : memref<128xi32, #tpu.memory_space<vmem>>) semaphore(%arg11 : memref<!tpu.dma_semaphore, #tpu.memory_space<semaphore_mem>>)
    } else {
    }
    %add3A_337 = arith.constant 8 : i32
    %add3A_338 = arith.addi %add3A_6, %add3A_337 : i32
    %add3A_339 = arith.constant 7 : i32
    %add3A_340 = arith.addi %add3A_338, %add3A_339 : i32
    %lt3A_341 = arith.cmpi slt, %add3A_340, %add3A_11 : i32
    %convert_element_type3A_342 = arith.extui %lt3A_341 : i1 to i32
    %cond3A_343 = arith.constant 0 : i32
    %cond3A_344 = arith.cmpi ne, %convert_element_type3A_342, %cond3A_343 : i32
    scf.if %cond3A_344 {
      %dma_wait3A_386 = arith.constant 7 : i32
      %dma_wait3A_387 = arith.constant 0 : i32
      %dma_wait3A_388 = arith.constant 0 : i32
      %dma_wait3A_389 = tpu.memref_slice %arg6[%dma_wait3A_386, %dma_wait3A_387, %dma_wait3A_388] : memref<8x2x128xi32, #tpu.memory_space<vmem>> -> memref<1x1x128xi32, #tpu.memory_space<vmem>>
      %dma_wait3A_390 = tpu.memref_squeeze %dma_wait3A_389 : memref<1x1x128xi32, #tpu.memory_space<vmem>> -> memref<128xi32, #tpu.memory_space<vmem>>
      %dma_wait3A_391 = arith.constant 0 : i32
      %dma_wait3A_392 = arith.constant 0 : i32
      %dma_wait3A_393 = tpu.memref_slice %arg2[%dma_wait3A_391, %dma_wait3A_392] : memref<10000x128xf32, #tpu.memory_space<hbm>> -> memref<10000x128xf32, #tpu.memory_space<hbm>>
      tpu.wait_indirect_dma semaphore(%arg11 : memref<!tpu.dma_semaphore, #tpu.memory_space<semaphore_mem>>) src(%dma_wait3A_393 : memref<10000x128xf32, #tpu.memory_space<hbm>>) dst(%arg8 : memref<128x128xf32, #tpu.memory_space<vmem>>)
    } else {
    }
    %lt3A_345 = arith.cmpi slt, %add3A_340, %add3A_11 : i32
    %convert_element_type3A_346 = arith.extui %lt3A_345 : i1 to i32
    %cond3A_347 = arith.constant 0 : i32
    %cond3A_348 = arith.cmpi ne, %convert_element_type3A_346, %cond3A_347 : i32
    scf.if %cond3A_348 {
      %dma_start3A_386 = arith.constant 7 : i32
      %dma_start3A_387 = arith.constant 1 : i32
      %dma_start3A_388 = arith.constant 0 : i32
      %dma_start3A_389 = tpu.memref_slice %arg6[%dma_start3A_386, %dma_start3A_387, %dma_start3A_388] : memref<8x2x128xi32, #tpu.memory_space<vmem>> -> memref<1x1x128xi32, #tpu.memory_space<vmem>>
      %dma_start3A_390 = tpu.memref_squeeze %dma_start3A_389 : memref<1x1x128xi32, #tpu.memory_space<vmem>> -> memref<128xi32, #tpu.memory_space<vmem>>
      %dma_start3A_391 = arith.constant 0 : i32
      %dma_start3A_392 = arith.constant 0 : i32
      %dma_start3A_393 = tpu.memref_slice %arg9[%dma_start3A_391, %dma_start3A_392] : memref<10240x128xf32, #tpu.memory_space<vmem_shared>> -> memref<10240x128xf32, #tpu.memory_space<vmem_shared>>
      tpu.enqueue_indirect_dma source(%arg8 : memref<128x128xf32, #tpu.memory_space<vmem>>) target(%dma_start3A_393 : memref<10240x128xf32, #tpu.memory_space<vmem_shared>>) offsets(%dma_start3A_390 : memref<128xi32, #tpu.memory_space<vmem>>) semaphore(%arg13 : memref<!tpu.dma_semaphore, #tpu.memory_space<semaphore_mem>>) {add = true}
    } else {
    }
    %add3A_349 = arith.constant 8 : i32
    %add3A_350 = arith.addi %add3A_338, %add3A_349 : i32
    %dma_wait3A_351 = arith.constant 0 : i32
    %dma_wait3A_352 = arith.constant 0 : i32
    %dma_wait3A_353 = tpu.memref_slice %arg3[%add3A_350, %dma_wait3A_351, %dma_wait3A_352] : memref<2510x2x128xi32, #tpu.memory_space<hbm>> -> memref<8x2x128xi32, #tpu.memory_space<hbm>>
    %dma_wait3A_354 = arith.constant 0 : i32
    %dma_wait3A_355 = arith.constant 0 : i32
    %dma_wait3A_356 = tpu.memref_slice %arg3[%add3A_350, %dma_wait3A_354, %dma_wait3A_355] : memref<2510x2x128xi32, #tpu.memory_space<hbm>> -> memref<8x2x128xi32, #tpu.memory_space<hbm>>
    tpu.wait_dma2 semaphore(%arg14 : memref<!tpu.dma_semaphore, #tpu.memory_space<semaphore_mem>>) src(%dma_wait3A_356 : memref<8x2x128xi32, #tpu.memory_space<hbm>>) dst(%arg5 : memref<8x2x128xi32, #tpu.memory_space<vmem>>)
    %add3A_357 = arith.constant 1 : i32
    %add3A_358 = arith.addi %add3A_340, %add3A_357 : i32
    %lt3A_359 = arith.cmpi slt, %add3A_358, %add3A_11 : i32
    %convert_element_type3A_360 = arith.extui %lt3A_359 : i1 to i32
    %cond3A_361 = arith.constant 0 : i32
    %cond3A_362 = arith.cmpi ne, %convert_element_type3A_360, %cond3A_361 : i32
    scf.if %cond3A_362 {
      %dma_wait3A_386 = arith.constant 7 : i32
      %dma_wait3A_387 = arith.constant 1 : i32
      %dma_wait3A_388 = arith.constant 0 : i32
      %dma_wait3A_389 = tpu.memref_slice %arg6[%dma_wait3A_386, %dma_wait3A_387, %dma_wait3A_388] : memref<8x2x128xi32, #tpu.memory_space<vmem>> -> memref<1x1x128xi32, #tpu.memory_space<vmem>>
      %dma_wait3A_390 = tpu.memref_squeeze %dma_wait3A_389 : memref<1x1x128xi32, #tpu.memory_space<vmem>> -> memref<128xi32, #tpu.memory_space<vmem>>
      %dma_wait3A_391 = arith.constant 0 : i32
      %dma_wait3A_392 = arith.constant 0 : i32
      %dma_wait3A_393 = tpu.memref_slice %arg9[%dma_wait3A_391, %dma_wait3A_392] : memref<10240x128xf32, #tpu.memory_space<vmem_shared>> -> memref<10240x128xf32, #tpu.memory_space<vmem_shared>>
      tpu.wait_indirect_dma semaphore(%arg12 : memref<!tpu.dma_semaphore, #tpu.memory_space<semaphore_mem>>) src(%arg7 : memref<128x128xf32, #tpu.memory_space<vmem>>) dst(%dma_wait3A_393 : memref<10240x128xf32, #tpu.memory_space<vmem_shared>>)
      %dma_start3A_394 = arith.constant 0 : i32
      %dma_start3A_395 = arith.constant 0 : i32
      %dma_start3A_396 = arith.constant 0 : i32
      %dma_start3A_397 = tpu.memref_slice %arg5[%dma_start3A_394, %dma_start3A_395, %dma_start3A_396] : memref<8x2x128xi32, #tpu.memory_space<vmem>> -> memref<1x1x128xi32, #tpu.memory_space<vmem>>
      %dma_start3A_398 = tpu.memref_squeeze %dma_start3A_397 : memref<1x1x128xi32, #tpu.memory_space<vmem>> -> memref<128xi32, #tpu.memory_space<vmem>>
      %dma_start3A_399 = arith.constant 0 : i32
      %dma_start3A_400 = arith.constant 0 : i32
      %dma_start3A_401 = tpu.memref_slice %arg2[%dma_start3A_399, %dma_start3A_400] : memref<10000x128xf32, #tpu.memory_space<hbm>> -> memref<10000x128xf32, #tpu.memory_space<hbm>>
      tpu.enqueue_indirect_dma source(%dma_start3A_401 : memref<10000x128xf32, #tpu.memory_space<hbm>>) target(%arg7 : memref<128x128xf32, #tpu.memory_space<vmem>>) offsets(%dma_start3A_398 : memref<128xi32, #tpu.memory_space<vmem>>) semaphore(%arg10 : memref<!tpu.dma_semaphore, #tpu.memory_space<semaphore_mem>>)
    } else {
    }
    %scan3A_363 = arith.constant 0 : i32
    %scan3A_364 = arith.constant 0 : i32
    %scan3A_365 = arith.constant 4 : i32
    %scan3A_366 = arith.addi %scan3A_364, %scan3A_365 : i32
    %scan3A_367 = arith.constant 1 : i32
    scf.for %scan3A_386 = %scan3A_364 to %scan3A_366 step %scan3A_367  : i32 {
      %mul3A_387 = arith.constant 2 : i32
      %mul3A_388 = arith.muli %mul3A_387, %scan3A_386 : i32
      %add3A_389 = arith.constant 2 : i32
      %add3A_390 = arith.addi %mul3A_388, %add3A_389 : i32
      %add3A_391 = arith.constant 0 : i32
      %add3A_392 = arith.addi %add3A_390, %add3A_391 : i32
      %mul3A_393 = arith.constant 8 : i32
      %mul3A_394 = arith.muli %add3A_392, %mul3A_393 : i32
      %add3A_395 = arith.addi %add3A_6, %mul3A_394 : i32
      %add3A_396 = arith.constant 0 : i32
      %add3A_397 = arith.addi %add3A_395, %add3A_396 : i32
      %lt3A_398 = arith.cmpi slt, %add3A_397, %add3A_11 : i32
      %convert_element_type3A_399 = arith.extui %lt3A_398 : i1 to i32
      %cond3A_400 = arith.constant 0 : i32
      %cond3A_401 = arith.cmpi ne, %convert_element_type3A_399, %cond3A_400 : i32
      scf.if %cond3A_401 {
        %dma_wait3A_759 = arith.constant 0 : i32
        %dma_wait3A_760 = arith.constant 0 : i32
        %dma_wait3A_761 = arith.constant 0 : i32
        %dma_wait3A_762 = tpu.memref_slice %arg5[%dma_wait3A_759, %dma_wait3A_760, %dma_wait3A_761] : memref<8x2x128xi32, #tpu.memory_space<vmem>> -> memref<1x1x128xi32, #tpu.memory_space<vmem>>
        %dma_wait3A_763 = tpu.memref_squeeze %dma_wait3A_762 : memref<1x1x128xi32, #tpu.memory_space<vmem>> -> memref<128xi32, #tpu.memory_space<vmem>>
        %dma_wait3A_764 = arith.constant 0 : i32
        %dma_wait3A_765 = arith.constant 0 : i32
        %dma_wait3A_766 = tpu.memref_slice %arg2[%dma_wait3A_764, %dma_wait3A_765] : memref<10000x128xf32, #tpu.memory_space<hbm>> -> memref<10000x128xf32, #tpu.memory_space<hbm>>
        tpu.wait_indirect_dma semaphore(%arg10 : memref<!tpu.dma_semaphore, #tpu.memory_space<semaphore_mem>>) src(%dma_wait3A_766 : memref<10000x128xf32, #tpu.memory_space<hbm>>) dst(%arg7 : memref<128x128xf32, #tpu.memory_space<vmem>>)
      } else {
      }
      %lt3A_402 = arith.cmpi slt, %add3A_397, %add3A_11 : i32
      %convert_element_type3A_403 = arith.extui %lt3A_402 : i1 to i32
      %cond3A_404 = arith.constant 0 : i32
      %cond3A_405 = arith.cmpi ne, %convert_element_type3A_403, %cond3A_404 : i32
      scf.if %cond3A_405 {
        %dma_start3A_759 = arith.constant 0 : i32
        %dma_start3A_760 = arith.constant 1 : i32
        %dma_start3A_761 = arith.constant 0 : i32
        %dma_start3A_762 = tpu.memref_slice %arg5[%dma_start3A_759, %dma_start3A_760, %dma_start3A_761] : memref<8x2x128xi32, #tpu.memory_space<vmem>> -> memref<1x1x128xi32, #tpu.memory_space<vmem>>
        %dma_start3A_763 = tpu.memref_squeeze %dma_start3A_762 : memref<1x1x128xi32, #tpu.memory_space<vmem>> -> memref<128xi32, #tpu.memory_space<vmem>>
        %dma_start3A_764 = arith.constant 0 : i32
        %dma_start3A_765 = arith.constant 0 : i32
        %dma_start3A_766 = tpu.memref_slice %arg9[%dma_start3A_764, %dma_start3A_765] : memref<10240x128xf32, #tpu.memory_space<vmem_shared>> -> memref<10240x128xf32, #tpu.memory_space<vmem_shared>>
        tpu.enqueue_indirect_dma source(%arg7 : memref<128x128xf32, #tpu.memory_space<vmem>>) target(%dma_start3A_766 : memref<10240x128xf32, #tpu.memory_space<vmem_shared>>) offsets(%dma_start3A_763 : memref<128xi32, #tpu.memory_space<vmem>>) semaphore(%arg12 : memref<!tpu.dma_semaphore, #tpu.memory_space<semaphore_mem>>) {add = true}
      } else {
      }
      %add3A_406 = arith.constant 1 : i32
      %add3A_407 = arith.addi %add3A_397, %add3A_406 : i32
      %lt3A_408 = arith.cmpi slt, %add3A_407, %add3A_11 : i32
      %convert_element_type3A_409 = arith.extui %lt3A_408 : i1 to i32
      %cond3A_410 = arith.constant 0 : i32
      %cond3A_411 = arith.cmpi ne, %convert_element_type3A_409, %cond3A_410 : i32
      scf.if %cond3A_411 {
        %dma_wait3A_759 = arith.constant 0 : i32
        %dma_wait3A_760 = arith.constant 1 : i32
        %dma_wait3A_761 = arith.constant 0 : i32
        %dma_wait3A_762 = tpu.memref_slice %arg5[%dma_wait3A_759, %dma_wait3A_760, %dma_wait3A_761] : memref<8x2x128xi32, #tpu.memory_space<vmem>> -> memref<1x1x128xi32, #tpu.memory_space<vmem>>
        %dma_wait3A_763 = tpu.memref_squeeze %dma_wait3A_762 : memref<1x1x128xi32, #tpu.memory_space<vmem>> -> memref<128xi32, #tpu.memory_space<vmem>>
        %dma_wait3A_764 = arith.constant 0 : i32
        %dma_wait3A_765 = arith.constant 0 : i32
        %dma_wait3A_766 = tpu.memref_slice %arg9[%dma_wait3A_764, %dma_wait3A_765] : memref<10240x128xf32, #tpu.memory_space<vmem_shared>> -> memref<10240x128xf32, #tpu.memory_space<vmem_shared>>
        tpu.wait_indirect_dma semaphore(%arg13 : memref<!tpu.dma_semaphore, #tpu.memory_space<semaphore_mem>>) src(%arg8 : memref<128x128xf32, #tpu.memory_space<vmem>>) dst(%dma_wait3A_766 : memref<10240x128xf32, #tpu.memory_space<vmem_shared>>)
        %dma_start3A_767 = arith.constant 1 : i32
        %dma_start3A_768 = arith.constant 0 : i32
        %dma_start3A_769 = arith.constant 0 : i32
        %dma_start3A_770 = tpu.memref_slice %arg5[%dma_start3A_767, %dma_start3A_768, %dma_start3A_769] : memref<8x2x128xi32, #tpu.memory_space<vmem>> -> memref<1x1x128xi32, #tpu.memory_space<vmem>>
        %dma_start3A_771 = tpu.memref_squeeze %dma_start3A_770 : memref<1x1x128xi32, #tpu.memory_space<vmem>> -> memref<128xi32, #tpu.memory_space<vmem>>
        %dma_start3A_772 = arith.constant 0 : i32
        %dma_start3A_773 = arith.constant 0 : i32
        %dma_start3A_774 = tpu.memref_slice %arg2[%dma_start3A_772, %dma_start3A_773] : memref<10000x128xf32, #tpu.memory_space<hbm>> -> memref<10000x128xf32, #tpu.memory_space<hbm>>
        tpu.enqueue_indirect_dma source(%dma_start3A_774 : memref<10000x128xf32, #tpu.memory_space<hbm>>) target(%arg8 : memref<128x128xf32, #tpu.memory_space<vmem>>) offsets(%dma_start3A_771 : memref<128xi32, #tpu.memory_space<vmem>>) semaphore(%arg11 : memref<!tpu.dma_semaphore, #tpu.memory_space<semaphore_mem>>)
      } else {
      }
      %add3A_412 = arith.constant 0 : i32
      %add3A_413 = arith.addi %add3A_390, %add3A_412 : i32
      %mul3A_414 = arith.constant 8 : i32
      %mul3A_415 = arith.muli %add3A_413, %mul3A_414 : i32
      %add3A_416 = arith.addi %add3A_6, %mul3A_415 : i32
      %add3A_417 = arith.constant 1 : i32
      %add3A_418 = arith.addi %add3A_416, %add3A_417 : i32
      %lt3A_419 = arith.cmpi slt, %add3A_418, %add3A_11 : i32
      %convert_element_type3A_420 = arith.extui %lt3A_419 : i1 to i32
      %cond3A_421 = arith.constant 0 : i32
      %cond3A_422 = arith.cmpi ne, %convert_element_type3A_420, %cond3A_421 : i32
      scf.if %cond3A_422 {
        %dma_wait3A_759 = arith.constant 1 : i32
        %dma_wait3A_760 = arith.constant 0 : i32
        %dma_wait3A_761 = arith.constant 0 : i32
        %dma_wait3A_762 = tpu.memref_slice %arg5[%dma_wait3A_759, %dma_wait3A_760, %dma_wait3A_761] : memref<8x2x128xi32, #tpu.memory_space<vmem>> -> memref<1x1x128xi32, #tpu.memory_space<vmem>>
        %dma_wait3A_763 = tpu.memref_squeeze %dma_wait3A_762 : memref<1x1x128xi32, #tpu.memory_space<vmem>> -> memref<128xi32, #tpu.memory_space<vmem>>
        %dma_wait3A_764 = arith.constant 0 : i32
        %dma_wait3A_765 = arith.constant 0 : i32
        %dma_wait3A_766 = tpu.memref_slice %arg2[%dma_wait3A_764, %dma_wait3A_765] : memref<10000x128xf32, #tpu.memory_space<hbm>> -> memref<10000x128xf32, #tpu.memory_space<hbm>>
        tpu.wait_indirect_dma semaphore(%arg11 : memref<!tpu.dma_semaphore, #tpu.memory_space<semaphore_mem>>) src(%dma_wait3A_766 : memref<10000x128xf32, #tpu.memory_space<hbm>>) dst(%arg8 : memref<128x128xf32, #tpu.memory_space<vmem>>)
      } else {
      }
      %lt3A_423 = arith.cmpi slt, %add3A_418, %add3A_11 : i32
      %convert_element_type3A_424 = arith.extui %lt3A_423 : i1 to i32
      %cond3A_425 = arith.constant 0 : i32
      %cond3A_426 = arith.cmpi ne, %convert_element_type3A_424, %cond3A_425 : i32
      scf.if %cond3A_426 {
        %dma_start3A_759 = arith.constant 1 : i32
        %dma_start3A_760 = arith.constant 1 : i32
        %dma_start3A_761 = arith.constant 0 : i32
        %dma_start3A_762 = tpu.memref_slice %arg5[%dma_start3A_759, %dma_start3A_760, %dma_start3A_761] : memref<8x2x128xi32, #tpu.memory_space<vmem>> -> memref<1x1x128xi32, #tpu.memory_space<vmem>>
        %dma_start3A_763 = tpu.memref_squeeze %dma_start3A_762 : memref<1x1x128xi32, #tpu.memory_space<vmem>> -> memref<128xi32, #tpu.memory_space<vmem>>
        %dma_start3A_764 = arith.constant 0 : i32
        %dma_start3A_765 = arith.constant 0 : i32
        %dma_start3A_766 = tpu.memref_slice %arg9[%dma_start3A_764, %dma_start3A_765] : memref<10240x128xf32, #tpu.memory_space<vmem_shared>> -> memref<10240x128xf32, #tpu.memory_space<vmem_shared>>
        tpu.enqueue_indirect_dma source(%arg8 : memref<128x128xf32, #tpu.memory_space<vmem>>) target(%dma_start3A_766 : memref<10240x128xf32, #tpu.memory_space<vmem_shared>>) offsets(%dma_start3A_763 : memref<128xi32, #tpu.memory_space<vmem>>) semaphore(%arg13 : memref<!tpu.dma_semaphore, #tpu.memory_space<semaphore_mem>>) {add = true}
      } else {
      }
      %add3A_427 = arith.constant 8 : i32
      %add3A_428 = arith.addi %add3A_416, %add3A_427 : i32
      %dma_start3A_429 = arith.constant 0 : i32
      %dma_start3A_430 = arith.constant 0 : i32
      %dma_start3A_431 = tpu.memref_slice %arg3[%add3A_428, %dma_start3A_429, %dma_start3A_430] : memref<2510x2x128xi32, #tpu.memory_space<hbm>> -> memref<8x2x128xi32, #tpu.memory_space<hbm>>
      %dma_start3A_432 = arith.constant 0 : i32
      %dma_start3A_433 = arith.constant 0 : i32
      %dma_start3A_434 = tpu.memref_slice %arg3[%add3A_428, %dma_start3A_432, %dma_start3A_433] : memref<2510x2x128xi32, #tpu.memory_space<hbm>> -> memref<8x2x128xi32, #tpu.memory_space<hbm>>
      tpu.enqueue_dma source(%dma_start3A_434 : memref<8x2x128xi32, #tpu.memory_space<hbm>>) target(%arg6 : memref<8x2x128xi32, #tpu.memory_space<vmem>>) target_semaphore(%arg14 : memref<!tpu.dma_semaphore, #tpu.memory_space<semaphore_mem>>)
      %add3A_435 = arith.constant 1 : i32
      %add3A_436 = arith.addi %add3A_418, %add3A_435 : i32
      %lt3A_437 = arith.cmpi slt, %add3A_436, %add3A_11 : i32
      %convert_element_type3A_438 = arith.extui %lt3A_437 : i1 to i32
      %cond3A_439 = arith.constant 0 : i32
      %cond3A_440 = arith.cmpi ne, %convert_element_type3A_438, %cond3A_439 : i32
      scf.if %cond3A_440 {
        %dma_wait3A_759 = arith.constant 1 : i32
        %dma_wait3A_760 = arith.constant 1 : i32
        %dma_wait3A_761 = arith.constant 0 : i32
        %dma_wait3A_762 = tpu.memref_slice %arg5[%dma_wait3A_759, %dma_wait3A_760, %dma_wait3A_761] : memref<8x2x128xi32, #tpu.memory_space<vmem>> -> memref<1x1x128xi32, #tpu.memory_space<vmem>>
        %dma_wait3A_763 = tpu.memref_squeeze %dma_wait3A_762 : memref<1x1x128xi32, #tpu.memory_space<vmem>> -> memref<128xi32, #tpu.memory_space<vmem>>
        %dma_wait3A_764 = arith.constant 0 : i32
        %dma_wait3A_765 = arith.constant 0 : i32
        %dma_wait3A_766 = tpu.memref_slice %arg9[%dma_wait3A_764, %dma_wait3A_765] : memref<10240x128xf32, #tpu.memory_space<vmem_shared>> -> memref<10240x128xf32, #tpu.memory_space<vmem_shared>>
        tpu.wait_indirect_dma semaphore(%arg12 : memref<!tpu.dma_semaphore, #tpu.memory_space<semaphore_mem>>) src(%arg7 : memref<128x128xf32, #tpu.memory_space<vmem>>) dst(%dma_wait3A_766 : memref<10240x128xf32, #tpu.memory_space<vmem_shared>>)
        %dma_start3A_767 = arith.constant 2 : i32
        %dma_start3A_768 = arith.constant 0 : i32
        %dma_start3A_769 = arith.constant 0 : i32
        %dma_start3A_770 = tpu.memref_slice %arg5[%dma_start3A_767, %dma_start3A_768, %dma_start3A_769] : memref<8x2x128xi32, #tpu.memory_space<vmem>> -> memref<1x1x128xi32, #tpu.memory_space<vmem>>
        %dma_start3A_771 = tpu.memref_squeeze %dma_start3A_770 : memref<1x1x128xi32, #tpu.memory_space<vmem>> -> memref<128xi32, #tpu.memory_space<vmem>>
        %dma_start3A_772 = arith.constant 0 : i32
        %dma_start3A_773 = arith.constant 0 : i32
        %dma_start3A_774 = tpu.memref_slice %arg2[%dma_start3A_772, %dma_start3A_773] : memref<10000x128xf32, #tpu.memory_space<hbm>> -> memref<10000x128xf32, #tpu.memory_space<hbm>>
        tpu.enqueue_indirect_dma source(%dma_start3A_774 : memref<10000x128xf32, #tpu.memory_space<hbm>>) target(%arg7 : memref<128x128xf32, #tpu.memory_space<vmem>>) offsets(%dma_start3A_771 : memref<128xi32, #tpu.memory_space<vmem>>) semaphore(%arg10 : memref<!tpu.dma_semaphore, #tpu.memory_space<semaphore_mem>>)
      } else {
      }
      %add3A_441 = arith.constant 0 : i32
      %add3A_442 = arith.addi %add3A_390, %add3A_441 : i32
      %mul3A_443 = arith.constant 8 : i32
      %mul3A_444 = arith.muli %add3A_442, %mul3A_443 : i32
      %add3A_445 = arith.addi %add3A_6, %mul3A_444 : i32
      %add3A_446 = arith.constant 2 : i32
      %add3A_447 = arith.addi %add3A_445, %add3A_446 : i32
      %lt3A_448 = arith.cmpi slt, %add3A_447, %add3A_11 : i32
      %convert_element_type3A_449 = arith.extui %lt3A_448 : i1 to i32
      %cond3A_450 = arith.constant 0 : i32
      %cond3A_451 = arith.cmpi ne, %convert_element_type3A_449, %cond3A_450 : i32
      scf.if %cond3A_451 {
        %dma_wait3A_759 = arith.constant 2 : i32
        %dma_wait3A_760 = arith.constant 0 : i32
        %dma_wait3A_761 = arith.constant 0 : i32
        %dma_wait3A_762 = tpu.memref_slice %arg5[%dma_wait3A_759, %dma_wait3A_760, %dma_wait3A_761] : memref<8x2x128xi32, #tpu.memory_space<vmem>> -> memref<1x1x128xi32, #tpu.memory_space<vmem>>
        %dma_wait3A_763 = tpu.memref_squeeze %dma_wait3A_762 : memref<1x1x128xi32, #tpu.memory_space<vmem>> -> memref<128xi32, #tpu.memory_space<vmem>>
        %dma_wait3A_764 = arith.constant 0 : i32
        %dma_wait3A_765 = arith.constant 0 : i32
        %dma_wait3A_766 = tpu.memref_slice %arg2[%dma_wait3A_764, %dma_wait3A_765] : memref<10000x128xf32, #tpu.memory_space<hbm>> -> memref<10000x128xf32, #tpu.memory_space<hbm>>
        tpu.wait_indirect_dma semaphore(%arg10 : memref<!tpu.dma_semaphore, #tpu.memory_space<semaphore_mem>>) src(%dma_wait3A_766 : memref<10000x128xf32, #tpu.memory_space<hbm>>) dst(%arg7 : memref<128x128xf32, #tpu.memory_space<vmem>>)
      } else {
      }
      %lt3A_452 = arith.cmpi slt, %add3A_447, %add3A_11 : i32
      %convert_element_type3A_453 = arith.extui %lt3A_452 : i1 to i32
      %cond3A_454 = arith.constant 0 : i32
      %cond3A_455 = arith.cmpi ne, %convert_element_type3A_453, %cond3A_454 : i32
      scf.if %cond3A_455 {
        %dma_start3A_759 = arith.constant 2 : i32
        %dma_start3A_760 = arith.constant 1 : i32
        %dma_start3A_761 = arith.constant 0 : i32
        %dma_start3A_762 = tpu.memref_slice %arg5[%dma_start3A_759, %dma_start3A_760, %dma_start3A_761] : memref<8x2x128xi32, #tpu.memory_space<vmem>> -> memref<1x1x128xi32, #tpu.memory_space<vmem>>
        %dma_start3A_763 = tpu.memref_squeeze %dma_start3A_762 : memref<1x1x128xi32, #tpu.memory_space<vmem>> -> memref<128xi32, #tpu.memory_space<vmem>>
        %dma_start3A_764 = arith.constant 0 : i32
        %dma_start3A_765 = arith.constant 0 : i32
        %dma_start3A_766 = tpu.memref_slice %arg9[%dma_start3A_764, %dma_start3A_765] : memref<10240x128xf32, #tpu.memory_space<vmem_shared>> -> memref<10240x128xf32, #tpu.memory_space<vmem_shared>>
        tpu.enqueue_indirect_dma source(%arg7 : memref<128x128xf32, #tpu.memory_space<vmem>>) target(%dma_start3A_766 : memref<10240x128xf32, #tpu.memory_space<vmem_shared>>) offsets(%dma_start3A_763 : memref<128xi32, #tpu.memory_space<vmem>>) semaphore(%arg12 : memref<!tpu.dma_semaphore, #tpu.memory_space<semaphore_mem>>) {add = true}
      } else {
      }
      %add3A_456 = arith.constant 1 : i32
      %add3A_457 = arith.addi %add3A_447, %add3A_456 : i32
      %lt3A_458 = arith.cmpi slt, %add3A_457, %add3A_11 : i32
      %convert_element_type3A_459 = arith.extui %lt3A_458 : i1 to i32
      %cond3A_460 = arith.constant 0 : i32
      %cond3A_461 = arith.cmpi ne, %convert_element_type3A_459, %cond3A_460 : i32
      scf.if %cond3A_461 {
        %dma_wait3A_759 = arith.constant 2 : i32
        %dma_wait3A_760 = arith.constant 1 : i32
        %dma_wait3A_761 = arith.constant 0 : i32
        %dma_wait3A_762 = tpu.memref_slice %arg5[%dma_wait3A_759, %dma_wait3A_760, %dma_wait3A_761] : memref<8x2x128xi32, #tpu.memory_space<vmem>> -> memref<1x1x128xi32, #tpu.memory_space<vmem>>
        %dma_wait3A_763 = tpu.memref_squeeze %dma_wait3A_762 : memref<1x1x128xi32, #tpu.memory_space<vmem>> -> memref<128xi32, #tpu.memory_space<vmem>>
        %dma_wait3A_764 = arith.constant 0 : i32
        %dma_wait3A_765 = arith.constant 0 : i32
        %dma_wait3A_766 = tpu.memref_slice %arg9[%dma_wait3A_764, %dma_wait3A_765] : memref<10240x128xf32, #tpu.memory_space<vmem_shared>> -> memref<10240x128xf32, #tpu.memory_space<vmem_shared>>
        tpu.wait_indirect_dma semaphore(%arg13 : memref<!tpu.dma_semaphore, #tpu.memory_space<semaphore_mem>>) src(%arg8 : memref<128x128xf32, #tpu.memory_space<vmem>>) dst(%dma_wait3A_766 : memref<10240x128xf32, #tpu.memory_space<vmem_shared>>)
        %dma_start3A_767 = arith.constant 3 : i32
        %dma_start3A_768 = arith.constant 0 : i32
        %dma_start3A_769 = arith.constant 0 : i32
        %dma_start3A_770 = tpu.memref_slice %arg5[%dma_start3A_767, %dma_start3A_768, %dma_start3A_769] : memref<8x2x128xi32, #tpu.memory_space<vmem>> -> memref<1x1x128xi32, #tpu.memory_space<vmem>>
        %dma_start3A_771 = tpu.memref_squeeze %dma_start3A_770 : memref<1x1x128xi32, #tpu.memory_space<vmem>> -> memref<128xi32, #tpu.memory_space<vmem>>
        %dma_start3A_772 = arith.constant 0 : i32
        %dma_start3A_773 = arith.constant 0 : i32
        %dma_start3A_774 = tpu.memref_slice %arg2[%dma_start3A_772, %dma_start3A_773] : memref<10000x128xf32, #tpu.memory_space<hbm>> -> memref<10000x128xf32, #tpu.memory_space<hbm>>
        tpu.enqueue_indirect_dma source(%dma_start3A_774 : memref<10000x128xf32, #tpu.memory_space<hbm>>) target(%arg8 : memref<128x128xf32, #tpu.memory_space<vmem>>) offsets(%dma_start3A_771 : memref<128xi32, #tpu.memory_space<vmem>>) semaphore(%arg11 : memref<!tpu.dma_semaphore, #tpu.memory_space<semaphore_mem>>)
      } else {
      }
      %add3A_462 = arith.constant 0 : i32
      %add3A_463 = arith.addi %add3A_390, %add3A_462 : i32
      %mul3A_464 = arith.constant 8 : i32
      %mul3A_465 = arith.muli %add3A_463, %mul3A_464 : i32
      %add3A_466 = arith.addi %add3A_6, %mul3A_465 : i32
      %add3A_467 = arith.constant 3 : i32
      %add3A_468 = arith.addi %add3A_466, %add3A_467 : i32
      %lt3A_469 = arith.cmpi slt, %add3A_468, %add3A_11 : i32
      %convert_element_type3A_470 = arith.extui %lt3A_469 : i1 to i32
      %cond3A_471 = arith.constant 0 : i32
      %cond3A_472 = arith.cmpi ne, %convert_element_type3A_470, %cond3A_471 : i32
      scf.if %cond3A_472 {
        %dma_wait3A_759 = arith.constant 3 : i32
        %dma_wait3A_760 = arith.constant 0 : i32
        %dma_wait3A_761 = arith.constant 0 : i32
        %dma_wait3A_762 = tpu.memref_slice %arg5[%dma_wait3A_759, %dma_wait3A_760, %dma_wait3A_761] : memref<8x2x128xi32, #tpu.memory_space<vmem>> -> memref<1x1x128xi32, #tpu.memory_space<vmem>>
        %dma_wait3A_763 = tpu.memref_squeeze %dma_wait3A_762 : memref<1x1x128xi32, #tpu.memory_space<vmem>> -> memref<128xi32, #tpu.memory_space<vmem>>
        %dma_wait3A_764 = arith.constant 0 : i32
        %dma_wait3A_765 = arith.constant 0 : i32
        %dma_wait3A_766 = tpu.memref_slice %arg2[%dma_wait3A_764, %dma_wait3A_765] : memref<10000x128xf32, #tpu.memory_space<hbm>> -> memref<10000x128xf32, #tpu.memory_space<hbm>>
        tpu.wait_indirect_dma semaphore(%arg11 : memref<!tpu.dma_semaphore, #tpu.memory_space<semaphore_mem>>) src(%dma_wait3A_766 : memref<10000x128xf32, #tpu.memory_space<hbm>>) dst(%arg8 : memref<128x128xf32, #tpu.memory_space<vmem>>)
      } else {
      }
      %lt3A_473 = arith.cmpi slt, %add3A_468, %add3A_11 : i32
      %convert_element_type3A_474 = arith.extui %lt3A_473 : i1 to i32
      %cond3A_475 = arith.constant 0 : i32
      %cond3A_476 = arith.cmpi ne, %convert_element_type3A_474, %cond3A_475 : i32
      scf.if %cond3A_476 {
        %dma_start3A_759 = arith.constant 3 : i32
        %dma_start3A_760 = arith.constant 1 : i32
        %dma_start3A_761 = arith.constant 0 : i32
        %dma_start3A_762 = tpu.memref_slice %arg5[%dma_start3A_759, %dma_start3A_760, %dma_start3A_761] : memref<8x2x128xi32, #tpu.memory_space<vmem>> -> memref<1x1x128xi32, #tpu.memory_space<vmem>>
        %dma_start3A_763 = tpu.memref_squeeze %dma_start3A_762 : memref<1x1x128xi32, #tpu.memory_space<vmem>> -> memref<128xi32, #tpu.memory_space<vmem>>
        %dma_start3A_764 = arith.constant 0 : i32
        %dma_start3A_765 = arith.constant 0 : i32
        %dma_start3A_766 = tpu.memref_slice %arg9[%dma_start3A_764, %dma_start3A_765] : memref<10240x128xf32, #tpu.memory_space<vmem_shared>> -> memref<10240x128xf32, #tpu.memory_space<vmem_shared>>
        tpu.enqueue_indirect_dma source(%arg8 : memref<128x128xf32, #tpu.memory_space<vmem>>) target(%dma_start3A_766 : memref<10240x128xf32, #tpu.memory_space<vmem_shared>>) offsets(%dma_start3A_763 : memref<128xi32, #tpu.memory_space<vmem>>) semaphore(%arg13 : memref<!tpu.dma_semaphore, #tpu.memory_space<semaphore_mem>>) {add = true}
      } else {
      }
      %add3A_477 = arith.constant 1 : i32
      %add3A_478 = arith.addi %add3A_468, %add3A_477 : i32
      %lt3A_479 = arith.cmpi slt, %add3A_478, %add3A_11 : i32
      %convert_element_type3A_480 = arith.extui %lt3A_479 : i1 to i32
      %cond3A_481 = arith.constant 0 : i32
      %cond3A_482 = arith.cmpi ne, %convert_element_type3A_480, %cond3A_481 : i32
      scf.if %cond3A_482 {
        %dma_wait3A_759 = arith.constant 3 : i32
        %dma_wait3A_760 = arith.constant 1 : i32
        %dma_wait3A_761 = arith.constant 0 : i32
        %dma_wait3A_762 = tpu.memref_slice %arg5[%dma_wait3A_759, %dma_wait3A_760, %dma_wait3A_761] : memref<8x2x128xi32, #tpu.memory_space<vmem>> -> memref<1x1x128xi32, #tpu.memory_space<vmem>>
        %dma_wait3A_763 = tpu.memref_squeeze %dma_wait3A_762 : memref<1x1x128xi32, #tpu.memory_space<vmem>> -> memref<128xi32, #tpu.memory_space<vmem>>
        %dma_wait3A_764 = arith.constant 0 : i32
        %dma_wait3A_765 = arith.constant 0 : i32
        %dma_wait3A_766 = tpu.memref_slice %arg9[%dma_wait3A_764, %dma_wait3A_765] : memref<10240x128xf32, #tpu.memory_space<vmem_shared>> -> memref<10240x128xf32, #tpu.memory_space<vmem_shared>>
        tpu.wait_indirect_dma semaphore(%arg12 : memref<!tpu.dma_semaphore, #tpu.memory_space<semaphore_mem>>) src(%arg7 : memref<128x128xf32, #tpu.memory_space<vmem>>) dst(%dma_wait3A_766 : memref<10240x128xf32, #tpu.memory_space<vmem_shared>>)
        %dma_start3A_767 = arith.constant 4 : i32
        %dma_start3A_768 = arith.constant 0 : i32
        %dma_start3A_769 = arith.constant 0 : i32
        %dma_start3A_770 = tpu.memref_slice %arg5[%dma_start3A_767, %dma_start3A_768, %dma_start3A_769] : memref<8x2x128xi32, #tpu.memory_space<vmem>> -> memref<1x1x128xi32, #tpu.memory_space<vmem>>
        %dma_start3A_771 = tpu.memref_squeeze %dma_start3A_770 : memref<1x1x128xi32, #tpu.memory_space<vmem>> -> memref<128xi32, #tpu.memory_space<vmem>>
        %dma_start3A_772 = arith.constant 0 : i32
        %dma_start3A_773 = arith.constant 0 : i32
        %dma_start3A_774 = tpu.memref_slice %arg2[%dma_start3A_772, %dma_start3A_773] : memref<10000x128xf32, #tpu.memory_space<hbm>> -> memref<10000x128xf32, #tpu.memory_space<hbm>>
        tpu.enqueue_indirect_dma source(%dma_start3A_774 : memref<10000x128xf32, #tpu.memory_space<hbm>>) target(%arg7 : memref<128x128xf32, #tpu.memory_space<vmem>>) offsets(%dma_start3A_771 : memref<128xi32, #tpu.memory_space<vmem>>) semaphore(%arg10 : memref<!tpu.dma_semaphore, #tpu.memory_space<semaphore_mem>>)
      } else {
      }
      %add3A_483 = arith.constant 0 : i32
      %add3A_484 = arith.addi %add3A_390, %add3A_483 : i32
      %mul3A_485 = arith.constant 8 : i32
      %mul3A_486 = arith.muli %add3A_484, %mul3A_485 : i32
      %add3A_487 = arith.addi %add3A_6, %mul3A_486 : i32
      %add3A_488 = arith.constant 4 : i32
      %add3A_489 = arith.addi %add3A_487, %add3A_488 : i32
      %lt3A_490 = arith.cmpi slt, %add3A_489, %add3A_11 : i32
      %convert_element_type3A_491 = arith.extui %lt3A_490 : i1 to i32
      %cond3A_492 = arith.constant 0 : i32
      %cond3A_493 = arith.cmpi ne, %convert_element_type3A_491, %cond3A_492 : i32
      scf.if %cond3A_493 {
        %dma_wait3A_759 = arith.constant 4 : i32
        %dma_wait3A_760 = arith.constant 0 : i32
        %dma_wait3A_761 = arith.constant 0 : i32
        %dma_wait3A_762 = tpu.memref_slice %arg5[%dma_wait3A_759, %dma_wait3A_760, %dma_wait3A_761] : memref<8x2x128xi32, #tpu.memory_space<vmem>> -> memref<1x1x128xi32, #tpu.memory_space<vmem>>
        %dma_wait3A_763 = tpu.memref_squeeze %dma_wait3A_762 : memref<1x1x128xi32, #tpu.memory_space<vmem>> -> memref<128xi32, #tpu.memory_space<vmem>>
        %dma_wait3A_764 = arith.constant 0 : i32
        %dma_wait3A_765 = arith.constant 0 : i32
        %dma_wait3A_766 = tpu.memref_slice %arg2[%dma_wait3A_764, %dma_wait3A_765] : memref<10000x128xf32, #tpu.memory_space<hbm>> -> memref<10000x128xf32, #tpu.memory_space<hbm>>
        tpu.wait_indirect_dma semaphore(%arg10 : memref<!tpu.dma_semaphore, #tpu.memory_space<semaphore_mem>>) src(%dma_wait3A_766 : memref<10000x128xf32, #tpu.memory_space<hbm>>) dst(%arg7 : memref<128x128xf32, #tpu.memory_space<vmem>>)
      } else {
      }
      %lt3A_494 = arith.cmpi slt, %add3A_489, %add3A_11 : i32
      %convert_element_type3A_495 = arith.extui %lt3A_494 : i1 to i32
      %cond3A_496 = arith.constant 0 : i32
      %cond3A_497 = arith.cmpi ne, %convert_element_type3A_495, %cond3A_496 : i32
      scf.if %cond3A_497 {
        %dma_start3A_759 = arith.constant 4 : i32
        %dma_start3A_760 = arith.constant 1 : i32
        %dma_start3A_761 = arith.constant 0 : i32
        %dma_start3A_762 = tpu.memref_slice %arg5[%dma_start3A_759, %dma_start3A_760, %dma_start3A_761] : memref<8x2x128xi32, #tpu.memory_space<vmem>> -> memref<1x1x128xi32, #tpu.memory_space<vmem>>
        %dma_start3A_763 = tpu.memref_squeeze %dma_start3A_762 : memref<1x1x128xi32, #tpu.memory_space<vmem>> -> memref<128xi32, #tpu.memory_space<vmem>>
        %dma_start3A_764 = arith.constant 0 : i32
        %dma_start3A_765 = arith.constant 0 : i32
        %dma_start3A_766 = tpu.memref_slice %arg9[%dma_start3A_764, %dma_start3A_765] : memref<10240x128xf32, #tpu.memory_space<vmem_shared>> -> memref<10240x128xf32, #tpu.memory_space<vmem_shared>>
        tpu.enqueue_indirect_dma source(%arg7 : memref<128x128xf32, #tpu.memory_space<vmem>>) target(%dma_start3A_766 : memref<10240x128xf32, #tpu.memory_space<vmem_shared>>) offsets(%dma_start3A_763 : memref<128xi32, #tpu.memory_space<vmem>>) semaphore(%arg12 : memref<!tpu.dma_semaphore, #tpu.memory_space<semaphore_mem>>) {add = true}
      } else {
      }
      %add3A_498 = arith.constant 1 : i32
      %add3A_499 = arith.addi %add3A_489, %add3A_498 : i32
      %lt3A_500 = arith.cmpi slt, %add3A_499, %add3A_11 : i32
      %convert_element_type3A_501 = arith.extui %lt3A_500 : i1 to i32
      %cond3A_502 = arith.constant 0 : i32
      %cond3A_503 = arith.cmpi ne, %convert_element_type3A_501, %cond3A_502 : i32
      scf.if %cond3A_503 {
        %dma_wait3A_759 = arith.constant 4 : i32
        %dma_wait3A_760 = arith.constant 1 : i32
        %dma_wait3A_761 = arith.constant 0 : i32
        %dma_wait3A_762 = tpu.memref_slice %arg5[%dma_wait3A_759, %dma_wait3A_760, %dma_wait3A_761] : memref<8x2x128xi32, #tpu.memory_space<vmem>> -> memref<1x1x128xi32, #tpu.memory_space<vmem>>
        %dma_wait3A_763 = tpu.memref_squeeze %dma_wait3A_762 : memref<1x1x128xi32, #tpu.memory_space<vmem>> -> memref<128xi32, #tpu.memory_space<vmem>>
        %dma_wait3A_764 = arith.constant 0 : i32
        %dma_wait3A_765 = arith.constant 0 : i32
        %dma_wait3A_766 = tpu.memref_slice %arg9[%dma_wait3A_764, %dma_wait3A_765] : memref<10240x128xf32, #tpu.memory_space<vmem_shared>> -> memref<10240x128xf32, #tpu.memory_space<vmem_shared>>
        tpu.wait_indirect_dma semaphore(%arg13 : memref<!tpu.dma_semaphore, #tpu.memory_space<semaphore_mem>>) src(%arg8 : memref<128x128xf32, #tpu.memory_space<vmem>>) dst(%dma_wait3A_766 : memref<10240x128xf32, #tpu.memory_space<vmem_shared>>)
        %dma_start3A_767 = arith.constant 5 : i32
        %dma_start3A_768 = arith.constant 0 : i32
        %dma_start3A_769 = arith.constant 0 : i32
        %dma_start3A_770 = tpu.memref_slice %arg5[%dma_start3A_767, %dma_start3A_768, %dma_start3A_769] : memref<8x2x128xi32, #tpu.memory_space<vmem>> -> memref<1x1x128xi32, #tpu.memory_space<vmem>>
        %dma_start3A_771 = tpu.memref_squeeze %dma_start3A_770 : memref<1x1x128xi32, #tpu.memory_space<vmem>> -> memref<128xi32, #tpu.memory_space<vmem>>
        %dma_start3A_772 = arith.constant 0 : i32
        %dma_start3A_773 = arith.constant 0 : i32
        %dma_start3A_774 = tpu.memref_slice %arg2[%dma_start3A_772, %dma_start3A_773] : memref<10000x128xf32, #tpu.memory_space<hbm>> -> memref<10000x128xf32, #tpu.memory_space<hbm>>
        tpu.enqueue_indirect_dma source(%dma_start3A_774 : memref<10000x128xf32, #tpu.memory_space<hbm>>) target(%arg8 : memref<128x128xf32, #tpu.memory_space<vmem>>) offsets(%dma_start3A_771 : memref<128xi32, #tpu.memory_space<vmem>>) semaphore(%arg11 : memref<!tpu.dma_semaphore, #tpu.memory_space<semaphore_mem>>)
      } else {
      }
      %add3A_504 = arith.constant 0 : i32
      %add3A_505 = arith.addi %add3A_390, %add3A_504 : i32
      %mul3A_506 = arith.constant 8 : i32
      %mul3A_507 = arith.muli %add3A_505, %mul3A_506 : i32
      %add3A_508 = arith.addi %add3A_6, %mul3A_507 : i32
      %add3A_509 = arith.constant 5 : i32
      %add3A_510 = arith.addi %add3A_508, %add3A_509 : i32
      %lt3A_511 = arith.cmpi slt, %add3A_510, %add3A_11 : i32
      %convert_element_type3A_512 = arith.extui %lt3A_511 : i1 to i32
      %cond3A_513 = arith.constant 0 : i32
      %cond3A_514 = arith.cmpi ne, %convert_element_type3A_512, %cond3A_513 : i32
      scf.if %cond3A_514 {
        %dma_wait3A_759 = arith.constant 5 : i32
        %dma_wait3A_760 = arith.constant 0 : i32
        %dma_wait3A_761 = arith.constant 0 : i32
        %dma_wait3A_762 = tpu.memref_slice %arg5[%dma_wait3A_759, %dma_wait3A_760, %dma_wait3A_761] : memref<8x2x128xi32, #tpu.memory_space<vmem>> -> memref<1x1x128xi32, #tpu.memory_space<vmem>>
        %dma_wait3A_763 = tpu.memref_squeeze %dma_wait3A_762 : memref<1x1x128xi32, #tpu.memory_space<vmem>> -> memref<128xi32, #tpu.memory_space<vmem>>
        %dma_wait3A_764 = arith.constant 0 : i32
        %dma_wait3A_765 = arith.constant 0 : i32
        %dma_wait3A_766 = tpu.memref_slice %arg2[%dma_wait3A_764, %dma_wait3A_765] : memref<10000x128xf32, #tpu.memory_space<hbm>> -> memref<10000x128xf32, #tpu.memory_space<hbm>>
        tpu.wait_indirect_dma semaphore(%arg11 : memref<!tpu.dma_semaphore, #tpu.memory_space<semaphore_mem>>) src(%dma_wait3A_766 : memref<10000x128xf32, #tpu.memory_space<hbm>>) dst(%arg8 : memref<128x128xf32, #tpu.memory_space<vmem>>)
      } else {
      }
      %lt3A_515 = arith.cmpi slt, %add3A_510, %add3A_11 : i32
      %convert_element_type3A_516 = arith.extui %lt3A_515 : i1 to i32
      %cond3A_517 = arith.constant 0 : i32
      %cond3A_518 = arith.cmpi ne, %convert_element_type3A_516, %cond3A_517 : i32
      scf.if %cond3A_518 {
        %dma_start3A_759 = arith.constant 5 : i32
        %dma_start3A_760 = arith.constant 1 : i32
        %dma_start3A_761 = arith.constant 0 : i32
        %dma_start3A_762 = tpu.memref_slice %arg5[%dma_start3A_759, %dma_start3A_760, %dma_start3A_761] : memref<8x2x128xi32, #tpu.memory_space<vmem>> -> memref<1x1x128xi32, #tpu.memory_space<vmem>>
        %dma_start3A_763 = tpu.memref_squeeze %dma_start3A_762 : memref<1x1x128xi32, #tpu.memory_space<vmem>> -> memref<128xi32, #tpu.memory_space<vmem>>
        %dma_start3A_764 = arith.constant 0 : i32
        %dma_start3A_765 = arith.constant 0 : i32
        %dma_start3A_766 = tpu.memref_slice %arg9[%dma_start3A_764, %dma_start3A_765] : memref<10240x128xf32, #tpu.memory_space<vmem_shared>> -> memref<10240x128xf32, #tpu.memory_space<vmem_shared>>
        tpu.enqueue_indirect_dma source(%arg8 : memref<128x128xf32, #tpu.memory_space<vmem>>) target(%dma_start3A_766 : memref<10240x128xf32, #tpu.memory_space<vmem_shared>>) offsets(%dma_start3A_763 : memref<128xi32, #tpu.memory_space<vmem>>) semaphore(%arg13 : memref<!tpu.dma_semaphore, #tpu.memory_space<semaphore_mem>>) {add = true}
      } else {
      }
      %add3A_519 = arith.constant 1 : i32
      %add3A_520 = arith.addi %add3A_510, %add3A_519 : i32
      %lt3A_521 = arith.cmpi slt, %add3A_520, %add3A_11 : i32
      %convert_element_type3A_522 = arith.extui %lt3A_521 : i1 to i32
      %cond3A_523 = arith.constant 0 : i32
      %cond3A_524 = arith.cmpi ne, %convert_element_type3A_522, %cond3A_523 : i32
      scf.if %cond3A_524 {
        %dma_wait3A_759 = arith.constant 5 : i32
        %dma_wait3A_760 = arith.constant 1 : i32
        %dma_wait3A_761 = arith.constant 0 : i32
        %dma_wait3A_762 = tpu.memref_slice %arg5[%dma_wait3A_759, %dma_wait3A_760, %dma_wait3A_761] : memref<8x2x128xi32, #tpu.memory_space<vmem>> -> memref<1x1x128xi32, #tpu.memory_space<vmem>>
        %dma_wait3A_763 = tpu.memref_squeeze %dma_wait3A_762 : memref<1x1x128xi32, #tpu.memory_space<vmem>> -> memref<128xi32, #tpu.memory_space<vmem>>
        %dma_wait3A_764 = arith.constant 0 : i32
        %dma_wait3A_765 = arith.constant 0 : i32
        %dma_wait3A_766 = tpu.memref_slice %arg9[%dma_wait3A_764, %dma_wait3A_765] : memref<10240x128xf32, #tpu.memory_space<vmem_shared>> -> memref<10240x128xf32, #tpu.memory_space<vmem_shared>>
        tpu.wait_indirect_dma semaphore(%arg12 : memref<!tpu.dma_semaphore, #tpu.memory_space<semaphore_mem>>) src(%arg7 : memref<128x128xf32, #tpu.memory_space<vmem>>) dst(%dma_wait3A_766 : memref<10240x128xf32, #tpu.memory_space<vmem_shared>>)
        %dma_start3A_767 = arith.constant 6 : i32
        %dma_start3A_768 = arith.constant 0 : i32
        %dma_start3A_769 = arith.constant 0 : i32
        %dma_start3A_770 = tpu.memref_slice %arg5[%dma_start3A_767, %dma_start3A_768, %dma_start3A_769] : memref<8x2x128xi32, #tpu.memory_space<vmem>> -> memref<1x1x128xi32, #tpu.memory_space<vmem>>
        %dma_start3A_771 = tpu.memref_squeeze %dma_start3A_770 : memref<1x1x128xi32, #tpu.memory_space<vmem>> -> memref<128xi32, #tpu.memory_space<vmem>>
        %dma_start3A_772 = arith.constant 0 : i32
        %dma_start3A_773 = arith.constant 0 : i32
        %dma_start3A_774 = tpu.memref_slice %arg2[%dma_start3A_772, %dma_start3A_773] : memref<10000x128xf32, #tpu.memory_space<hbm>> -> memref<10000x128xf32, #tpu.memory_space<hbm>>
        tpu.enqueue_indirect_dma source(%dma_start3A_774 : memref<10000x128xf32, #tpu.memory_space<hbm>>) target(%arg7 : memref<128x128xf32, #tpu.memory_space<vmem>>) offsets(%dma_start3A_771 : memref<128xi32, #tpu.memory_space<vmem>>) semaphore(%arg10 : memref<!tpu.dma_semaphore, #tpu.memory_space<semaphore_mem>>)
      } else {
      }
      %add3A_525 = arith.constant 0 : i32
      %add3A_526 = arith.addi %add3A_390, %add3A_525 : i32
      %mul3A_527 = arith.constant 8 : i32
      %mul3A_528 = arith.muli %add3A_526, %mul3A_527 : i32
      %add3A_529 = arith.addi %add3A_6, %mul3A_528 : i32
      %add3A_530 = arith.constant 6 : i32
      %add3A_531 = arith.addi %add3A_529, %add3A_530 : i32
      %lt3A_532 = arith.cmpi slt, %add3A_531, %add3A_11 : i32
      %convert_element_type3A_533 = arith.extui %lt3A_532 : i1 to i32
      %cond3A_534 = arith.constant 0 : i32
      %cond3A_535 = arith.cmpi ne, %convert_element_type3A_533, %cond3A_534 : i32
      scf.if %cond3A_535 {
        %dma_wait3A_759 = arith.constant 6 : i32
        %dma_wait3A_760 = arith.constant 0 : i32
        %dma_wait3A_761 = arith.constant 0 : i32
        %dma_wait3A_762 = tpu.memref_slice %arg5[%dma_wait3A_759, %dma_wait3A_760, %dma_wait3A_761] : memref<8x2x128xi32, #tpu.memory_space<vmem>> -> memref<1x1x128xi32, #tpu.memory_space<vmem>>
        %dma_wait3A_763 = tpu.memref_squeeze %dma_wait3A_762 : memref<1x1x128xi32, #tpu.memory_space<vmem>> -> memref<128xi32, #tpu.memory_space<vmem>>
        %dma_wait3A_764 = arith.constant 0 : i32
        %dma_wait3A_765 = arith.constant 0 : i32
        %dma_wait3A_766 = tpu.memref_slice %arg2[%dma_wait3A_764, %dma_wait3A_765] : memref<10000x128xf32, #tpu.memory_space<hbm>> -> memref<10000x128xf32, #tpu.memory_space<hbm>>
        tpu.wait_indirect_dma semaphore(%arg10 : memref<!tpu.dma_semaphore, #tpu.memory_space<semaphore_mem>>) src(%dma_wait3A_766 : memref<10000x128xf32, #tpu.memory_space<hbm>>) dst(%arg7 : memref<128x128xf32, #tpu.memory_space<vmem>>)
      } else {
      }
      %lt3A_536 = arith.cmpi slt, %add3A_531, %add3A_11 : i32
      %convert_element_type3A_537 = arith.extui %lt3A_536 : i1 to i32
      %cond3A_538 = arith.constant 0 : i32
      %cond3A_539 = arith.cmpi ne, %convert_element_type3A_537, %cond3A_538 : i32
      scf.if %cond3A_539 {
        %dma_start3A_759 = arith.constant 6 : i32
        %dma_start3A_760 = arith.constant 1 : i32
        %dma_start3A_761 = arith.constant 0 : i32
        %dma_start3A_762 = tpu.memref_slice %arg5[%dma_start3A_759, %dma_start3A_760, %dma_start3A_761] : memref<8x2x128xi32, #tpu.memory_space<vmem>> -> memref<1x1x128xi32, #tpu.memory_space<vmem>>
        %dma_start3A_763 = tpu.memref_squeeze %dma_start3A_762 : memref<1x1x128xi32, #tpu.memory_space<vmem>> -> memref<128xi32, #tpu.memory_space<vmem>>
        %dma_start3A_764 = arith.constant 0 : i32
        %dma_start3A_765 = arith.constant 0 : i32
        %dma_start3A_766 = tpu.memref_slice %arg9[%dma_start3A_764, %dma_start3A_765] : memref<10240x128xf32, #tpu.memory_space<vmem_shared>> -> memref<10240x128xf32, #tpu.memory_space<vmem_shared>>
        tpu.enqueue_indirect_dma source(%arg7 : memref<128x128xf32, #tpu.memory_space<vmem>>) target(%dma_start3A_766 : memref<10240x128xf32, #tpu.memory_space<vmem_shared>>) offsets(%dma_start3A_763 : memref<128xi32, #tpu.memory_space<vmem>>) semaphore(%arg12 : memref<!tpu.dma_semaphore, #tpu.memory_space<semaphore_mem>>) {add = true}
      } else {
      }
      %add3A_540 = arith.constant 1 : i32
      %add3A_541 = arith.addi %add3A_531, %add3A_540 : i32
      %lt3A_542 = arith.cmpi slt, %add3A_541, %add3A_11 : i32
      %convert_element_type3A_543 = arith.extui %lt3A_542 : i1 to i32
      %cond3A_544 = arith.constant 0 : i32
      %cond3A_545 = arith.cmpi ne, %convert_element_type3A_543, %cond3A_544 : i32
      scf.if %cond3A_545 {
        %dma_wait3A_759 = arith.constant 6 : i32
        %dma_wait3A_760 = arith.constant 1 : i32
        %dma_wait3A_761 = arith.constant 0 : i32
        %dma_wait3A_762 = tpu.memref_slice %arg5[%dma_wait3A_759, %dma_wait3A_760, %dma_wait3A_761] : memref<8x2x128xi32, #tpu.memory_space<vmem>> -> memref<1x1x128xi32, #tpu.memory_space<vmem>>
        %dma_wait3A_763 = tpu.memref_squeeze %dma_wait3A_762 : memref<1x1x128xi32, #tpu.memory_space<vmem>> -> memref<128xi32, #tpu.memory_space<vmem>>
        %dma_wait3A_764 = arith.constant 0 : i32
        %dma_wait3A_765 = arith.constant 0 : i32
        %dma_wait3A_766 = tpu.memref_slice %arg9[%dma_wait3A_764, %dma_wait3A_765] : memref<10240x128xf32, #tpu.memory_space<vmem_shared>> -> memref<10240x128xf32, #tpu.memory_space<vmem_shared>>
        tpu.wait_indirect_dma semaphore(%arg13 : memref<!tpu.dma_semaphore, #tpu.memory_space<semaphore_mem>>) src(%arg8 : memref<128x128xf32, #tpu.memory_space<vmem>>) dst(%dma_wait3A_766 : memref<10240x128xf32, #tpu.memory_space<vmem_shared>>)
        %dma_start3A_767 = arith.constant 7 : i32
        %dma_start3A_768 = arith.constant 0 : i32
        %dma_start3A_769 = arith.constant 0 : i32
        %dma_start3A_770 = tpu.memref_slice %arg5[%dma_start3A_767, %dma_start3A_768, %dma_start3A_769] : memref<8x2x128xi32, #tpu.memory_space<vmem>> -> memref<1x1x128xi32, #tpu.memory_space<vmem>>
        %dma_start3A_771 = tpu.memref_squeeze %dma_start3A_770 : memref<1x1x128xi32, #tpu.memory_space<vmem>> -> memref<128xi32, #tpu.memory_space<vmem>>
        %dma_start3A_772 = arith.constant 0 : i32
        %dma_start3A_773 = arith.constant 0 : i32
        %dma_start3A_774 = tpu.memref_slice %arg2[%dma_start3A_772, %dma_start3A_773] : memref<10000x128xf32, #tpu.memory_space<hbm>> -> memref<10000x128xf32, #tpu.memory_space<hbm>>
        tpu.enqueue_indirect_dma source(%dma_start3A_774 : memref<10000x128xf32, #tpu.memory_space<hbm>>) target(%arg8 : memref<128x128xf32, #tpu.memory_space<vmem>>) offsets(%dma_start3A_771 : memref<128xi32, #tpu.memory_space<vmem>>) semaphore(%arg11 : memref<!tpu.dma_semaphore, #tpu.memory_space<semaphore_mem>>)
      } else {
      }
      %add3A_546 = arith.constant 0 : i32
      %add3A_547 = arith.addi %add3A_390, %add3A_546 : i32
      %mul3A_548 = arith.constant 8 : i32
      %mul3A_549 = arith.muli %add3A_547, %mul3A_548 : i32
      %add3A_550 = arith.addi %add3A_6, %mul3A_549 : i32
      %add3A_551 = arith.constant 7 : i32
      %add3A_552 = arith.addi %add3A_550, %add3A_551 : i32
      %lt3A_553 = arith.cmpi slt, %add3A_552, %add3A_11 : i32
      %convert_element_type3A_554 = arith.extui %lt3A_553 : i1 to i32
      %cond3A_555 = arith.constant 0 : i32
      %cond3A_556 = arith.cmpi ne, %convert_element_type3A_554, %cond3A_555 : i32
      scf.if %cond3A_556 {
        %dma_wait3A_759 = arith.constant 7 : i32
        %dma_wait3A_760 = arith.constant 0 : i32
        %dma_wait3A_761 = arith.constant 0 : i32
        %dma_wait3A_762 = tpu.memref_slice %arg5[%dma_wait3A_759, %dma_wait3A_760, %dma_wait3A_761] : memref<8x2x128xi32, #tpu.memory_space<vmem>> -> memref<1x1x128xi32, #tpu.memory_space<vmem>>
        %dma_wait3A_763 = tpu.memref_squeeze %dma_wait3A_762 : memref<1x1x128xi32, #tpu.memory_space<vmem>> -> memref<128xi32, #tpu.memory_space<vmem>>
        %dma_wait3A_764 = arith.constant 0 : i32
        %dma_wait3A_765 = arith.constant 0 : i32
        %dma_wait3A_766 = tpu.memref_slice %arg2[%dma_wait3A_764, %dma_wait3A_765] : memref<10000x128xf32, #tpu.memory_space<hbm>> -> memref<10000x128xf32, #tpu.memory_space<hbm>>
        tpu.wait_indirect_dma semaphore(%arg11 : memref<!tpu.dma_semaphore, #tpu.memory_space<semaphore_mem>>) src(%dma_wait3A_766 : memref<10000x128xf32, #tpu.memory_space<hbm>>) dst(%arg8 : memref<128x128xf32, #tpu.memory_space<vmem>>)
      } else {
      }
      %lt3A_557 = arith.cmpi slt, %add3A_552, %add3A_11 : i32
      %convert_element_type3A_558 = arith.extui %lt3A_557 : i1 to i32
      %cond3A_559 = arith.constant 0 : i32
      %cond3A_560 = arith.cmpi ne, %convert_element_type3A_558, %cond3A_559 : i32
      scf.if %cond3A_560 {
        %dma_start3A_759 = arith.constant 7 : i32
        %dma_start3A_760 = arith.constant 1 : i32
        %dma_start3A_761 = arith.constant 0 : i32
        %dma_start3A_762 = tpu.memref_slice %arg5[%dma_start3A_759, %dma_start3A_760, %dma_start3A_761] : memref<8x2x128xi32, #tpu.memory_space<vmem>> -> memref<1x1x128xi32, #tpu.memory_space<vmem>>
        %dma_start3A_763 = tpu.memref_squeeze %dma_start3A_762 : memref<1x1x128xi32, #tpu.memory_space<vmem>> -> memref<128xi32, #tpu.memory_space<vmem>>
        %dma_start3A_764 = arith.constant 0 : i32
        %dma_start3A_765 = arith.constant 0 : i32
        %dma_start3A_766 = tpu.memref_slice %arg9[%dma_start3A_764, %dma_start3A_765] : memref<10240x128xf32, #tpu.memory_space<vmem_shared>> -> memref<10240x128xf32, #tpu.memory_space<vmem_shared>>
        tpu.enqueue_indirect_dma source(%arg8 : memref<128x128xf32, #tpu.memory_space<vmem>>) target(%dma_start3A_766 : memref<10240x128xf32, #tpu.memory_space<vmem_shared>>) offsets(%dma_start3A_763 : memref<128xi32, #tpu.memory_space<vmem>>) semaphore(%arg13 : memref<!tpu.dma_semaphore, #tpu.memory_space<semaphore_mem>>) {add = true}
      } else {
      }
      %add3A_561 = arith.constant 8 : i32
      %add3A_562 = arith.addi %add3A_550, %add3A_561 : i32
      %dma_wait3A_563 = arith.constant 0 : i32
      %dma_wait3A_564 = arith.constant 0 : i32
      %dma_wait3A_565 = tpu.memref_slice %arg3[%add3A_562, %dma_wait3A_563, %dma_wait3A_564] : memref<2510x2x128xi32, #tpu.memory_space<hbm>> -> memref<8x2x128xi32, #tpu.memory_space<hbm>>
      %dma_wait3A_566 = arith.constant 0 : i32
      %dma_wait3A_567 = arith.constant 0 : i32
      %dma_wait3A_568 = tpu.memref_slice %arg3[%add3A_562, %dma_wait3A_566, %dma_wait3A_567] : memref<2510x2x128xi32, #tpu.memory_space<hbm>> -> memref<8x2x128xi32, #tpu.memory_space<hbm>>
      tpu.wait_dma2 semaphore(%arg14 : memref<!tpu.dma_semaphore, #tpu.memory_space<semaphore_mem>>) src(%dma_wait3A_568 : memref<8x2x128xi32, #tpu.memory_space<hbm>>) dst(%arg6 : memref<8x2x128xi32, #tpu.memory_space<vmem>>)
      %add3A_569 = arith.constant 1 : i32
      %add3A_570 = arith.addi %add3A_552, %add3A_569 : i32
      %lt3A_571 = arith.cmpi slt, %add3A_570, %add3A_11 : i32
      %convert_element_type3A_572 = arith.extui %lt3A_571 : i1 to i32
      %cond3A_573 = arith.constant 0 : i32
      %cond3A_574 = arith.cmpi ne, %convert_element_type3A_572, %cond3A_573 : i32
      scf.if %cond3A_574 {
        %dma_wait3A_759 = arith.constant 7 : i32
        %dma_wait3A_760 = arith.constant 1 : i32
        %dma_wait3A_761 = arith.constant 0 : i32
        %dma_wait3A_762 = tpu.memref_slice %arg5[%dma_wait3A_759, %dma_wait3A_760, %dma_wait3A_761] : memref<8x2x128xi32, #tpu.memory_space<vmem>> -> memref<1x1x128xi32, #tpu.memory_space<vmem>>
        %dma_wait3A_763 = tpu.memref_squeeze %dma_wait3A_762 : memref<1x1x128xi32, #tpu.memory_space<vmem>> -> memref<128xi32, #tpu.memory_space<vmem>>
        %dma_wait3A_764 = arith.constant 0 : i32
        %dma_wait3A_765 = arith.constant 0 : i32
        %dma_wait3A_766 = tpu.memref_slice %arg9[%dma_wait3A_764, %dma_wait3A_765] : memref<10240x128xf32, #tpu.memory_space<vmem_shared>> -> memref<10240x128xf32, #tpu.memory_space<vmem_shared>>
        tpu.wait_indirect_dma semaphore(%arg12 : memref<!tpu.dma_semaphore, #tpu.memory_space<semaphore_mem>>) src(%arg7 : memref<128x128xf32, #tpu.memory_space<vmem>>) dst(%dma_wait3A_766 : memref<10240x128xf32, #tpu.memory_space<vmem_shared>>)
        %dma_start3A_767 = arith.constant 0 : i32
        %dma_start3A_768 = arith.constant 0 : i32
        %dma_start3A_769 = arith.constant 0 : i32
        %dma_start3A_770 = tpu.memref_slice %arg6[%dma_start3A_767, %dma_start3A_768, %dma_start3A_769] : memref<8x2x128xi32, #tpu.memory_space<vmem>> -> memref<1x1x128xi32, #tpu.memory_space<vmem>>
        %dma_start3A_771 = tpu.memref_squeeze %dma_start3A_770 : memref<1x1x128xi32, #tpu.memory_space<vmem>> -> memref<128xi32, #tpu.memory_space<vmem>>
        %dma_start3A_772 = arith.constant 0 : i32
        %dma_start3A_773 = arith.constant 0 : i32
        %dma_start3A_774 = tpu.memref_slice %arg2[%dma_start3A_772, %dma_start3A_773] : memref<10000x128xf32, #tpu.memory_space<hbm>> -> memref<10000x128xf32, #tpu.memory_space<hbm>>
        tpu.enqueue_indirect_dma source(%dma_start3A_774 : memref<10000x128xf32, #tpu.memory_space<hbm>>) target(%arg7 : memref<128x128xf32, #tpu.memory_space<vmem>>) offsets(%dma_start3A_771 : memref<128xi32, #tpu.memory_space<vmem>>) semaphore(%arg10 : memref<!tpu.dma_semaphore, #tpu.memory_space<semaphore_mem>>)
      } else {
      }
      %add3A_575 = arith.constant 1 : i32
      %add3A_576 = arith.addi %add3A_390, %add3A_575 : i32
      %mul3A_577 = arith.constant 8 : i32
      %mul3A_578 = arith.muli %add3A_576, %mul3A_577 : i32
      %add3A_579 = arith.addi %add3A_6, %mul3A_578 : i32
      %add3A_580 = arith.constant 0 : i32
      %add3A_581 = arith.addi %add3A_579, %add3A_580 : i32
      %lt3A_582 = arith.cmpi slt, %add3A_581, %add3A_11 : i32
      %convert_element_type3A_583 = arith.extui %lt3A_582 : i1 to i32
      %cond3A_584 = arith.constant 0 : i32
      %cond3A_585 = arith.cmpi ne, %convert_element_type3A_583, %cond3A_584 : i32
      scf.if %cond3A_585 {
        %dma_wait3A_759 = arith.constant 0 : i32
        %dma_wait3A_760 = arith.constant 0 : i32
        %dma_wait3A_761 = arith.constant 0 : i32
        %dma_wait3A_762 = tpu.memref_slice %arg6[%dma_wait3A_759, %dma_wait3A_760, %dma_wait3A_761] : memref<8x2x128xi32, #tpu.memory_space<vmem>> -> memref<1x1x128xi32, #tpu.memory_space<vmem>>
        %dma_wait3A_763 = tpu.memref_squeeze %dma_wait3A_762 : memref<1x1x128xi32, #tpu.memory_space<vmem>> -> memref<128xi32, #tpu.memory_space<vmem>>
        %dma_wait3A_764 = arith.constant 0 : i32
        %dma_wait3A_765 = arith.constant 0 : i32
        %dma_wait3A_766 = tpu.memref_slice %arg2[%dma_wait3A_764, %dma_wait3A_765] : memref<10000x128xf32, #tpu.memory_space<hbm>> -> memref<10000x128xf32, #tpu.memory_space<hbm>>
        tpu.wait_indirect_dma semaphore(%arg10 : memref<!tpu.dma_semaphore, #tpu.memory_space<semaphore_mem>>) src(%dma_wait3A_766 : memref<10000x128xf32, #tpu.memory_space<hbm>>) dst(%arg7 : memref<128x128xf32, #tpu.memory_space<vmem>>)
      } else {
      }
      %lt3A_586 = arith.cmpi slt, %add3A_581, %add3A_11 : i32
      %convert_element_type3A_587 = arith.extui %lt3A_586 : i1 to i32
      %cond3A_588 = arith.constant 0 : i32
      %cond3A_589 = arith.cmpi ne, %convert_element_type3A_587, %cond3A_588 : i32
      scf.if %cond3A_589 {
        %dma_start3A_759 = arith.constant 0 : i32
        %dma_start3A_760 = arith.constant 1 : i32
        %dma_start3A_761 = arith.constant 0 : i32
        %dma_start3A_762 = tpu.memref_slice %arg6[%dma_start3A_759, %dma_start3A_760, %dma_start3A_761] : memref<8x2x128xi32, #tpu.memory_space<vmem>> -> memref<1x1x128xi32, #tpu.memory_space<vmem>>
        %dma_start3A_763 = tpu.memref_squeeze %dma_start3A_762 : memref<1x1x128xi32, #tpu.memory_space<vmem>> -> memref<128xi32, #tpu.memory_space<vmem>>
        %dma_start3A_764 = arith.constant 0 : i32
        %dma_start3A_765 = arith.constant 0 : i32
        %dma_start3A_766 = tpu.memref_slice %arg9[%dma_start3A_764, %dma_start3A_765] : memref<10240x128xf32, #tpu.memory_space<vmem_shared>> -> memref<10240x128xf32, #tpu.memory_space<vmem_shared>>
        tpu.enqueue_indirect_dma source(%arg7 : memref<128x128xf32, #tpu.memory_space<vmem>>) target(%dma_start3A_766 : memref<10240x128xf32, #tpu.memory_space<vmem_shared>>) offsets(%dma_start3A_763 : memref<128xi32, #tpu.memory_space<vmem>>) semaphore(%arg12 : memref<!tpu.dma_semaphore, #tpu.memory_space<semaphore_mem>>) {add = true}
      } else {
      }
      %add3A_590 = arith.constant 1 : i32
      %add3A_591 = arith.addi %add3A_581, %add3A_590 : i32
      %lt3A_592 = arith.cmpi slt, %add3A_591, %add3A_11 : i32
      %convert_element_type3A_593 = arith.extui %lt3A_592 : i1 to i32
      %cond3A_594 = arith.constant 0 : i32
      %cond3A_595 = arith.cmpi ne, %convert_element_type3A_593, %cond3A_594 : i32
      scf.if %cond3A_595 {
        %dma_wait3A_759 = arith.constant 0 : i32
        %dma_wait3A_760 = arith.constant 1 : i32
        %dma_wait3A_761 = arith.constant 0 : i32
        %dma_wait3A_762 = tpu.memref_slice %arg6[%dma_wait3A_759, %dma_wait3A_760, %dma_wait3A_761] : memref<8x2x128xi32, #tpu.memory_space<vmem>> -> memref<1x1x128xi32, #tpu.memory_space<vmem>>
        %dma_wait3A_763 = tpu.memref_squeeze %dma_wait3A_762 : memref<1x1x128xi32, #tpu.memory_space<vmem>> -> memref<128xi32, #tpu.memory_space<vmem>>
        %dma_wait3A_764 = arith.constant 0 : i32
        %dma_wait3A_765 = arith.constant 0 : i32
        %dma_wait3A_766 = tpu.memref_slice %arg9[%dma_wait3A_764, %dma_wait3A_765] : memref<10240x128xf32, #tpu.memory_space<vmem_shared>> -> memref<10240x128xf32, #tpu.memory_space<vmem_shared>>
        tpu.wait_indirect_dma semaphore(%arg13 : memref<!tpu.dma_semaphore, #tpu.memory_space<semaphore_mem>>) src(%arg8 : memref<128x128xf32, #tpu.memory_space<vmem>>) dst(%dma_wait3A_766 : memref<10240x128xf32, #tpu.memory_space<vmem_shared>>)
        %dma_start3A_767 = arith.constant 1 : i32
        %dma_start3A_768 = arith.constant 0 : i32
        %dma_start3A_769 = arith.constant 0 : i32
        %dma_start3A_770 = tpu.memref_slice %arg6[%dma_start3A_767, %dma_start3A_768, %dma_start3A_769] : memref<8x2x128xi32, #tpu.memory_space<vmem>> -> memref<1x1x128xi32, #tpu.memory_space<vmem>>
        %dma_start3A_771 = tpu.memref_squeeze %dma_start3A_770 : memref<1x1x128xi32, #tpu.memory_space<vmem>> -> memref<128xi32, #tpu.memory_space<vmem>>
        %dma_start3A_772 = arith.constant 0 : i32
        %dma_start3A_773 = arith.constant 0 : i32
        %dma_start3A_774 = tpu.memref_slice %arg2[%dma_start3A_772, %dma_start3A_773] : memref<10000x128xf32, #tpu.memory_space<hbm>> -> memref<10000x128xf32, #tpu.memory_space<hbm>>
        tpu.enqueue_indirect_dma source(%dma_start3A_774 : memref<10000x128xf32, #tpu.memory_space<hbm>>) target(%arg8 : memref<128x128xf32, #tpu.memory_space<vmem>>) offsets(%dma_start3A_771 : memref<128xi32, #tpu.memory_space<vmem>>) semaphore(%arg11 : memref<!tpu.dma_semaphore, #tpu.memory_space<semaphore_mem>>)
      } else {
      }
      %add3A_596 = arith.constant 1 : i32
      %add3A_597 = arith.addi %add3A_390, %add3A_596 : i32
      %mul3A_598 = arith.constant 8 : i32
      %mul3A_599 = arith.muli %add3A_597, %mul3A_598 : i32
      %add3A_600 = arith.addi %add3A_6, %mul3A_599 : i32
      %add3A_601 = arith.constant 1 : i32
      %add3A_602 = arith.addi %add3A_600, %add3A_601 : i32
      %lt3A_603 = arith.cmpi slt, %add3A_602, %add3A_11 : i32
      %convert_element_type3A_604 = arith.extui %lt3A_603 : i1 to i32
      %cond3A_605 = arith.constant 0 : i32
      %cond3A_606 = arith.cmpi ne, %convert_element_type3A_604, %cond3A_605 : i32
      scf.if %cond3A_606 {
        %dma_wait3A_759 = arith.constant 1 : i32
        %dma_wait3A_760 = arith.constant 0 : i32
        %dma_wait3A_761 = arith.constant 0 : i32
        %dma_wait3A_762 = tpu.memref_slice %arg6[%dma_wait3A_759, %dma_wait3A_760, %dma_wait3A_761] : memref<8x2x128xi32, #tpu.memory_space<vmem>> -> memref<1x1x128xi32, #tpu.memory_space<vmem>>
        %dma_wait3A_763 = tpu.memref_squeeze %dma_wait3A_762 : memref<1x1x128xi32, #tpu.memory_space<vmem>> -> memref<128xi32, #tpu.memory_space<vmem>>
        %dma_wait3A_764 = arith.constant 0 : i32
        %dma_wait3A_765 = arith.constant 0 : i32
        %dma_wait3A_766 = tpu.memref_slice %arg2[%dma_wait3A_764, %dma_wait3A_765] : memref<10000x128xf32, #tpu.memory_space<hbm>> -> memref<10000x128xf32, #tpu.memory_space<hbm>>
        tpu.wait_indirect_dma semaphore(%arg11 : memref<!tpu.dma_semaphore, #tpu.memory_space<semaphore_mem>>) src(%dma_wait3A_766 : memref<10000x128xf32, #tpu.memory_space<hbm>>) dst(%arg8 : memref<128x128xf32, #tpu.memory_space<vmem>>)
      } else {
      }
      %lt3A_607 = arith.cmpi slt, %add3A_602, %add3A_11 : i32
      %convert_element_type3A_608 = arith.extui %lt3A_607 : i1 to i32
      %cond3A_609 = arith.constant 0 : i32
      %cond3A_610 = arith.cmpi ne, %convert_element_type3A_608, %cond3A_609 : i32
      scf.if %cond3A_610 {
        %dma_start3A_759 = arith.constant 1 : i32
        %dma_start3A_760 = arith.constant 1 : i32
        %dma_start3A_761 = arith.constant 0 : i32
        %dma_start3A_762 = tpu.memref_slice %arg6[%dma_start3A_759, %dma_start3A_760, %dma_start3A_761] : memref<8x2x128xi32, #tpu.memory_space<vmem>> -> memref<1x1x128xi32, #tpu.memory_space<vmem>>
        %dma_start3A_763 = tpu.memref_squeeze %dma_start3A_762 : memref<1x1x128xi32, #tpu.memory_space<vmem>> -> memref<128xi32, #tpu.memory_space<vmem>>
        %dma_start3A_764 = arith.constant 0 : i32
        %dma_start3A_765 = arith.constant 0 : i32
        %dma_start3A_766 = tpu.memref_slice %arg9[%dma_start3A_764, %dma_start3A_765] : memref<10240x128xf32, #tpu.memory_space<vmem_shared>> -> memref<10240x128xf32, #tpu.memory_space<vmem_shared>>
        tpu.enqueue_indirect_dma source(%arg8 : memref<128x128xf32, #tpu.memory_space<vmem>>) target(%dma_start3A_766 : memref<10240x128xf32, #tpu.memory_space<vmem_shared>>) offsets(%dma_start3A_763 : memref<128xi32, #tpu.memory_space<vmem>>) semaphore(%arg13 : memref<!tpu.dma_semaphore, #tpu.memory_space<semaphore_mem>>) {add = true}
      } else {
      }
      %add3A_611 = arith.constant 8 : i32
      %add3A_612 = arith.addi %add3A_600, %add3A_611 : i32
      %dma_start3A_613 = arith.constant 0 : i32
      %dma_start3A_614 = arith.constant 0 : i32
      %dma_start3A_615 = tpu.memref_slice %arg3[%add3A_612, %dma_start3A_613, %dma_start3A_614] : memref<2510x2x128xi32, #tpu.memory_space<hbm>> -> memref<8x2x128xi32, #tpu.memory_space<hbm>>
      %dma_start3A_616 = arith.constant 0 : i32
      %dma_start3A_617 = arith.constant 0 : i32
      %dma_start3A_618 = tpu.memref_slice %arg3[%add3A_612, %dma_start3A_616, %dma_start3A_617] : memref<2510x2x128xi32, #tpu.memory_space<hbm>> -> memref<8x2x128xi32, #tpu.memory_space<hbm>>
      tpu.enqueue_dma source(%dma_start3A_618 : memref<8x2x128xi32, #tpu.memory_space<hbm>>) target(%arg5 : memref<8x2x128xi32, #tpu.memory_space<vmem>>) target_semaphore(%arg14 : memref<!tpu.dma_semaphore, #tpu.memory_space<semaphore_mem>>)
      %add3A_619 = arith.constant 1 : i32
      %add3A_620 = arith.addi %add3A_602, %add3A_619 : i32
      %lt3A_621 = arith.cmpi slt, %add3A_620, %add3A_11 : i32
      %convert_element_type3A_622 = arith.extui %lt3A_621 : i1 to i32
      %cond3A_623 = arith.constant 0 : i32
      %cond3A_624 = arith.cmpi ne, %convert_element_type3A_622, %cond3A_623 : i32
      scf.if %cond3A_624 {
        %dma_wait3A_759 = arith.constant 1 : i32
        %dma_wait3A_760 = arith.constant 1 : i32
        %dma_wait3A_761 = arith.constant 0 : i32
        %dma_wait3A_762 = tpu.memref_slice %arg6[%dma_wait3A_759, %dma_wait3A_760, %dma_wait3A_761] : memref<8x2x128xi32, #tpu.memory_space<vmem>> -> memref<1x1x128xi32, #tpu.memory_space<vmem>>
        %dma_wait3A_763 = tpu.memref_squeeze %dma_wait3A_762 : memref<1x1x128xi32, #tpu.memory_space<vmem>> -> memref<128xi32, #tpu.memory_space<vmem>>
        %dma_wait3A_764 = arith.constant 0 : i32
        %dma_wait3A_765 = arith.constant 0 : i32
        %dma_wait3A_766 = tpu.memref_slice %arg9[%dma_wait3A_764, %dma_wait3A_765] : memref<10240x128xf32, #tpu.memory_space<vmem_shared>> -> memref<10240x128xf32, #tpu.memory_space<vmem_shared>>
        tpu.wait_indirect_dma semaphore(%arg12 : memref<!tpu.dma_semaphore, #tpu.memory_space<semaphore_mem>>) src(%arg7 : memref<128x128xf32, #tpu.memory_space<vmem>>) dst(%dma_wait3A_766 : memref<10240x128xf32, #tpu.memory_space<vmem_shared>>)
        %dma_start3A_767 = arith.constant 2 : i32
        %dma_start3A_768 = arith.constant 0 : i32
        %dma_start3A_769 = arith.constant 0 : i32
        %dma_start3A_770 = tpu.memref_slice %arg6[%dma_start3A_767, %dma_start3A_768, %dma_start3A_769] : memref<8x2x128xi32, #tpu.memory_space<vmem>> -> memref<1x1x128xi32, #tpu.memory_space<vmem>>
        %dma_start3A_771 = tpu.memref_squeeze %dma_start3A_770 : memref<1x1x128xi32, #tpu.memory_space<vmem>> -> memref<128xi32, #tpu.memory_space<vmem>>
        %dma_start3A_772 = arith.constant 0 : i32
        %dma_start3A_773 = arith.constant 0 : i32
        %dma_start3A_774 = tpu.memref_slice %arg2[%dma_start3A_772, %dma_start3A_773] : memref<10000x128xf32, #tpu.memory_space<hbm>> -> memref<10000x128xf32, #tpu.memory_space<hbm>>
        tpu.enqueue_indirect_dma source(%dma_start3A_774 : memref<10000x128xf32, #tpu.memory_space<hbm>>) target(%arg7 : memref<128x128xf32, #tpu.memory_space<vmem>>) offsets(%dma_start3A_771 : memref<128xi32, #tpu.memory_space<vmem>>) semaphore(%arg10 : memref<!tpu.dma_semaphore, #tpu.memory_space<semaphore_mem>>)
      } else {
      }
      %add3A_625 = arith.constant 1 : i32
      %add3A_626 = arith.addi %add3A_390, %add3A_625 : i32
      %mul3A_627 = arith.constant 8 : i32
      %mul3A_628 = arith.muli %add3A_626, %mul3A_627 : i32
      %add3A_629 = arith.addi %add3A_6, %mul3A_628 : i32
      %add3A_630 = arith.constant 2 : i32
      %add3A_631 = arith.addi %add3A_629, %add3A_630 : i32
      %lt3A_632 = arith.cmpi slt, %add3A_631, %add3A_11 : i32
      %convert_element_type3A_633 = arith.extui %lt3A_632 : i1 to i32
      %cond3A_634 = arith.constant 0 : i32
      %cond3A_635 = arith.cmpi ne, %convert_element_type3A_633, %cond3A_634 : i32
      scf.if %cond3A_635 {
        %dma_wait3A_759 = arith.constant 2 : i32
        %dma_wait3A_760 = arith.constant 0 : i32
        %dma_wait3A_761 = arith.constant 0 : i32
        %dma_wait3A_762 = tpu.memref_slice %arg6[%dma_wait3A_759, %dma_wait3A_760, %dma_wait3A_761] : memref<8x2x128xi32, #tpu.memory_space<vmem>> -> memref<1x1x128xi32, #tpu.memory_space<vmem>>
        %dma_wait3A_763 = tpu.memref_squeeze %dma_wait3A_762 : memref<1x1x128xi32, #tpu.memory_space<vmem>> -> memref<128xi32, #tpu.memory_space<vmem>>
        %dma_wait3A_764 = arith.constant 0 : i32
        %dma_wait3A_765 = arith.constant 0 : i32
        %dma_wait3A_766 = tpu.memref_slice %arg2[%dma_wait3A_764, %dma_wait3A_765] : memref<10000x128xf32, #tpu.memory_space<hbm>> -> memref<10000x128xf32, #tpu.memory_space<hbm>>
        tpu.wait_indirect_dma semaphore(%arg10 : memref<!tpu.dma_semaphore, #tpu.memory_space<semaphore_mem>>) src(%dma_wait3A_766 : memref<10000x128xf32, #tpu.memory_space<hbm>>) dst(%arg7 : memref<128x128xf32, #tpu.memory_space<vmem>>)
      } else {
      }
      %lt3A_636 = arith.cmpi slt, %add3A_631, %add3A_11 : i32
      %convert_element_type3A_637 = arith.extui %lt3A_636 : i1 to i32
      %cond3A_638 = arith.constant 0 : i32
      %cond3A_639 = arith.cmpi ne, %convert_element_type3A_637, %cond3A_638 : i32
      scf.if %cond3A_639 {
        %dma_start3A_759 = arith.constant 2 : i32
        %dma_start3A_760 = arith.constant 1 : i32
        %dma_start3A_761 = arith.constant 0 : i32
        %dma_start3A_762 = tpu.memref_slice %arg6[%dma_start3A_759, %dma_start3A_760, %dma_start3A_761] : memref<8x2x128xi32, #tpu.memory_space<vmem>> -> memref<1x1x128xi32, #tpu.memory_space<vmem>>
        %dma_start3A_763 = tpu.memref_squeeze %dma_start3A_762 : memref<1x1x128xi32, #tpu.memory_space<vmem>> -> memref<128xi32, #tpu.memory_space<vmem>>
        %dma_start3A_764 = arith.constant 0 : i32
        %dma_start3A_765 = arith.constant 0 : i32
        %dma_start3A_766 = tpu.memref_slice %arg9[%dma_start3A_764, %dma_start3A_765] : memref<10240x128xf32, #tpu.memory_space<vmem_shared>> -> memref<10240x128xf32, #tpu.memory_space<vmem_shared>>
        tpu.enqueue_indirect_dma source(%arg7 : memref<128x128xf32, #tpu.memory_space<vmem>>) target(%dma_start3A_766 : memref<10240x128xf32, #tpu.memory_space<vmem_shared>>) offsets(%dma_start3A_763 : memref<128xi32, #tpu.memory_space<vmem>>) semaphore(%arg12 : memref<!tpu.dma_semaphore, #tpu.memory_space<semaphore_mem>>) {add = true}
      } else {
      }
      %add3A_640 = arith.constant 1 : i32
      %add3A_641 = arith.addi %add3A_631, %add3A_640 : i32
      %lt3A_642 = arith.cmpi slt, %add3A_641, %add3A_11 : i32
      %convert_element_type3A_643 = arith.extui %lt3A_642 : i1 to i32
      %cond3A_644 = arith.constant 0 : i32
      %cond3A_645 = arith.cmpi ne, %convert_element_type3A_643, %cond3A_644 : i32
      scf.if %cond3A_645 {
        %dma_wait3A_759 = arith.constant 2 : i32
        %dma_wait3A_760 = arith.constant 1 : i32
        %dma_wait3A_761 = arith.constant 0 : i32
        %dma_wait3A_762 = tpu.memref_slice %arg6[%dma_wait3A_759, %dma_wait3A_760, %dma_wait3A_761] : memref<8x2x128xi32, #tpu.memory_space<vmem>> -> memref<1x1x128xi32, #tpu.memory_space<vmem>>
        %dma_wait3A_763 = tpu.memref_squeeze %dma_wait3A_762 : memref<1x1x128xi32, #tpu.memory_space<vmem>> -> memref<128xi32, #tpu.memory_space<vmem>>
        %dma_wait3A_764 = arith.constant 0 : i32
        %dma_wait3A_765 = arith.constant 0 : i32
        %dma_wait3A_766 = tpu.memref_slice %arg9[%dma_wait3A_764, %dma_wait3A_765] : memref<10240x128xf32, #tpu.memory_space<vmem_shared>> -> memref<10240x128xf32, #tpu.memory_space<vmem_shared>>
        tpu.wait_indirect_dma semaphore(%arg13 : memref<!tpu.dma_semaphore, #tpu.memory_space<semaphore_mem>>) src(%arg8 : memref<128x128xf32, #tpu.memory_space<vmem>>) dst(%dma_wait3A_766 : memref<10240x128xf32, #tpu.memory_space<vmem_shared>>)
        %dma_start3A_767 = arith.constant 3 : i32
        %dma_start3A_768 = arith.constant 0 : i32
        %dma_start3A_769 = arith.constant 0 : i32
        %dma_start3A_770 = tpu.memref_slice %arg6[%dma_start3A_767, %dma_start3A_768, %dma_start3A_769] : memref<8x2x128xi32, #tpu.memory_space<vmem>> -> memref<1x1x128xi32, #tpu.memory_space<vmem>>
        %dma_start3A_771 = tpu.memref_squeeze %dma_start3A_770 : memref<1x1x128xi32, #tpu.memory_space<vmem>> -> memref<128xi32, #tpu.memory_space<vmem>>
        %dma_start3A_772 = arith.constant 0 : i32
        %dma_start3A_773 = arith.constant 0 : i32
        %dma_start3A_774 = tpu.memref_slice %arg2[%dma_start3A_772, %dma_start3A_773] : memref<10000x128xf32, #tpu.memory_space<hbm>> -> memref<10000x128xf32, #tpu.memory_space<hbm>>
        tpu.enqueue_indirect_dma source(%dma_start3A_774 : memref<10000x128xf32, #tpu.memory_space<hbm>>) target(%arg8 : memref<128x128xf32, #tpu.memory_space<vmem>>) offsets(%dma_start3A_771 : memref<128xi32, #tpu.memory_space<vmem>>) semaphore(%arg11 : memref<!tpu.dma_semaphore, #tpu.memory_space<semaphore_mem>>)
      } else {
      }
      %add3A_646 = arith.constant 1 : i32
      %add3A_647 = arith.addi %add3A_390, %add3A_646 : i32
      %mul3A_648 = arith.constant 8 : i32
      %mul3A_649 = arith.muli %add3A_647, %mul3A_648 : i32
      %add3A_650 = arith.addi %add3A_6, %mul3A_649 : i32
      %add3A_651 = arith.constant 3 : i32
      %add3A_652 = arith.addi %add3A_650, %add3A_651 : i32
      %lt3A_653 = arith.cmpi slt, %add3A_652, %add3A_11 : i32
      %convert_element_type3A_654 = arith.extui %lt3A_653 : i1 to i32
      %cond3A_655 = arith.constant 0 : i32
      %cond3A_656 = arith.cmpi ne, %convert_element_type3A_654, %cond3A_655 : i32
      scf.if %cond3A_656 {
        %dma_wait3A_759 = arith.constant 3 : i32
        %dma_wait3A_760 = arith.constant 0 : i32
        %dma_wait3A_761 = arith.constant 0 : i32
        %dma_wait3A_762 = tpu.memref_slice %arg6[%dma_wait3A_759, %dma_wait3A_760, %dma_wait3A_761] : memref<8x2x128xi32, #tpu.memory_space<vmem>> -> memref<1x1x128xi32, #tpu.memory_space<vmem>>
        %dma_wait3A_763 = tpu.memref_squeeze %dma_wait3A_762 : memref<1x1x128xi32, #tpu.memory_space<vmem>> -> memref<128xi32, #tpu.memory_space<vmem>>
        %dma_wait3A_764 = arith.constant 0 : i32
        %dma_wait3A_765 = arith.constant 0 : i32
        %dma_wait3A_766 = tpu.memref_slice %arg2[%dma_wait3A_764, %dma_wait3A_765] : memref<10000x128xf32, #tpu.memory_space<hbm>> -> memref<10000x128xf32, #tpu.memory_space<hbm>>
        tpu.wait_indirect_dma semaphore(%arg11 : memref<!tpu.dma_semaphore, #tpu.memory_space<semaphore_mem>>) src(%dma_wait3A_766 : memref<10000x128xf32, #tpu.memory_space<hbm>>) dst(%arg8 : memref<128x128xf32, #tpu.memory_space<vmem>>)
      } else {
      }
      %lt3A_657 = arith.cmpi slt, %add3A_652, %add3A_11 : i32
      %convert_element_type3A_658 = arith.extui %lt3A_657 : i1 to i32
      %cond3A_659 = arith.constant 0 : i32
      %cond3A_660 = arith.cmpi ne, %convert_element_type3A_658, %cond3A_659 : i32
      scf.if %cond3A_660 {
        %dma_start3A_759 = arith.constant 3 : i32
        %dma_start3A_760 = arith.constant 1 : i32
        %dma_start3A_761 = arith.constant 0 : i32
        %dma_start3A_762 = tpu.memref_slice %arg6[%dma_start3A_759, %dma_start3A_760, %dma_start3A_761] : memref<8x2x128xi32, #tpu.memory_space<vmem>> -> memref<1x1x128xi32, #tpu.memory_space<vmem>>
        %dma_start3A_763 = tpu.memref_squeeze %dma_start3A_762 : memref<1x1x128xi32, #tpu.memory_space<vmem>> -> memref<128xi32, #tpu.memory_space<vmem>>
        %dma_start3A_764 = arith.constant 0 : i32
        %dma_start3A_765 = arith.constant 0 : i32
        %dma_start3A_766 = tpu.memref_slice %arg9[%dma_start3A_764, %dma_start3A_765] : memref<10240x128xf32, #tpu.memory_space<vmem_shared>> -> memref<10240x128xf32, #tpu.memory_space<vmem_shared>>
        tpu.enqueue_indirect_dma source(%arg8 : memref<128x128xf32, #tpu.memory_space<vmem>>) target(%dma_start3A_766 : memref<10240x128xf32, #tpu.memory_space<vmem_shared>>) offsets(%dma_start3A_763 : memref<128xi32, #tpu.memory_space<vmem>>) semaphore(%arg13 : memref<!tpu.dma_semaphore, #tpu.memory_space<semaphore_mem>>) {add = true}
      } else {
      }
      %add3A_661 = arith.constant 1 : i32
      %add3A_662 = arith.addi %add3A_652, %add3A_661 : i32
      %lt3A_663 = arith.cmpi slt, %add3A_662, %add3A_11 : i32
      %convert_element_type3A_664 = arith.extui %lt3A_663 : i1 to i32
      %cond3A_665 = arith.constant 0 : i32
      %cond3A_666 = arith.cmpi ne, %convert_element_type3A_664, %cond3A_665 : i32
      scf.if %cond3A_666 {
        %dma_wait3A_759 = arith.constant 3 : i32
        %dma_wait3A_760 = arith.constant 1 : i32
        %dma_wait3A_761 = arith.constant 0 : i32
        %dma_wait3A_762 = tpu.memref_slice %arg6[%dma_wait3A_759, %dma_wait3A_760, %dma_wait3A_761] : memref<8x2x128xi32, #tpu.memory_space<vmem>> -> memref<1x1x128xi32, #tpu.memory_space<vmem>>
        %dma_wait3A_763 = tpu.memref_squeeze %dma_wait3A_762 : memref<1x1x128xi32, #tpu.memory_space<vmem>> -> memref<128xi32, #tpu.memory_space<vmem>>
        %dma_wait3A_764 = arith.constant 0 : i32
        %dma_wait3A_765 = arith.constant 0 : i32
        %dma_wait3A_766 = tpu.memref_slice %arg9[%dma_wait3A_764, %dma_wait3A_765] : memref<10240x128xf32, #tpu.memory_space<vmem_shared>> -> memref<10240x128xf32, #tpu.memory_space<vmem_shared>>
        tpu.wait_indirect_dma semaphore(%arg12 : memref<!tpu.dma_semaphore, #tpu.memory_space<semaphore_mem>>) src(%arg7 : memref<128x128xf32, #tpu.memory_space<vmem>>) dst(%dma_wait3A_766 : memref<10240x128xf32, #tpu.memory_space<vmem_shared>>)
        %dma_start3A_767 = arith.constant 4 : i32
        %dma_start3A_768 = arith.constant 0 : i32
        %dma_start3A_769 = arith.constant 0 : i32
        %dma_start3A_770 = tpu.memref_slice %arg6[%dma_start3A_767, %dma_start3A_768, %dma_start3A_769] : memref<8x2x128xi32, #tpu.memory_space<vmem>> -> memref<1x1x128xi32, #tpu.memory_space<vmem>>
        %dma_start3A_771 = tpu.memref_squeeze %dma_start3A_770 : memref<1x1x128xi32, #tpu.memory_space<vmem>> -> memref<128xi32, #tpu.memory_space<vmem>>
        %dma_start3A_772 = arith.constant 0 : i32
        %dma_start3A_773 = arith.constant 0 : i32
        %dma_start3A_774 = tpu.memref_slice %arg2[%dma_start3A_772, %dma_start3A_773] : memref<10000x128xf32, #tpu.memory_space<hbm>> -> memref<10000x128xf32, #tpu.memory_space<hbm>>
        tpu.enqueue_indirect_dma source(%dma_start3A_774 : memref<10000x128xf32, #tpu.memory_space<hbm>>) target(%arg7 : memref<128x128xf32, #tpu.memory_space<vmem>>) offsets(%dma_start3A_771 : memref<128xi32, #tpu.memory_space<vmem>>) semaphore(%arg10 : memref<!tpu.dma_semaphore, #tpu.memory_space<semaphore_mem>>)
      } else {
      }
      %add3A_667 = arith.constant 1 : i32
      %add3A_668 = arith.addi %add3A_390, %add3A_667 : i32
      %mul3A_669 = arith.constant 8 : i32
      %mul3A_670 = arith.muli %add3A_668, %mul3A_669 : i32
      %add3A_671 = arith.addi %add3A_6, %mul3A_670 : i32
      %add3A_672 = arith.constant 4 : i32
      %add3A_673 = arith.addi %add3A_671, %add3A_672 : i32
      %lt3A_674 = arith.cmpi slt, %add3A_673, %add3A_11 : i32
      %convert_element_type3A_675 = arith.extui %lt3A_674 : i1 to i32
      %cond3A_676 = arith.constant 0 : i32
      %cond3A_677 = arith.cmpi ne, %convert_element_type3A_675, %cond3A_676 : i32
      scf.if %cond3A_677 {
        %dma_wait3A_759 = arith.constant 4 : i32
        %dma_wait3A_760 = arith.constant 0 : i32
        %dma_wait3A_761 = arith.constant 0 : i32
        %dma_wait3A_762 = tpu.memref_slice %arg6[%dma_wait3A_759, %dma_wait3A_760, %dma_wait3A_761] : memref<8x2x128xi32, #tpu.memory_space<vmem>> -> memref<1x1x128xi32, #tpu.memory_space<vmem>>
        %dma_wait3A_763 = tpu.memref_squeeze %dma_wait3A_762 : memref<1x1x128xi32, #tpu.memory_space<vmem>> -> memref<128xi32, #tpu.memory_space<vmem>>
        %dma_wait3A_764 = arith.constant 0 : i32
        %dma_wait3A_765 = arith.constant 0 : i32
        %dma_wait3A_766 = tpu.memref_slice %arg2[%dma_wait3A_764, %dma_wait3A_765] : memref<10000x128xf32, #tpu.memory_space<hbm>> -> memref<10000x128xf32, #tpu.memory_space<hbm>>
        tpu.wait_indirect_dma semaphore(%arg10 : memref<!tpu.dma_semaphore, #tpu.memory_space<semaphore_mem>>) src(%dma_wait3A_766 : memref<10000x128xf32, #tpu.memory_space<hbm>>) dst(%arg7 : memref<128x128xf32, #tpu.memory_space<vmem>>)
      } else {
      }
      %lt3A_678 = arith.cmpi slt, %add3A_673, %add3A_11 : i32
      %convert_element_type3A_679 = arith.extui %lt3A_678 : i1 to i32
      %cond3A_680 = arith.constant 0 : i32
      %cond3A_681 = arith.cmpi ne, %convert_element_type3A_679, %cond3A_680 : i32
      scf.if %cond3A_681 {
        %dma_start3A_759 = arith.constant 4 : i32
        %dma_start3A_760 = arith.constant 1 : i32
        %dma_start3A_761 = arith.constant 0 : i32
        %dma_start3A_762 = tpu.memref_slice %arg6[%dma_start3A_759, %dma_start3A_760, %dma_start3A_761] : memref<8x2x128xi32, #tpu.memory_space<vmem>> -> memref<1x1x128xi32, #tpu.memory_space<vmem>>
        %dma_start3A_763 = tpu.memref_squeeze %dma_start3A_762 : memref<1x1x128xi32, #tpu.memory_space<vmem>> -> memref<128xi32, #tpu.memory_space<vmem>>
        %dma_start3A_764 = arith.constant 0 : i32
        %dma_start3A_765 = arith.constant 0 : i32
        %dma_start3A_766 = tpu.memref_slice %arg9[%dma_start3A_764, %dma_start3A_765] : memref<10240x128xf32, #tpu.memory_space<vmem_shared>> -> memref<10240x128xf32, #tpu.memory_space<vmem_shared>>
        tpu.enqueue_indirect_dma source(%arg7 : memref<128x128xf32, #tpu.memory_space<vmem>>) target(%dma_start3A_766 : memref<10240x128xf32, #tpu.memory_space<vmem_shared>>) offsets(%dma_start3A_763 : memref<128xi32, #tpu.memory_space<vmem>>) semaphore(%arg12 : memref<!tpu.dma_semaphore, #tpu.memory_space<semaphore_mem>>) {add = true}
      } else {
      }
      %add3A_682 = arith.constant 1 : i32
      %add3A_683 = arith.addi %add3A_673, %add3A_682 : i32
      %lt3A_684 = arith.cmpi slt, %add3A_683, %add3A_11 : i32
      %convert_element_type3A_685 = arith.extui %lt3A_684 : i1 to i32
      %cond3A_686 = arith.constant 0 : i32
      %cond3A_687 = arith.cmpi ne, %convert_element_type3A_685, %cond3A_686 : i32
      scf.if %cond3A_687 {
        %dma_wait3A_759 = arith.constant 4 : i32
        %dma_wait3A_760 = arith.constant 1 : i32
        %dma_wait3A_761 = arith.constant 0 : i32
        %dma_wait3A_762 = tpu.memref_slice %arg6[%dma_wait3A_759, %dma_wait3A_760, %dma_wait3A_761] : memref<8x2x128xi32, #tpu.memory_space<vmem>> -> memref<1x1x128xi32, #tpu.memory_space<vmem>>
        %dma_wait3A_763 = tpu.memref_squeeze %dma_wait3A_762 : memref<1x1x128xi32, #tpu.memory_space<vmem>> -> memref<128xi32, #tpu.memory_space<vmem>>
        %dma_wait3A_764 = arith.constant 0 : i32
        %dma_wait3A_765 = arith.constant 0 : i32
        %dma_wait3A_766 = tpu.memref_slice %arg9[%dma_wait3A_764, %dma_wait3A_765] : memref<10240x128xf32, #tpu.memory_space<vmem_shared>> -> memref<10240x128xf32, #tpu.memory_space<vmem_shared>>
        tpu.wait_indirect_dma semaphore(%arg13 : memref<!tpu.dma_semaphore, #tpu.memory_space<semaphore_mem>>) src(%arg8 : memref<128x128xf32, #tpu.memory_space<vmem>>) dst(%dma_wait3A_766 : memref<10240x128xf32, #tpu.memory_space<vmem_shared>>)
        %dma_start3A_767 = arith.constant 5 : i32
        %dma_start3A_768 = arith.constant 0 : i32
        %dma_start3A_769 = arith.constant 0 : i32
        %dma_start3A_770 = tpu.memref_slice %arg6[%dma_start3A_767, %dma_start3A_768, %dma_start3A_769] : memref<8x2x128xi32, #tpu.memory_space<vmem>> -> memref<1x1x128xi32, #tpu.memory_space<vmem>>
        %dma_start3A_771 = tpu.memref_squeeze %dma_start3A_770 : memref<1x1x128xi32, #tpu.memory_space<vmem>> -> memref<128xi32, #tpu.memory_space<vmem>>
        %dma_start3A_772 = arith.constant 0 : i32
        %dma_start3A_773 = arith.constant 0 : i32
        %dma_start3A_774 = tpu.memref_slice %arg2[%dma_start3A_772, %dma_start3A_773] : memref<10000x128xf32, #tpu.memory_space<hbm>> -> memref<10000x128xf32, #tpu.memory_space<hbm>>
        tpu.enqueue_indirect_dma source(%dma_start3A_774 : memref<10000x128xf32, #tpu.memory_space<hbm>>) target(%arg8 : memref<128x128xf32, #tpu.memory_space<vmem>>) offsets(%dma_start3A_771 : memref<128xi32, #tpu.memory_space<vmem>>) semaphore(%arg11 : memref<!tpu.dma_semaphore, #tpu.memory_space<semaphore_mem>>)
      } else {
      }
      %add3A_688 = arith.constant 1 : i32
      %add3A_689 = arith.addi %add3A_390, %add3A_688 : i32
      %mul3A_690 = arith.constant 8 : i32
      %mul3A_691 = arith.muli %add3A_689, %mul3A_690 : i32
      %add3A_692 = arith.addi %add3A_6, %mul3A_691 : i32
      %add3A_693 = arith.constant 5 : i32
      %add3A_694 = arith.addi %add3A_692, %add3A_693 : i32
      %lt3A_695 = arith.cmpi slt, %add3A_694, %add3A_11 : i32
      %convert_element_type3A_696 = arith.extui %lt3A_695 : i1 to i32
      %cond3A_697 = arith.constant 0 : i32
      %cond3A_698 = arith.cmpi ne, %convert_element_type3A_696, %cond3A_697 : i32
      scf.if %cond3A_698 {
        %dma_wait3A_759 = arith.constant 5 : i32
        %dma_wait3A_760 = arith.constant 0 : i32
        %dma_wait3A_761 = arith.constant 0 : i32
        %dma_wait3A_762 = tpu.memref_slice %arg6[%dma_wait3A_759, %dma_wait3A_760, %dma_wait3A_761] : memref<8x2x128xi32, #tpu.memory_space<vmem>> -> memref<1x1x128xi32, #tpu.memory_space<vmem>>
        %dma_wait3A_763 = tpu.memref_squeeze %dma_wait3A_762 : memref<1x1x128xi32, #tpu.memory_space<vmem>> -> memref<128xi32, #tpu.memory_space<vmem>>
        %dma_wait3A_764 = arith.constant 0 : i32
        %dma_wait3A_765 = arith.constant 0 : i32
        %dma_wait3A_766 = tpu.memref_slice %arg2[%dma_wait3A_764, %dma_wait3A_765] : memref<10000x128xf32, #tpu.memory_space<hbm>> -> memref<10000x128xf32, #tpu.memory_space<hbm>>
        tpu.wait_indirect_dma semaphore(%arg11 : memref<!tpu.dma_semaphore, #tpu.memory_space<semaphore_mem>>) src(%dma_wait3A_766 : memref<10000x128xf32, #tpu.memory_space<hbm>>) dst(%arg8 : memref<128x128xf32, #tpu.memory_space<vmem>>)
      } else {
      }
      %lt3A_699 = arith.cmpi slt, %add3A_694, %add3A_11 : i32
      %convert_element_type3A_700 = arith.extui %lt3A_699 : i1 to i32
      %cond3A_701 = arith.constant 0 : i32
      %cond3A_702 = arith.cmpi ne, %convert_element_type3A_700, %cond3A_701 : i32
      scf.if %cond3A_702 {
        %dma_start3A_759 = arith.constant 5 : i32
        %dma_start3A_760 = arith.constant 1 : i32
        %dma_start3A_761 = arith.constant 0 : i32
        %dma_start3A_762 = tpu.memref_slice %arg6[%dma_start3A_759, %dma_start3A_760, %dma_start3A_761] : memref<8x2x128xi32, #tpu.memory_space<vmem>> -> memref<1x1x128xi32, #tpu.memory_space<vmem>>
        %dma_start3A_763 = tpu.memref_squeeze %dma_start3A_762 : memref<1x1x128xi32, #tpu.memory_space<vmem>> -> memref<128xi32, #tpu.memory_space<vmem>>
        %dma_start3A_764 = arith.constant 0 : i32
        %dma_start3A_765 = arith.constant 0 : i32
        %dma_start3A_766 = tpu.memref_slice %arg9[%dma_start3A_764, %dma_start3A_765] : memref<10240x128xf32, #tpu.memory_space<vmem_shared>> -> memref<10240x128xf32, #tpu.memory_space<vmem_shared>>
        tpu.enqueue_indirect_dma source(%arg8 : memref<128x128xf32, #tpu.memory_space<vmem>>) target(%dma_start3A_766 : memref<10240x128xf32, #tpu.memory_space<vmem_shared>>) offsets(%dma_start3A_763 : memref<128xi32, #tpu.memory_space<vmem>>) semaphore(%arg13 : memref<!tpu.dma_semaphore, #tpu.memory_space<semaphore_mem>>) {add = true}
      } else {
      }
      %add3A_703 = arith.constant 1 : i32
      %add3A_704 = arith.addi %add3A_694, %add3A_703 : i32
      %lt3A_705 = arith.cmpi slt, %add3A_704, %add3A_11 : i32
      %convert_element_type3A_706 = arith.extui %lt3A_705 : i1 to i32
      %cond3A_707 = arith.constant 0 : i32
      %cond3A_708 = arith.cmpi ne, %convert_element_type3A_706, %cond3A_707 : i32
      scf.if %cond3A_708 {
        %dma_wait3A_759 = arith.constant 5 : i32
        %dma_wait3A_760 = arith.constant 1 : i32
        %dma_wait3A_761 = arith.constant 0 : i32
        %dma_wait3A_762 = tpu.memref_slice %arg6[%dma_wait3A_759, %dma_wait3A_760, %dma_wait3A_761] : memref<8x2x128xi32, #tpu.memory_space<vmem>> -> memref<1x1x128xi32, #tpu.memory_space<vmem>>
        %dma_wait3A_763 = tpu.memref_squeeze %dma_wait3A_762 : memref<1x1x128xi32, #tpu.memory_space<vmem>> -> memref<128xi32, #tpu.memory_space<vmem>>
        %dma_wait3A_764 = arith.constant 0 : i32
        %dma_wait3A_765 = arith.constant 0 : i32
        %dma_wait3A_766 = tpu.memref_slice %arg9[%dma_wait3A_764, %dma_wait3A_765] : memref<10240x128xf32, #tpu.memory_space<vmem_shared>> -> memref<10240x128xf32, #tpu.memory_space<vmem_shared>>
        tpu.wait_indirect_dma semaphore(%arg12 : memref<!tpu.dma_semaphore, #tpu.memory_space<semaphore_mem>>) src(%arg7 : memref<128x128xf32, #tpu.memory_space<vmem>>) dst(%dma_wait3A_766 : memref<10240x128xf32, #tpu.memory_space<vmem_shared>>)
        %dma_start3A_767 = arith.constant 6 : i32
        %dma_start3A_768 = arith.constant 0 : i32
        %dma_start3A_769 = arith.constant 0 : i32
        %dma_start3A_770 = tpu.memref_slice %arg6[%dma_start3A_767, %dma_start3A_768, %dma_start3A_769] : memref<8x2x128xi32, #tpu.memory_space<vmem>> -> memref<1x1x128xi32, #tpu.memory_space<vmem>>
        %dma_start3A_771 = tpu.memref_squeeze %dma_start3A_770 : memref<1x1x128xi32, #tpu.memory_space<vmem>> -> memref<128xi32, #tpu.memory_space<vmem>>
        %dma_start3A_772 = arith.constant 0 : i32
        %dma_start3A_773 = arith.constant 0 : i32
        %dma_start3A_774 = tpu.memref_slice %arg2[%dma_start3A_772, %dma_start3A_773] : memref<10000x128xf32, #tpu.memory_space<hbm>> -> memref<10000x128xf32, #tpu.memory_space<hbm>>
        tpu.enqueue_indirect_dma source(%dma_start3A_774 : memref<10000x128xf32, #tpu.memory_space<hbm>>) target(%arg7 : memref<128x128xf32, #tpu.memory_space<vmem>>) offsets(%dma_start3A_771 : memref<128xi32, #tpu.memory_space<vmem>>) semaphore(%arg10 : memref<!tpu.dma_semaphore, #tpu.memory_space<semaphore_mem>>)
      } else {
      }
      %add3A_709 = arith.constant 1 : i32
      %add3A_710 = arith.addi %add3A_390, %add3A_709 : i32
      %mul3A_711 = arith.constant 8 : i32
      %mul3A_712 = arith.muli %add3A_710, %mul3A_711 : i32
      %add3A_713 = arith.addi %add3A_6, %mul3A_712 : i32
      %add3A_714 = arith.constant 6 : i32
      %add3A_715 = arith.addi %add3A_713, %add3A_714 : i32
      %lt3A_716 = arith.cmpi slt, %add3A_715, %add3A_11 : i32
      %convert_element_type3A_717 = arith.extui %lt3A_716 : i1 to i32
      %cond3A_718 = arith.constant 0 : i32
      %cond3A_719 = arith.cmpi ne, %convert_element_type3A_717, %cond3A_718 : i32
      scf.if %cond3A_719 {
        %dma_wait3A_759 = arith.constant 6 : i32
        %dma_wait3A_760 = arith.constant 0 : i32
        %dma_wait3A_761 = arith.constant 0 : i32
        %dma_wait3A_762 = tpu.memref_slice %arg6[%dma_wait3A_759, %dma_wait3A_760, %dma_wait3A_761] : memref<8x2x128xi32, #tpu.memory_space<vmem>> -> memref<1x1x128xi32, #tpu.memory_space<vmem>>
        %dma_wait3A_763 = tpu.memref_squeeze %dma_wait3A_762 : memref<1x1x128xi32, #tpu.memory_space<vmem>> -> memref<128xi32, #tpu.memory_space<vmem>>
        %dma_wait3A_764 = arith.constant 0 : i32
        %dma_wait3A_765 = arith.constant 0 : i32
        %dma_wait3A_766 = tpu.memref_slice %arg2[%dma_wait3A_764, %dma_wait3A_765] : memref<10000x128xf32, #tpu.memory_space<hbm>> -> memref<10000x128xf32, #tpu.memory_space<hbm>>
        tpu.wait_indirect_dma semaphore(%arg10 : memref<!tpu.dma_semaphore, #tpu.memory_space<semaphore_mem>>) src(%dma_wait3A_766 : memref<10000x128xf32, #tpu.memory_space<hbm>>) dst(%arg7 : memref<128x128xf32, #tpu.memory_space<vmem>>)
      } else {
      }
      %lt3A_720 = arith.cmpi slt, %add3A_715, %add3A_11 : i32
      %convert_element_type3A_721 = arith.extui %lt3A_720 : i1 to i32
      %cond3A_722 = arith.constant 0 : i32
      %cond3A_723 = arith.cmpi ne, %convert_element_type3A_721, %cond3A_722 : i32
      scf.if %cond3A_723 {
        %dma_start3A_759 = arith.constant 6 : i32
        %dma_start3A_760 = arith.constant 1 : i32
        %dma_start3A_761 = arith.constant 0 : i32
        %dma_start3A_762 = tpu.memref_slice %arg6[%dma_start3A_759, %dma_start3A_760, %dma_start3A_761] : memref<8x2x128xi32, #tpu.memory_space<vmem>> -> memref<1x1x128xi32, #tpu.memory_space<vmem>>
        %dma_start3A_763 = tpu.memref_squeeze %dma_start3A_762 : memref<1x1x128xi32, #tpu.memory_space<vmem>> -> memref<128xi32, #tpu.memory_space<vmem>>
        %dma_start3A_764 = arith.constant 0 : i32
        %dma_start3A_765 = arith.constant 0 : i32
        %dma_start3A_766 = tpu.memref_slice %arg9[%dma_start3A_764, %dma_start3A_765] : memref<10240x128xf32, #tpu.memory_space<vmem_shared>> -> memref<10240x128xf32, #tpu.memory_space<vmem_shared>>
        tpu.enqueue_indirect_dma source(%arg7 : memref<128x128xf32, #tpu.memory_space<vmem>>) target(%dma_start3A_766 : memref<10240x128xf32, #tpu.memory_space<vmem_shared>>) offsets(%dma_start3A_763 : memref<128xi32, #tpu.memory_space<vmem>>) semaphore(%arg12 : memref<!tpu.dma_semaphore, #tpu.memory_space<semaphore_mem>>) {add = true}
      } else {
      }
      %add3A_724 = arith.constant 1 : i32
      %add3A_725 = arith.addi %add3A_715, %add3A_724 : i32
      %lt3A_726 = arith.cmpi slt, %add3A_725, %add3A_11 : i32
      %convert_element_type3A_727 = arith.extui %lt3A_726 : i1 to i32
      %cond3A_728 = arith.constant 0 : i32
      %cond3A_729 = arith.cmpi ne, %convert_element_type3A_727, %cond3A_728 : i32
      scf.if %cond3A_729 {
        %dma_wait3A_759 = arith.constant 6 : i32
        %dma_wait3A_760 = arith.constant 1 : i32
        %dma_wait3A_761 = arith.constant 0 : i32
        %dma_wait3A_762 = tpu.memref_slice %arg6[%dma_wait3A_759, %dma_wait3A_760, %dma_wait3A_761] : memref<8x2x128xi32, #tpu.memory_space<vmem>> -> memref<1x1x128xi32, #tpu.memory_space<vmem>>
        %dma_wait3A_763 = tpu.memref_squeeze %dma_wait3A_762 : memref<1x1x128xi32, #tpu.memory_space<vmem>> -> memref<128xi32, #tpu.memory_space<vmem>>
        %dma_wait3A_764 = arith.constant 0 : i32
        %dma_wait3A_765 = arith.constant 0 : i32
        %dma_wait3A_766 = tpu.memref_slice %arg9[%dma_wait3A_764, %dma_wait3A_765] : memref<10240x128xf32, #tpu.memory_space<vmem_shared>> -> memref<10240x128xf32, #tpu.memory_space<vmem_shared>>
        tpu.wait_indirect_dma semaphore(%arg13 : memref<!tpu.dma_semaphore, #tpu.memory_space<semaphore_mem>>) src(%arg8 : memref<128x128xf32, #tpu.memory_space<vmem>>) dst(%dma_wait3A_766 : memref<10240x128xf32, #tpu.memory_space<vmem_shared>>)
        %dma_start3A_767 = arith.constant 7 : i32
        %dma_start3A_768 = arith.constant 0 : i32
        %dma_start3A_769 = arith.constant 0 : i32
        %dma_start3A_770 = tpu.memref_slice %arg6[%dma_start3A_767, %dma_start3A_768, %dma_start3A_769] : memref<8x2x128xi32, #tpu.memory_space<vmem>> -> memref<1x1x128xi32, #tpu.memory_space<vmem>>
        %dma_start3A_771 = tpu.memref_squeeze %dma_start3A_770 : memref<1x1x128xi32, #tpu.memory_space<vmem>> -> memref<128xi32, #tpu.memory_space<vmem>>
        %dma_start3A_772 = arith.constant 0 : i32
        %dma_start3A_773 = arith.constant 0 : i32
        %dma_start3A_774 = tpu.memref_slice %arg2[%dma_start3A_772, %dma_start3A_773] : memref<10000x128xf32, #tpu.memory_space<hbm>> -> memref<10000x128xf32, #tpu.memory_space<hbm>>
        tpu.enqueue_indirect_dma source(%dma_start3A_774 : memref<10000x128xf32, #tpu.memory_space<hbm>>) target(%arg8 : memref<128x128xf32, #tpu.memory_space<vmem>>) offsets(%dma_start3A_771 : memref<128xi32, #tpu.memory_space<vmem>>) semaphore(%arg11 : memref<!tpu.dma_semaphore, #tpu.memory_space<semaphore_mem>>)
      } else {
      }
      %add3A_730 = arith.constant 1 : i32
      %add3A_731 = arith.addi %add3A_390, %add3A_730 : i32
      %mul3A_732 = arith.constant 8 : i32
      %mul3A_733 = arith.muli %add3A_731, %mul3A_732 : i32
      %add3A_734 = arith.addi %add3A_6, %mul3A_733 : i32
      %add3A_735 = arith.constant 7 : i32
      %add3A_736 = arith.addi %add3A_734, %add3A_735 : i32
      %lt3A_737 = arith.cmpi slt, %add3A_736, %add3A_11 : i32
      %convert_element_type3A_738 = arith.extui %lt3A_737 : i1 to i32
      %cond3A_739 = arith.constant 0 : i32
      %cond3A_740 = arith.cmpi ne, %convert_element_type3A_738, %cond3A_739 : i32
      scf.if %cond3A_740 {
        %dma_wait3A_759 = arith.constant 7 : i32
        %dma_wait3A_760 = arith.constant 0 : i32
        %dma_wait3A_761 = arith.constant 0 : i32
        %dma_wait3A_762 = tpu.memref_slice %arg6[%dma_wait3A_759, %dma_wait3A_760, %dma_wait3A_761] : memref<8x2x128xi32, #tpu.memory_space<vmem>> -> memref<1x1x128xi32, #tpu.memory_space<vmem>>
        %dma_wait3A_763 = tpu.memref_squeeze %dma_wait3A_762 : memref<1x1x128xi32, #tpu.memory_space<vmem>> -> memref<128xi32, #tpu.memory_space<vmem>>
        %dma_wait3A_764 = arith.constant 0 : i32
        %dma_wait3A_765 = arith.constant 0 : i32
        %dma_wait3A_766 = tpu.memref_slice %arg2[%dma_wait3A_764, %dma_wait3A_765] : memref<10000x128xf32, #tpu.memory_space<hbm>> -> memref<10000x128xf32, #tpu.memory_space<hbm>>
        tpu.wait_indirect_dma semaphore(%arg11 : memref<!tpu.dma_semaphore, #tpu.memory_space<semaphore_mem>>) src(%dma_wait3A_766 : memref<10000x128xf32, #tpu.memory_space<hbm>>) dst(%arg8 : memref<128x128xf32, #tpu.memory_space<vmem>>)
      } else {
      }
      %lt3A_741 = arith.cmpi slt, %add3A_736, %add3A_11 : i32
      %convert_element_type3A_742 = arith.extui %lt3A_741 : i1 to i32
      %cond3A_743 = arith.constant 0 : i32
      %cond3A_744 = arith.cmpi ne, %convert_element_type3A_742, %cond3A_743 : i32
      scf.if %cond3A_744 {
        %dma_start3A_759 = arith.constant 7 : i32
        %dma_start3A_760 = arith.constant 1 : i32
        %dma_start3A_761 = arith.constant 0 : i32
        %dma_start3A_762 = tpu.memref_slice %arg6[%dma_start3A_759, %dma_start3A_760, %dma_start3A_761] : memref<8x2x128xi32, #tpu.memory_space<vmem>> -> memref<1x1x128xi32, #tpu.memory_space<vmem>>
        %dma_start3A_763 = tpu.memref_squeeze %dma_start3A_762 : memref<1x1x128xi32, #tpu.memory_space<vmem>> -> memref<128xi32, #tpu.memory_space<vmem>>
        %dma_start3A_764 = arith.constant 0 : i32
        %dma_start3A_765 = arith.constant 0 : i32
        %dma_start3A_766 = tpu.memref_slice %arg9[%dma_start3A_764, %dma_start3A_765] : memref<10240x128xf32, #tpu.memory_space<vmem_shared>> -> memref<10240x128xf32, #tpu.memory_space<vmem_shared>>
        tpu.enqueue_indirect_dma source(%arg8 : memref<128x128xf32, #tpu.memory_space<vmem>>) target(%dma_start3A_766 : memref<10240x128xf32, #tpu.memory_space<vmem_shared>>) offsets(%dma_start3A_763 : memref<128xi32, #tpu.memory_space<vmem>>) semaphore(%arg13 : memref<!tpu.dma_semaphore, #tpu.memory_space<semaphore_mem>>) {add = true}
      } else {
      }
      %add3A_745 = arith.constant 8 : i32
      %add3A_746 = arith.addi %add3A_734, %add3A_745 : i32
      %dma_wait3A_747 = arith.constant 0 : i32
      %dma_wait3A_748 = arith.constant 0 : i32
      %dma_wait3A_749 = tpu.memref_slice %arg3[%add3A_746, %dma_wait3A_747, %dma_wait3A_748] : memref<2510x2x128xi32, #tpu.memory_space<hbm>> -> memref<8x2x128xi32, #tpu.memory_space<hbm>>
      %dma_wait3A_750 = arith.constant 0 : i32
      %dma_wait3A_751 = arith.constant 0 : i32
      %dma_wait3A_752 = tpu.memref_slice %arg3[%add3A_746, %dma_wait3A_750, %dma_wait3A_751] : memref<2510x2x128xi32, #tpu.memory_space<hbm>> -> memref<8x2x128xi32, #tpu.memory_space<hbm>>
      tpu.wait_dma2 semaphore(%arg14 : memref<!tpu.dma_semaphore, #tpu.memory_space<semaphore_mem>>) src(%dma_wait3A_752 : memref<8x2x128xi32, #tpu.memory_space<hbm>>) dst(%arg5 : memref<8x2x128xi32, #tpu.memory_space<vmem>>)
      %add3A_753 = arith.constant 1 : i32
      %add3A_754 = arith.addi %add3A_736, %add3A_753 : i32
      %lt3A_755 = arith.cmpi slt, %add3A_754, %add3A_11 : i32
      %convert_element_type3A_756 = arith.extui %lt3A_755 : i1 to i32
      %cond3A_757 = arith.constant 0 : i32
      %cond3A_758 = arith.cmpi ne, %convert_element_type3A_756, %cond3A_757 : i32
      scf.if %cond3A_758 {
        %dma_wait3A_759 = arith.constant 7 : i32
        %dma_wait3A_760 = arith.constant 1 : i32
        %dma_wait3A_761 = arith.constant 0 : i32
        %dma_wait3A_762 = tpu.memref_slice %arg6[%dma_wait3A_759, %dma_wait3A_760, %dma_wait3A_761] : memref<8x2x128xi32, #tpu.memory_space<vmem>> -> memref<1x1x128xi32, #tpu.memory_space<vmem>>
        %dma_wait3A_763 = tpu.memref_squeeze %dma_wait3A_762 : memref<1x1x128xi32, #tpu.memory_space<vmem>> -> memref<128xi32, #tpu.memory_space<vmem>>
        %dma_wait3A_764 = arith.constant 0 : i32
        %dma_wait3A_765 = arith.constant 0 : i32
        %dma_wait3A_766 = tpu.memref_slice %arg9[%dma_wait3A_764, %dma_wait3A_765] : memref<10240x128xf32, #tpu.memory_space<vmem_shared>> -> memref<10240x128xf32, #tpu.memory_space<vmem_shared>>
        tpu.wait_indirect_dma semaphore(%arg12 : memref<!tpu.dma_semaphore, #tpu.memory_space<semaphore_mem>>) src(%arg7 : memref<128x128xf32, #tpu.memory_space<vmem>>) dst(%dma_wait3A_766 : memref<10240x128xf32, #tpu.memory_space<vmem_shared>>)
        %dma_start3A_767 = arith.constant 0 : i32
        %dma_start3A_768 = arith.constant 0 : i32
        %dma_start3A_769 = arith.constant 0 : i32
        %dma_start3A_770 = tpu.memref_slice %arg5[%dma_start3A_767, %dma_start3A_768, %dma_start3A_769] : memref<8x2x128xi32, #tpu.memory_space<vmem>> -> memref<1x1x128xi32, #tpu.memory_space<vmem>>
        %dma_start3A_771 = tpu.memref_squeeze %dma_start3A_770 : memref<1x1x128xi32, #tpu.memory_space<vmem>> -> memref<128xi32, #tpu.memory_space<vmem>>
        %dma_start3A_772 = arith.constant 0 : i32
        %dma_start3A_773 = arith.constant 0 : i32
        %dma_start3A_774 = tpu.memref_slice %arg2[%dma_start3A_772, %dma_start3A_773] : memref<10000x128xf32, #tpu.memory_space<hbm>> -> memref<10000x128xf32, #tpu.memory_space<hbm>>
        tpu.enqueue_indirect_dma source(%dma_start3A_774 : memref<10000x128xf32, #tpu.memory_space<hbm>>) target(%arg7 : memref<128x128xf32, #tpu.memory_space<vmem>>) offsets(%dma_start3A_771 : memref<128xi32, #tpu.memory_space<vmem>>) semaphore(%arg10 : memref<!tpu.dma_semaphore, #tpu.memory_space<semaphore_mem>>)
      } else {
      }
    }
    %scan3A_368 = arith.constant 4 : i32
    %dma_wait3A_369 = arith.constant 0 : i32
    %dma_wait3A_370 = arith.constant 1 : i32
    %dma_wait3A_371 = arith.constant 0 : i32
    %dma_wait3A_372 = tpu.memref_slice %arg5[%dma_wait3A_369, %dma_wait3A_370, %dma_wait3A_371] : memref<8x2x128xi32, #tpu.memory_space<vmem>> -> memref<1x1x128xi32, #tpu.memory_space<vmem>>
    %dma_wait3A_373 = tpu.memref_squeeze %dma_wait3A_372 : memref<1x1x128xi32, #tpu.memory_space<vmem>> -> memref<128xi32, #tpu.memory_space<vmem>>
    %dma_wait3A_374 = arith.constant 0 : i32
    %dma_wait3A_375 = arith.constant 0 : i32
    %dma_wait3A_376 = tpu.memref_slice %arg9[%dma_wait3A_374, %dma_wait3A_375] : memref<10240x128xf32, #tpu.memory_space<vmem_shared>> -> memref<10240x128xf32, #tpu.memory_space<vmem_shared>>
    tpu.wait_indirect_dma semaphore(%arg12 : memref<!tpu.dma_semaphore, #tpu.memory_space<semaphore_mem>>) src(%arg7 : memref<128x128xf32, #tpu.memory_space<vmem>>) dst(%dma_wait3A_376 : memref<10240x128xf32, #tpu.memory_space<vmem_shared>>)
    %dma_wait3A_377 = arith.constant 0 : i32
    %dma_wait3A_378 = arith.constant 1 : i32
    %dma_wait3A_379 = arith.constant 0 : i32
    %dma_wait3A_380 = tpu.memref_slice %arg5[%dma_wait3A_377, %dma_wait3A_378, %dma_wait3A_379] : memref<8x2x128xi32, #tpu.memory_space<vmem>> -> memref<1x1x128xi32, #tpu.memory_space<vmem>>
    %dma_wait3A_381 = tpu.memref_squeeze %dma_wait3A_380 : memref<1x1x128xi32, #tpu.memory_space<vmem>> -> memref<128xi32, #tpu.memory_space<vmem>>
    %dma_wait3A_382 = arith.constant 0 : i32
    %dma_wait3A_383 = arith.constant 0 : i32
    %dma_wait3A_384 = tpu.memref_slice %arg9[%dma_wait3A_382, %dma_wait3A_383] : memref<10240x128xf32, #tpu.memory_space<vmem_shared>> -> memref<10240x128xf32, #tpu.memory_space<vmem_shared>>
    tpu.wait_indirect_dma semaphore(%arg13 : memref<!tpu.dma_semaphore, #tpu.memory_space<semaphore_mem>>) src(%arg8 : memref<128x128xf32, #tpu.memory_space<vmem>>) dst(%dma_wait3A_384 : memref<10240x128xf32, #tpu.memory_space<vmem_shared>>)
    %barrier3A_385 = arith.constant 0 : index
    tpu.barrier barrier_id(%barrier3A_385)
    "tpu.region"() ({
      %run_scoped3A = tpu.sem_alloc : memref<!tpu.dma_semaphore, #tpu.memory_space<semaphore_mem>>
      %dma_start3A_386 = arith.constant 0 : i32
      %dma_start3A_387 = tpu.memref_slice %arg4[%arg0, %mul3A_2, %dma_start3A_386] : memref<2x10240x128xf32, #tpu.memory_space<hbm>> -> memref<1x640x128xf32, #tpu.memory_space<hbm>>
      %dma_start3A_388 = tpu.memref_squeeze %dma_start3A_387 : memref<1x640x128xf32, #tpu.memory_space<hbm>> -> memref<640x128xf32, #tpu.memory_space<hbm>>
      %dma_start3A_389 = arith.constant 0 : i32
      %dma_start3A_390 = tpu.memref_slice %arg9[%mul3A_2, %dma_start3A_389] : memref<10240x128xf32, #tpu.memory_space<vmem_shared>> -> memref<640x128xf32, #tpu.memory_space<vmem_shared>>
      tpu.enqueue_dma source(%dma_start3A_390 : memref<640x128xf32, #tpu.memory_space<vmem_shared>>) target(%dma_start3A_388 : memref<640x128xf32, #tpu.memory_space<hbm>>) target_semaphore(%run_scoped3A : memref<!tpu.dma_semaphore, #tpu.memory_space<semaphore_mem>>)
      %dma_wait3A_391 = arith.constant 0 : i32
      %dma_wait3A_392 = tpu.memref_slice %arg4[%arg0, %mul3A_2, %dma_wait3A_391] : memref<2x10240x128xf32, #tpu.memory_space<hbm>> -> memref<1x640x128xf32, #tpu.memory_space<hbm>>
      %dma_wait3A_393 = tpu.memref_squeeze %dma_wait3A_392 : memref<1x640x128xf32, #tpu.memory_space<hbm>> -> memref<640x128xf32, #tpu.memory_space<hbm>>
      %dma_wait3A_394 = arith.constant 0 : i32
      %dma_wait3A_395 = tpu.memref_slice %arg9[%mul3A_2, %dma_wait3A_394] : memref<10240x128xf32, #tpu.memory_space<vmem_shared>> -> memref<640x128xf32, #tpu.memory_space<vmem_shared>>
      tpu.wait_dma2 semaphore(%run_scoped3A : memref<!tpu.dma_semaphore, #tpu.memory_space<semaphore_mem>>) src(%dma_wait3A_395 : memref<640x128xf32, #tpu.memory_space<vmem_shared>>) dst(%dma_wait3A_393 : memref<640x128xf32, #tpu.memory_space<hbm>>)
      tpu.yield
    }) : () -> ()
    return
  }
}

module attributes {stable_mosaic.version = 14 : i64} {
  func.func @tc_body(%arg0: i32, %arg1: memref<2x2048x128xf32, #tpu.memory_space<vmem>>, %arg2: memref<128x128xf32, #tpu.memory_space<vmem>>, %arg3: memref<1x128xf32, #tpu.memory_space<vmem>>, %arg4: memref<128x64xf32, #tpu.memory_space<vmem>>, %arg5: memref<1x64xf32, #tpu.memory_space<vmem>>, %arg6: memref<2048x64xf32, #tpu.memory_space<vmem>>) attributes {dimension_semantics = [#tpu.dimension_semantics<arbitrary>], iteration_bounds = array<i64: 5>, scalar_prefetch = 0 : i64, scratch_operands = 0 : i64, tpu.core_type = #tpu.core_type<tc>, window_params = [{transform_indices = @transform_0, window_bounds = array<i64: 2, 2048, 128>}, {pipeline_mode = #tpu.pipeline_mode<synchronous>, transform_indices = @transform_1, window_bounds = array<i64: 128, 128>}, {pipeline_mode = #tpu.pipeline_mode<synchronous>, transform_indices = @transform_2, window_bounds = array<i64: 1, 128>}, {pipeline_mode = #tpu.pipeline_mode<synchronous>, transform_indices = @transform_3, window_bounds = array<i64: 128, 64>}, {pipeline_mode = #tpu.pipeline_mode<synchronous>, transform_indices = @transform_4, window_bounds = array<i64: 1, 64>}, {transform_indices = @transform_5, window_bounds = array<i64: 2048, 64>}]} {
    %get3A = arith.constant 0 : index
    %get3A_0 = arith.constant 0 : index
    %get3A_1 = arith.constant 0 : index
    %get3A_2 = vector.load %arg1[%get3A, %get3A_0, %get3A_1] : memref<2x2048x128xf32, #tpu.memory_space<vmem>>, vector<1x2048x128xf32>
    %get3A_3 = vector.shape_cast %get3A_2 : vector<1x2048x128xf32> to vector<2048x128xf32>
    %get3A_4 = arith.constant 1 : index
    %get3A_5 = arith.constant 0 : index
    %get3A_6 = arith.constant 0 : index
    %get3A_7 = vector.load %arg1[%get3A_4, %get3A_5, %get3A_6] : memref<2x2048x128xf32, #tpu.memory_space<vmem>>, vector<1x2048x128xf32>
    %get3A_8 = vector.shape_cast %get3A_7 : vector<1x2048x128xf32> to vector<2048x128xf32>
    %add3A = arith.addf %get3A_3, %get3A_8 : vector<2048x128xf32>
    %get3A_9 = arith.constant 0 : index
    %get3A_10 = arith.constant 0 : index
    %get3A_11 = vector.load %arg2[%get3A_9, %get3A_10] : memref<128x128xf32, #tpu.memory_space<vmem>>, vector<128x128xf32>
    %dot_general3A = arith.constant dense<0.000000e+00> : vector<2048x128xf32>
    %dot_general3A_12 = tpu.matmul %add3A, %get3A_11, %dot_general3A {dimension_numbers = #tpu.dot_dimension_numbers<[1], [0], [0], [1], [0, 0, 1, 1], [], []>, transpose_lhs_hint = false} : vector<2048x128xf32>, vector<128x128xf32>, vector<2048x128xf32> -> vector<2048x128xf32>
    %get3A_13 = arith.constant 0 : index
    %get3A_14 = arith.constant 0 : index
    %get3A_15 = vector.load %arg3[%get3A_13, %get3A_14] : memref<1x128xf32, #tpu.memory_space<vmem>>, vector<1x128xf32>
    %add3A_16 = vector.broadcast %get3A_15 : vector<1x128xf32> to vector<2048x128xf32>
    %add3A_17 = arith.addf %dot_general3A_12, %add3A_16 : vector<2048x128xf32>
    %max3A = arith.constant 0.000000e+00 : f32
    %max3A_18 = vector.broadcast %max3A : f32 to vector<2048x128xf32>
    %max3A_19 = arith.maximumf %add3A_17, %max3A_18 : vector<2048x128xf32>
    %get3A_20 = arith.constant 0 : index
    %get3A_21 = arith.constant 0 : index
    %get3A_22 = vector.load %arg4[%get3A_20, %get3A_21] : memref<128x64xf32, #tpu.memory_space<vmem>>, vector<128x64xf32>
    %dot_general3A_23 = arith.constant dense<0.000000e+00> : vector<2048x64xf32>
    %dot_general3A_24 = tpu.matmul %max3A_19, %get3A_22, %dot_general3A_23 {dimension_numbers = #tpu.dot_dimension_numbers<[1], [0], [0], [1], [0, 0, 1, 1], [], []>, transpose_lhs_hint = false} : vector<2048x128xf32>, vector<128x64xf32>, vector<2048x64xf32> -> vector<2048x64xf32>
    %get3A_25 = arith.constant 0 : index
    %get3A_26 = arith.constant 0 : index
    %get3A_27 = vector.load %arg5[%get3A_25, %get3A_26] : memref<1x64xf32, #tpu.memory_space<vmem>>, vector<1x64xf32>
    %add3A_28 = vector.broadcast %get3A_27 : vector<1x64xf32> to vector<2048x64xf32>
    %add3A_29 = arith.addf %dot_general3A_24, %add3A_28 : vector<2048x64xf32>
    %swap3A = arith.constant 0 : index
    %swap3A_30 = arith.constant 0 : index
    %swap3A_31 = vector.load %arg6[%swap3A, %swap3A_30] : memref<2048x64xf32, #tpu.memory_space<vmem>>, vector<2048x64xf32>
    tpu.vector_store %arg6[%swap3A, %swap3A_30], %add3A_29 {strides = array<i32>} : memref<2048x64xf32, #tpu.memory_space<vmem>>, vector<2048x64xf32>,
    return
  }
  func.func @transform_0(%arg0: i32) -> (i32, i32, i32) {
    %c0_i32 = arith.constant 0 : i32
    %c0_i32_0 = arith.constant 0 : i32
    %c0_i32_1 = arith.constant 0 : i32
    return %c0_i32, %arg0, %c0_i32_0 : i32, i32, i32
  }
  func.func @transform_1(%arg0: i32) -> (i32, i32) {
    %c0_i32 = arith.constant 0 : i32
    %c0_i32_0 = arith.constant 0 : i32
    %c0_i32_1 = arith.constant 0 : i32
    return %c0_i32, %c0_i32_0 : i32, i32
  }
  func.func @transform_2(%arg0: i32) -> (i32, i32) {
    %c0_i32 = arith.constant 0 : i32
    %c0_i32_0 = arith.constant 0 : i32
    %c0_i32_1 = arith.constant 0 : i32
    return %c0_i32, %c0_i32_0 : i32, i32
  }
  func.func @transform_3(%arg0: i32) -> (i32, i32) {
    %c0_i32 = arith.constant 0 : i32
    %c0_i32_0 = arith.constant 0 : i32
    %c0_i32_1 = arith.constant 0 : i32
    return %c0_i32, %c0_i32_0 : i32, i32
  }
  func.func @transform_4(%arg0: i32) -> (i32, i32) {
    %c0_i32 = arith.constant 0 : i32
    %c0_i32_0 = arith.constant 0 : i32
    %c0_i32_1 = arith.constant 0 : i32
    return %c0_i32, %c0_i32_0 : i32, i32
  }
  func.func @transform_5(%arg0: i32) -> (i32, i32) {
    %c0_i32 = arith.constant 0 : i32
    %c0_i32_0 = arith.constant 0 : i32
    return %arg0, %c0_i32 : i32, i32
  }
}

</mosaic_0001>

<sc_bundles>
// kernel: kernel.4.cloned.1.call-start
scs
__scs_entry_jumppad:
0x0: {  	(pc) =	sbr.rel $0x88, $3  }
0x1: {  	(tag) =	ssettag $0x0;
	lr =	simm.s32 $0x1  }
0x2: {  	[smem:$0x3F9B] =	sst lr;
	_ =	strace $0xD0000000  }
0x3: {  	_ = 	snop  }
0x4: {  	_ = 	snop  }
0x5: {  	_ = 	snop  }
0x6: {  	_ = 	snop  }
0x7: {  	_ = 	snop  }
__scs_overlays_trampoline_lowered:
0x8: {  	[smem:$0x3FAA] =	sst s0  }
0x9: {  	[smem:$0x3FAB] =	sst s1  }
0xa: {  	[smem:$0x3FAC] =	sst s2  }
0xb: {  	[smem:$0x3FAD] =	sst s3  }
0xc: {  	[smem:$0x3FAE] =	sst s4  }
0xd: {  	[smem:$0x3FAF] =	sst s5  }
0xe: {  	[smem:$0x3FB0] =	sst s6  }
0xf: {  	[smem:$0x3FB1] =	sst s7  }
0x10: {  	[smem:$0x3FB2] =	sst s8  }
0x11: {  	[smem:$0x3FB3] =	sst s9;
	s0 =	simm.s32 @!p0 $0x0  }
0x12: {  	s1 =	sld [smem:$0x3F99];
	s0 =	simm.s32 @p0 $0x1  }
0x13: {  	[smem:$0x3FB4] =	sst s0;
	s0 =	simm.s32 @!p1 $0x0  }
0x14: {  	s2 =	sld [smem:$0x3F98];
	s0 =	simm.s32 @p1 $0x1  }
0x15: {  	[smem:$0x3FB5] =	sst s0;
	s0 =	simm.s32 @!p2 $0x0  }
0x16: {  	s3 =	sld [smem:$0x3FDB];
	s0 =	simm.s32 @p2 $0x1  }
0x17: {  	s4 =	simm.s32 $0x1BF5;
	[smem:$0x3FB7] =	sst s0  }
0x18: {  	s0 =	sld [smem:$0x3F9A];
	_ =	swait.ge [sflag:s4], $0x0  }
0x19: {  	s7 =	sld [smem:$0x3F9B]  }
0x1a: {  	s8 =	sadd.s32 $0xFFFFE003, lr  }
0x1b: {  	s9 =	sadd.s32 $0xFFFFFEF7, lr;
	s5 =	simm.s32 $0xFFFFFFFF;
	p2 =	slt.u32 s8, $0xFFFFF086  }
0x1c: {  	p1 =	slt.u32 s9, $0xF7A;
	s5 =	simm.s32 @!p2 $0x0  }
0x1d: {  	s5 =	simm.s32 @p1 $0x1;
	p0 =	seq.s32 s7, s2  }
0x1e: {  	s7 =	smul.u32 @!p0 $0xF7A, s2;
	p2 =	seq.s32 @!p0 s5, $0x0  }
0x1f: {  	s9 =	smul.u32 $0xF7A, s1;
	s8 =	simm.s32 @!p0 $0x1BF5;
	p2 =	por !p2, p0  }
0x20: {  	[sflag:s8] =	ssyncset.s32 @!p0 $0xFFFFF086;
	s6 =	sadd.s32 @!p0 s3, s7;
	s7 =	simm.s32 @!p0 $0x108  }
0x21: {  	s3 =	sadd.s32 s3, s9;
	s6 =	sadd.s32 @!p0 $0x88, s6;
	s7 =	simm.s32 @p2 $0x1082  }
0x22: {  	[simem:s7], [sflag:s8] =	dma.local @!p0 [hbm:s6], $0xF7A  }
0x23: {  	s9 =	sor.u32 $0xD0000000, s2;
	s6 =	simm.s32 $0x108;
	_ =	swait.ge @!p0 [sflag:s8], $0x0  }
0x24: {  	s3 =	sadd.s32 $0x88, s3;
	s6 =	simm.s32 @!p1 $0x1082;
	[sflag:s4] =	ssyncset.s32 $0xFFFFF086  }
0x25: {  	[simem:s6], [sflag:s4] =	dma.local [hbm:s3], $0xF7A  }
0x26: {  	[smem:$0x3F9B] =	sst s1;
	(tag) =	ssettag s2;
	_ =	strace s9  }
0x27: {  	s1 =	sld [smem:$0x3FAB]  }
0x28: {  	s2 =	sld [smem:$0x3FAC]  }
0x29: {  	s4 =	sld [smem:$0x3FAE]  }
0x2a: {  	p0 =	seq.s32 s5, $0x0;
	s5 =	sld [smem:$0x3FAF]  }
0x2b: {  	s6 =	sld [smem:$0x3FB0]  }
0x2c: {  	s7 =	sld [smem:$0x3FB1]  }
0x2d: {  	s3 =	simm.s32 $0x108;
	s8 =	sld [smem:$0x3FB2]  }
0x2e: {  	s3 =	simm.s32 @!p0 $0x1082;
	s9 =	sld [smem:$0x3FB3]  }
0x2f: {  	lr =	sadd.s32 s0, s3;
	s0 =	sld [smem:$0x3FAA]  }
0x30: {  	s3 =	sld [smem:$0x3FAD]  }
0x31: {  	[smem:$0x3FB6] =	sst s10  }
0x32: {  	s10 =	sld [smem:$0x3FB4];
	_ =	sdelay $0x3  }
0x33: {  	p0 =	seq.s32 s10, $0x1;
	s10 =	sld [smem:$0x3FB6];
	_ =	sdelay $0x3  }
0x34: {  	[smem:$0x3FB6] =	sst s10  }
0x35: {  	s10 =	sld [smem:$0x3FB5];
	_ =	sdelay $0x3  }
0x36: {  	p1 =	seq.s32 s10, $0x1;
	s10 =	sld [smem:$0x3FB6];
	_ =	sdelay $0x3  }
0x37: {  	[smem:$0x3FB6] =	sst s10  }
0x38: {  	s10 =	sld [smem:$0x3FB7]  }
0x39: {  	_ = 	snop;
	(pc) =	sbr.ind lr, $3  }
0x3a: {  	_ = 	snop  }
0x3b: {  	_ = 	snop  }
0x3c: {  	p2 =	seq.s32 s10, $0x1;
	s10 =	sld [smem:$0x3FB6]  }
0x3d: {  	_ =	shalt  }
0x3e: {  	_ =	shalt  }
0x3f: {  	_ =	shalt  }
0x40: {  	_ =	shalt  }
0x41: {  	_ =	shalt  }
0x42: {  	_ =	shalt  }
0x43: {  	_ =	shalt  }
0x44: {  	_ =	shalt  }
0x45: {  	_ =	shalt  }
0x46: {  	_ =	shalt  }
0x47: {  	_ =	shalt  }
0x48: {  	_ =	shalt  }
0x49: {  	_ =	shalt  }
0x4a: {  	_ =	shalt  }
0x4b: {  	_ =	shalt  }
0x4c: {  	_ =	shalt  }
0x4d: {  	_ =	shalt  }
0x4e: {  	_ =	shalt  }
0x4f: {  	_ =	shalt  }
0x50: {  	_ =	shalt  }
0x51: {  	_ =	shalt  }
0x52: {  	_ =	shalt  }
0x53: {  	_ =	shalt  }
0x54: {  	_ =	shalt  }
0x55: {  	_ =	shalt  }
0x56: {  	_ =	shalt  }
0x57: {  	_ =	shalt  }
0x58: {  	_ =	shalt  }
0x59: {  	_ =	shalt  }
0x5a: {  	_ =	shalt  }
0x5b: {  	_ =	shalt  }
0x5c: {  	_ =	shalt  }
0x5d: {  	_ =	shalt  }
0x5e: {  	_ =	shalt  }
0x5f: {  	_ =	shalt  }
0x60: {  	_ =	shalt  }
0x61: {  	_ =	shalt  }
0x62: {  	_ =	shalt  }
0x63: {  	_ =	shalt  }
0x64: {  	_ =	shalt  }
0x65: {  	_ =	shalt  }
0x66: {  	_ =	shalt  }
0x67: {  	_ =	shalt  }
0x68: {  	_ =	shalt  }
0x69: {  	_ =	shalt  }
0x6a: {  	_ =	shalt  }
0x6b: {  	_ =	shalt  }
0x6c: {  	_ =	shalt  }
0x6d: {  	_ =	shalt  }
0x6e: {  	_ =	shalt  }
0x6f: {  	_ =	shalt  }
0x70: {  	_ =	shalt  }
0x71: {  	_ =	shalt  }
0x72: {  	_ =	shalt  }
0x73: {  	_ =	shalt  }
0x74: {  	_ =	shalt  }
0x75: {  	_ =	shalt  }
0x76: {  	_ =	shalt  }
0x77: {  	_ =	shalt  }
0x78: {  	_ =	shalt  }
0x79: {  	_ =	shalt  }
0x7a: {  	_ =	shalt  }
0x7b: {  	_ =	shalt  }
0x7c: {  	_ =	shalt  }
0x7d: {  	_ =	shalt  }
0x7e: {  	_ =	shalt  }
0x7f: {  	_ =	shalt  }
0x80: {  	_ =	shalt  }
0x81: {  	_ =	shalt  }
0x82: {  	_ =	shalt  }
0x83: {  	_ =	shalt  }
0x84: {  	_ =	shalt  }
0x85: {  	_ =	shalt  }
0x86: {  	_ =	shalt  }
0x87: {  	_ =	shalt  }
.Lfunc_end0:
.L_simem_size_0:
called_computation_lowered:
.L_overlay_start_0:
0x88: {  	s2 =	sld [smem:$0x3FD9]  }
0x89: {  	s3 =	sld [smem:$0x3FFE];
	_ =	sdelay $0x1  }
0x8a: {  	s1 =	srdreg.scid  }
0x8b: {  	s0 =	sand.u32 $0x1, s1  }
0x8c: {  	s17 =	sshll.u32 s0, $0xA;
	s2 =	sadd.s32 s3, s2  }
0x8d: {  	s2 =	sadd.s32 s2, s17  }
0x8e: {  	[smem:$0x3FC2] =	sst s2  }
0x8f: {  	_ = 	snop  }
0x90: {  	s2 =	sld [smem:$0x3FC9]  }
0x91: {  	s18 =	sld [smem:$0x3FD0];
	(tm) =	ssettm $0x1  }
0x92: {  	s4 =	sld [smem:$0x3FFB];
	_ =	sdelay $0x3  }
0x93: {  	_ =	strace s4  }
0x94: {  	s4 =	sld [smem:$0x3FFC];
	_ =	sdelay $0x3  }
0x95: {  	_ =	strace s4  }
0x96: {  	s4 =	sld [smem:$0x3FFD];
	_ =	sdelay $0x3  }
0x97: {  	_ =	strace s4  }
0x98: {  	_ =	strace $0x8FFFFFFF  }
0x99: {  	s19 =	sld [smem:$0x3FDB];
	_ =	sdelay $0x1  }
0x9a: {  	s5 =	simm.s32 $_scs_section_size  }
0x9b: {  	s6 =	simm.s32 $_size__tile_overlayer_lowered;
	s7 =	simm.s32 $_tile_overlayer_lowered  }
0x9c: {  	s22 =	simm.s32 $0x1BFF;
	s21 =	sshll.u32 s7, $0x1;
	s4 =	sadd.s32 s5, s19  }
0x9d: {  	s8 =	simm.s32 $0x0;
	s20 =	sshll.u32 s6, $0x1;
	s6 =	sadd.s32 s21, s4  }
0x9e: {  	[timem:s8], [sflag:s22] =	dma.local [hbm:s6], s20  }
0x9f: {  	_ =	swait.ge [sflag:s22], s20  }
0xa0: {  	s5 =	ssub.s32 $0x0, s20;
	[sflag:s22] =	ssyncset.done $0x0  }
0xa1: {  	[sflag:s22] =	ssyncadd.s32 s5;
	_ =	sdelay $0x1  }
0xa2: {  	s23 =	simm.s32 $0x1B8B  }
0xa3: {  	_ =	swait.ge [sflag:s23], $0x1  }
0xa4: {  	[sflag:s23] =	ssyncset.done $0x0  }
0xa5: {  	s25 =	simm.s32 $0x1B8E;
	s24 =	sld [smem:$0x3FFE];
	[sflag:s23] =	ssyncadd.s32 $0xFFFFFFFF  }
0xa6: {  	s26 =	simm.s32 $execute0_lowered;
	[smem:$0x3FD2] =	sst s25  }
0xa7: {  	s6 =	sshll.u32 s26, $0x1;
	_ =	strace $0x80000046;
	[dreg:$0x1] =	wrdreg $0xFFFFFFFF  }
0xa8: {  	s28 =	simm.s32 $_size_execute0_lowered;
	s4 =	sadd.s32 s4, s6;
	[dreg:$0x0] =	wrdreg $0x0  }
0xa9: {  	s6 =	sshll.u32 s28, $0x1;
	[dreg:$0x2] =	wrdreg s4  }
0xaa: {  	[dreg:$0x3] =	wrdreg s6  }
0xab: {  	[dreg:$0x4] =	wrdreg $0xC0  }
0xac: {  	_ =	task [dreg:s8], $0x5FFFF  }
0xad: {  	[dreg:$0x1] =	wrdreg $0xFFFFFFFF  }
0xae: {  	[dreg:$0x0] =	wrdreg $0x60  }
0xaf: {  	[dreg:$0x2] =	wrdreg s2  }
0xb0: {  	[dreg:$0x3] =	wrdreg s18  }
0xb1: {  	[dreg:$0x4] =	wrdreg s24  }
0xb2: {  	[dreg:$0x5] =	wrdreg $0x90000  }
0xb3: {  	[dreg:$0x6] =	wrdreg $0x9  }
0xb4: {  	_ =	task.clear_ibuf [dreg:s8], $0x7FFFF;
	_ =	strace $0x90000046  }
0xb5: {  	s29 =	simm.s32 $0x9;
	_ =	strace $0x80000048  }
0xb6: {  	_ =	swait.ge [sflag:s29], $0x1  }
0xb7: {  	[sflag:s29] =	ssyncadd.s32 $0xFFFFFFFF  }
0xb8: {  	_ =	strace $0x90000048  }
0xb9: {  	_ =	sfence  }
0xba: {  	s30 =	sld [smem:$0x0];
	_ =	sdelay $0x2  }
0xbb: {  	s31 =	sshll.u32 s1, $0xD;
	s1 =	sshrl.u32 s1, $0x2  }
0xbc: {  	s3 =	sand.u32 $0x4000, s31;
	s1 =	sadd.s32 s1, s30  }
0xbd: {  	s0 =	sor.u32 s3, s0;
	s1 =	sshll.u32 s1, $0x11  }
0xbe: {  	s0 =	sor.u32 s1, s0  }
0xbf: {  	s0 =	sadd.s32 $0x8F2B, s0  }
0xc0: {  	[sflag:s0] =	ssyncadd.remote.s32 $0x1  }
0xc1: {  	_ =	sfence.sel $0xFFFF  }
0xc2: {  	[dreg:$0x0] =	wrdreg $0xFFFFFFFF;
	(pc) =	sbr.abs _section_cstart, $3  }
0xc3: {  	[dreg:$0x1] =	wrdreg $0xFFFFFFFF  }
0xc4: {  	_ =	task.clear_ibuf [dreg:s8], $0x2FFFF;
	_ =	strace $0x9FFFFFFF  }
0xc5: {  	(tm) =	ssettm $0x7FFFFFFF  }
tec
execute0_lowered:
.L_overlay_start_1:
0x0: {  	(tag) =	ssettag $0x1  }
0x1: {  	s0 =	rddreg [dreg:$0x0]  }
0x2: {  	s1 =	rddreg [dreg:$0x1]  }
0x3: {  	s2 =	rddreg [dreg:$0x2];
	s4 =	srdreg.scid  }
0x4: {  	s3 =	rddreg [dreg:$0x3];
	s13 =	stileid.u32  }
0x5: {  	s10 =	simm.s32 $0x4F;
	s28 =	simm.s32 $0x800;
	s7 =	smul.u32 $0x14000, s13  }
0x6: {  	s29 =	simm.s32 $0x3;
	s6 =	sand.u32 $0x1, s4;
	s15 =	smul.u32 $0x50000, s13  }
0x7: {  	s4 =	simm.s32 $0x0;
	s12 =	sshll.u32 s13, $0x1;
	s19 =	smul.u32 $0x9C, s13  }
0x8: {  	p0 =	slt.u32 s13, $0x2;
	s5 =	smul.u32 $0x140000, s6;
	[smem:$0x7FF] =	sst s4  }
0x9: {  	s8 =	ssub.s32 $0x2, s6;
	s10 =	simm.s32 @!p0 $0x4E;
	_ =	strace $0x80000047  }
0xa: {  	s14 =	sshrl.u32 s8, $0x1;
	s5 =	sadd.s32 s7, s5;
	s7 =	sor.u32 s6, s12  }
0xb: {  	s8 =	ssub.s32 s8, s14;
	s12 =	sshrl.u32 s15, $0x2;
	s6 =	smul.u32 $0x4E, s6  }
0xc: {  	s5 =	sshrl.u32 s5, $0x3;
	s9 =	smul.u32 $0x4E, s7;
	s30 =	smax.u32 s8, $0x1  }
0xd: {  	s7 =	smin.u32 s7, $0x4;
	s12 =	sadd.s32 s12, s3;
	[dreg:$0xf] =	wrdreg s30  }
0xe: {  	s8 =	simm.s32 $0x6;
	s17 =	sadd.s32 $0x4000, s12;
	[dreg:$0x7] =	wrdreg s12  }
0xf: {  	s2 =	sadd.s32 s5, s2;
	s18 =	sadd.s32 $0x8000, s12;
	[dreg:$0x8] =	wrdreg s17  }
0x10: {  	s20 =	sadd.s32 $0xC000, s12;
	s22 =	sadd.s32 $0x10000, s12;
	[dreg:$0x9] =	wrdreg s18  }
0x11: {  	s24 =	sadd.s32 s6, s19;
	s9 =	sadd.s32 s7, s9;
	[dreg:$0xa] =	wrdreg s20  }
0x12: {  	[dreg:$0xb] =	wrdreg s22;
	s2 =	sadd.s32 $0x1000, s2;
	s20 =	simm.s32 $0x5  }
0x13: {  	s11 =	sshll.u32 s9, $0x5;
	s5 =	sadd.s32 s9, s10;
	s9 =	sadd.s32 s19, s7  }
0x14: {  	s7 =	sadd.s32 s7, s24;
	[dreg:$0xe] =	wrdreg s2;
	s16 =	sadd.s32 s1, s11  }
0x15: {  	s21 =	sadd.s32 $0x100, s11;
	s11 =	sadd.s32 $0x200, s11;
	s25 =	sadd.s32 s6, s9  }
0x16: {  	s26 =	sshll.u32 s7, $0x5;
	[dreg:$0x6] =	wrdreg s16;
	s10 =	sand.u32 $0x1FFFFFE0, s21  }
0x17: {  	s23 =	sand.u32 $0x1FFFFFE0, s11;
	[dreg:$0x5] =	wrdreg s25;
	s10 =	sadd.s32 s1, s10  }
0x18: {  	[dreg:$0xc] =	wrdreg s10;
	s10 =	sadd.s32 s1, s23;
	s1 =	sadd.s32 s1, s26  }
0x19: {  	s6 =	simm.s32 $0x0;
	[dreg:$0xd] =	wrdreg s10;
	s31 =	sadd.s32 $0x400, s1  }
0x1a: {  	s21 =	simm.s32 $0x80;
	s1 =	sadd.s32 $0x300, s1;
	[dreg:$0x10] =	wrdreg s31  }
0x1b: {  	v0 =	vimm.f32 $0.0e+00;
	s25 =	simm.s32 $0x2;
	[dreg:$0x11] =	wrdreg s1;
	s1 =	simm.s32 $0x4  }
.LBB2_1:
0x1c: {  	s2 =	rddreg [dreg:$0x6]  }
0x1d: {  	[tilespmem:s4], [sflag:$0x5] =	stream.linear.gather [hbm4b:s2+s4], $0x800, $0x38;
	[tilespmem:$0x1D000] =	vst v63  }
0x1e: {  	[dreg:$0x12] =	wrdreg s6;
	s6 =	simm.s32 $0x200;
	s2 =	simm.s32 $0x0  }
.LBB2_2:
0x1f: {  	p0 =	sne.s32 s6, $0xFE00;
	[tilespmem:s2+$0x1070] =	vst v0  }
0x20: {  	[tilespmem:s2+$0x1000] =	vst v0  }
0x21: {  	[tilespmem:s2+$0x1010] =	vst v0  }
.Ltmp0:
0x22: {  	[tilespmem:s2+$0x1020] =	vst v0;
	(pc) =	sbr.rel @p0 .LBB2_2-.Ltmp0, $4  }
0x23: {  	[tilespmem:s2+$0x1030] =	vst v0  }
0x24: {  	[tilespmem:s2+$0x1040] =	vst v0  }
0x25: {  	[tilespmem:s2+$0x1050] =	vst v0  }
0x26: {  	[tilespmem:s2+$0x1060] =	vst v0;
	s2 =	sshra.s32 s6, $0x2;
	s6 =	sadd.s32 $0x200, s6  }
0x27: {  	[tilespmem:s2+$0x1070] =	vst v0  }
0x28: {  	[tilespmem:s2+$0x1000] =	vst v0  }
0x29: {  	[tilespmem:s2+$0x1010] =	vst v0  }
0x2a: {  	[tilespmem:s2+$0x1020] =	vst v0  }
0x2b: {  	[tilespmem:s2+$0x1030] =	vst v0  }
0x2c: {  	[tilespmem:s2+$0x1040] =	vst v0  }
0x2d: {  	[tilespmem:s2+$0x1050] =	vst v0  }
0x2e: {  	[tilespmem:s2+$0x1060] =	vst v0;
	s7 =	simm.s32 $0x1000  }
0x2f: {  	[spmem:s12] =	stream.linear.scatter [tilespmem:s7], [sflag:$0x6], $0x4000, $0x38;
	[tilespmem:$0x1D000] =	vst v63  }
0x30: {  	_ =	swait.ge [sflag:s8], $0x4000  }
0x31: {  	[sflag:s8] =	ssyncset.done $0x0  }
0x32: {  	s26 =	rddreg [dreg:$0x8];
	[sflag:s8] =	ssyncadd.s32 $0xFFFFC000  }
0x33: {  	[spmem:s26] =	stream.linear.scatter [tilespmem:s7], [sflag:$0x6], $0x4000, $0x38;
	[tilespmem:$0x1D000] =	vst v63  }
0x34: {  	_ =	swait.ge [sflag:s8], $0x4000  }
0x35: {  	[sflag:s8] =	ssyncset.done $0x0  }
0x36: {  	s31 =	rddreg [dreg:$0x9];
	[sflag:s8] =	ssyncadd.s32 $0xFFFFC000  }
0x37: {  	[spmem:s31] =	stream.linear.scatter [tilespmem:s7], [sflag:$0x6], $0x4000, $0x38;
	[tilespmem:$0x1D000] =	vst v63  }
0x38: {  	_ =	swait.ge [sflag:s8], $0x4000  }
0x39: {  	[sflag:s8] =	ssyncset.done $0x0  }
0x3a: {  	s6 =	rddreg [dreg:$0xa];
	[sflag:s8] =	ssyncadd.s32 $0xFFFFC000  }
0x3b: {  	[spmem:s6] =	stream.linear.scatter [tilespmem:s7], [sflag:$0x6], $0x4000, $0x38;
	[tilespmem:$0x1D000] =	vst v63  }
0x3c: {  	_ =	swait.ge [sflag:s8], $0x4000  }
0x3d: {  	[sflag:s8] =	ssyncset.done $0x0  }
0x3e: {  	s9 =	rddreg [dreg:$0xb];
	[sflag:s8] =	ssyncadd.s32 $0xFFFFC000  }
0x3f: {  	[spmem:s9] =	stream.linear.scatter [tilespmem:s7], [sflag:$0x6], $0x4000, $0x38;
	[tilespmem:$0x1D000] =	vst v63  }
0x40: {  	_ =	swait.ge [sflag:s8], $0x4000  }
0x41: {  	[sflag:s8] =	ssyncset.done $0x0  }
0x42: {  	[sflag:s8] =	ssyncadd.s32 $0xFFFFC000  }
0x43: {  	[bflag:$0x0] =	sbarrier.arrive $0xFFFF  }
0x44: {  	_ =	swait.ge [sflag:s20], $0x800  }
0x45: {  	[sflag:s20] =	ssyncset.done $0x0  }
0x46: {  	s2 =	simm.s32 $0x0;
	s8 =	simm.s32 $0x1;
	[sflag:s20] =	ssyncadd.s32 $0xFFFFF800  }
0x47: {  	[tilespmem:s7], [sflag:$0x1] =	stream.indirect.gather [hbm4b:s0+s21], $0x80, s2, s21, $0xb8;
	[tilespmem:$0x1D000] =	vst v63  }
0x48: {  	_ =	swait.ge [sflag:s8], $0x4000  }
0x49: {  	[sflag:s8] =	ssyncset.done $0x0  }
0x4a: {  	[sflag:s8] =	ssyncadd.s32 $0xFFFFC000  }
0x4b: {  	[spmem:s3] =	stream.indirect.scatter.add.f32 [tilespmem:s7], [sflag:$0x3], $0x80, s21, s21, $0xb8;
	[tilespmem:$0x1D000] =	vst v63  }
0x4c: {  	s6 =	simm.s32 $0x100;
	s9 =	simm.s32 $0x5000  }
0x4d: {  	[tilespmem:s9], [sflag:$0x2] =	stream.indirect.gather [hbm4b:s0+s21], $0x80, s6, s21, $0xb8;
	[tilespmem:$0x1D000] =	vst v63  }
0x4e: {  	_ =	swait.ge [sflag:s25], $0x4000  }
0x4f: {  	[sflag:s25] =	ssyncset.done $0x0  }
0x50: {  	s10 =	simm.s32 $0x180;
	[sflag:s25] =	ssyncadd.s32 $0xFFFFC000  }
0x51: {  	[spmem:s3] =	stream.indirect.scatter.add.f32 [tilespmem:s9], [sflag:$0x4], $0x80, s10, s21, $0xb8;
	[tilespmem:$0x1D000] =	vst v63  }
0x52: {  	s11 =	rddreg [dreg:$0xc]  }
0x53: {  	[tilespmem:s28], [sflag:$0x5] =	stream.linear.gather [hbm4b:s11+s2], $0x800, $0x38;
	[tilespmem:$0x1D000] =	vst v63  }
0x54: {  	_ =	swait.ge [sflag:s29], $0x4000  }
0x55: {  	[sflag:s29] =	ssyncset.done $0x0  }
0x56: {  	s12 =	simm.s32 $0x200;
	[sflag:s29] =	ssyncadd.s32 $0xFFFFC000  }
0x57: {  	[tilespmem:s7], [sflag:$0x1] =	stream.indirect.gather [hbm4b:s0+s21], $0x80, s12, s21, $0xb8;
	[tilespmem:$0x1D000] =	vst v63  }
0x58: {  	_ =	swait.ge [sflag:s8], $0x4000  }
0x59: {  	[sflag:s8] =	ssyncset.done $0x0  }
0x5a: {  	s13 =	simm.s32 $0x280;
	[sflag:s8] =	ssyncadd.s32 $0xFFFFC000  }
0x5b: {  	[spmem:s3] =	stream.indirect.scatter.add.f32 [tilespmem:s7], [sflag:$0x3], $0x80, s13, s21, $0xb8;
	[tilespmem:$0x1D000] =	vst v63  }
0x5c: {  	_ =	swait.ge [sflag:s1], $0x4000  }
0x5d: {  	[sflag:s1] =	ssyncset.done $0x0  }
0x5e: {  	s14 =	simm.s32 $0x300;
	[sflag:s1] =	ssyncadd.s32 $0xFFFFC000  }
0x5f: {  	[tilespmem:s9], [sflag:$0x2] =	stream.indirect.gather [hbm4b:s0+s21], $0x80, s14, s21, $0xb8;
	[tilespmem:$0x1D000] =	vst v63  }
0x60: {  	_ =	swait.ge [sflag:s25], $0x4000  }
0x61: {  	[sflag:s25] =	ssyncset.done $0x0  }
0x62: {  	s15 =	simm.s32 $0x380;
	[sflag:s25] =	ssyncadd.s32 $0xFFFFC000  }
0x63: {  	[spmem:s3] =	stream.indirect.scatter.add.f32 [tilespmem:s9], [sflag:$0x4], $0x80, s15, s21, $0xb8;
	[tilespmem:$0x1D000] =	vst v63  }
0x64: {  	_ =	swait.ge [sflag:s29], $0x4000  }
0x65: {  	[sflag:s29] =	ssyncset.done $0x0  }
0x66: {  	s16 =	simm.s32 $0x400;
	[sflag:s29] =	ssyncadd.s32 $0xFFFFC000  }
0x67: {  	[tilespmem:s7], [sflag:$0x1] =	stream.indirect.gather [hbm4b:s0+s21], $0x80, s16, s21, $0xb8;
	[tilespmem:$0x1D000] =	vst v63  }
0x68: {  	_ =	swait.ge [sflag:s8], $0x4000  }
0x69: {  	[sflag:s8] =	ssyncset.done $0x0  }
0x6a: {  	s17 =	simm.s32 $0x480;
	[sflag:s8] =	ssyncadd.s32 $0xFFFFC000  }
0x6b: {  	[spmem:s3] =	stream.indirect.scatter.add.f32 [tilespmem:s7], [sflag:$0x3], $0x80, s17, s21, $0xb8;
	[tilespmem:$0x1D000] =	vst v63  }
0x6c: {  	_ =	swait.ge [sflag:s1], $0x4000  }
0x6d: {  	[sflag:s1] =	ssyncset.done $0x0  }
0x6e: {  	s18 =	simm.s32 $0x500;
	[sflag:s1] =	ssyncadd.s32 $0xFFFFC000  }
0x6f: {  	[tilespmem:s9], [sflag:$0x2] =	stream.indirect.gather [hbm4b:s0+s21], $0x80, s18, s21, $0xb8;
	[tilespmem:$0x1D000] =	vst v63  }
0x70: {  	_ =	swait.ge [sflag:s25], $0x4000  }
0x71: {  	[sflag:s25] =	ssyncset.done $0x0  }
0x72: {  	s19 =	simm.s32 $0x580;
	[sflag:s25] =	ssyncadd.s32 $0xFFFFC000  }
0x73: {  	[spmem:s3] =	stream.indirect.scatter.add.f32 [tilespmem:s9], [sflag:$0x4], $0x80, s19, s21, $0xb8;
	[tilespmem:$0x1D000] =	vst v63  }
0x74: {  	_ =	swait.ge [sflag:s29], $0x4000  }
0x75: {  	[sflag:s29] =	ssyncset.done $0x0  }
0x76: {  	s22 =	simm.s32 $0x600;
	[sflag:s29] =	ssyncadd.s32 $0xFFFFC000  }
0x77: {  	[tilespmem:s7], [sflag:$0x1] =	stream.indirect.gather [hbm4b:s0+s21], $0x80, s22, s21, $0xb8;
	[tilespmem:$0x1D000] =	vst v63  }
0x78: {  	_ =	swait.ge [sflag:s8], $0x4000  }
0x79: {  	[sflag:s8] =	ssyncset.done $0x0  }
0x7a: {  	s23 =	simm.s32 $0x680;
	[sflag:s8] =	ssyncadd.s32 $0xFFFFC000  }
0x7b: {  	[spmem:s3] =	stream.indirect.scatter.add.f32 [tilespmem:s7], [sflag:$0x3], $0x80, s23, s21, $0xb8;
	[tilespmem:$0x1D000] =	vst v63  }
0x7c: {  	_ =	swait.ge [sflag:s1], $0x4000  }
0x7d: {  	[sflag:s1] =	ssyncset.done $0x0  }
0x7e: {  	s24 =	simm.s32 $0x700;
	[sflag:s1] =	ssyncadd.s32 $0xFFFFC000  }
0x7f: {  	[tilespmem:s9], [sflag:$0x2] =	stream.indirect.gather [hbm4b:s0+s21], $0x80, s24, s21, $0xb8;
	[tilespmem:$0x1D000] =	vst v63  }
0x80: {  	_ =	swait.ge [sflag:s25], $0x4000  }
0x81: {  	[sflag:s25] =	ssyncset.done $0x0  }
0x82: {  	s26 =	simm.s32 $0x780;
	[sflag:s25] =	ssyncadd.s32 $0xFFFFC000  }
0x83: {  	[spmem:s3] =	stream.indirect.scatter.add.f32 [tilespmem:s9], [sflag:$0x4], $0x80, s26, s21, $0xb8;
	[tilespmem:$0x1D000] =	vst v63  }
0x84: {  	_ =	swait.ge [sflag:s20], $0x800  }
0x85: {  	[sflag:s20] =	ssyncset.done $0x0  }
0x86: {  	[sflag:s20] =	ssyncadd.s32 $0xFFFFF800  }
0x87: {  	_ =	swait.ge [sflag:s29], $0x4000  }
0x88: {  	[sflag:s29] =	ssyncset.done $0x0  }
0x89: {  	[sflag:s29] =	ssyncadd.s32 $0xFFFFC000  }
0x8a: {  	[tilespmem:s7], [sflag:$0x1] =	stream.indirect.gather [hbm4b:s0+s21], $0x80, s28, s21, $0xb8;
	[tilespmem:$0x1D000] =	vst v63  }
0x8b: {  	_ =	swait.ge [sflag:s8], $0x4000  }
0x8c: {  	[sflag:s8] =	ssyncset.done $0x0  }
0x8d: {  	s31 =	simm.s32 $0x880;
	[sflag:s8] =	ssyncadd.s32 $0xFFFFC000  }
0x8e: {  	[spmem:s3] =	stream.indirect.scatter.add.f32 [tilespmem:s7], [sflag:$0x3], $0x80, s31, s21, $0xb8;
	[tilespmem:$0x1D000] =	vst v63  }
0x8f: {  	_ =	swait.ge [sflag:s1], $0x4000  }
0x90: {  	[sflag:s1] =	ssyncset.done $0x0  }
0x91: {  	s10 =	simm.s32 $0x900;
	[sflag:s1] =	ssyncadd.s32 $0xFFFFC000  }
0x92: {  	[tilespmem:s9], [sflag:$0x2] =	stream.indirect.gather [hbm4b:s0+s21], $0x80, s10, s21, $0xb8;
	[tilespmem:$0x1D000] =	vst v63  }
0x93: {  	_ =	swait.ge [sflag:s25], $0x4000  }
0x94: {  	[sflag:s25] =	ssyncset.done $0x0  }
0x95: {  	s11 =	simm.s32 $0x980;
	[sflag:s25] =	ssyncadd.s32 $0xFFFFC000  }
0x96: {  	[spmem:s3] =	stream.indirect.scatter.add.f32 [tilespmem:s9], [sflag:$0x4], $0x80, s11, s21, $0xb8;
	[tilespmem:$0x1D000] =	vst v63  }
0x97: {  	s12 =	rddreg [dreg:$0xd]  }
0x98: {  	[tilespmem:s2], [sflag:$0x5] =	stream.linear.gather [hbm4b:s12+s2], $0x800, $0x38;
	[tilespmem:$0x1D000] =	vst v63  }
0x99: {  	_ =	swait.ge [sflag:s29], $0x4000  }
0x9a: {  	[sflag:s29] =	ssyncset.done $0x0  }
0x9b: {  	s13 =	simm.s32 $0xA00;
	[sflag:s29] =	ssyncadd.s32 $0xFFFFC000  }
0x9c: {  	[tilespmem:s7], [sflag:$0x1] =	stream.indirect.gather [hbm4b:s0+s21], $0x80, s13, s21, $0xb8;
	[tilespmem:$0x1D000] =	vst v63  }
0x9d: {  	_ =	swait.ge [sflag:s8], $0x4000  }
0x9e: {  	[sflag:s8] =	ssyncset.done $0x0  }
0x9f: {  	s14 =	simm.s32 $0xA80;
	[sflag:s8] =	ssyncadd.s32 $0xFFFFC000  }
0xa0: {  	[spmem:s3] =	stream.indirect.scatter.add.f32 [tilespmem:s7], [sflag:$0x3], $0x80, s14, s21, $0xb8;
	[tilespmem:$0x1D000] =	vst v63  }
0xa1: {  	_ =	swait.ge [sflag:s1], $0x4000  }
0xa2: {  	[sflag:s1] =	ssyncset.done $0x0  }
0xa3: {  	s15 =	simm.s32 $0xB00;
	[sflag:s1] =	ssyncadd.s32 $0xFFFFC000  }
0xa4: {  	[tilespmem:s9], [sflag:$0x2] =	stream.indirect.gather [hbm4b:s0+s21], $0x80, s15, s21, $0xb8;
	[tilespmem:$0x1D000] =	vst v63  }
0xa5: {  	_ =	swait.ge [sflag:s25], $0x4000  }
0xa6: {  	[sflag:s25] =	ssyncset.done $0x0  }
0xa7: {  	s16 =	simm.s32 $0xB80;
	[sflag:s25] =	ssyncadd.s32 $0xFFFFC000  }
0xa8: {  	[spmem:s3] =	stream.indirect.scatter.add.f32 [tilespmem:s9], [sflag:$0x4], $0x80, s16, s21, $0xb8;
	[tilespmem:$0x1D000] =	vst v63  }
0xa9: {  	_ =	swait.ge [sflag:s29], $0x4000  }
0xaa: {  	[sflag:s29] =	ssyncset.done $0x0  }
0xab: {  	s17 =	simm.s32 $0xC00;
	[sflag:s29] =	ssyncadd.s32 $0xFFFFC000  }
0xac: {  	[tilespmem:s7], [sflag:$0x1] =	stream.indirect.gather [hbm4b:s0+s21], $0x80, s17, s21, $0xb8;
	[tilespmem:$0x1D000] =	vst v63  }
0xad: {  	_ =	swait.ge [sflag:s8], $0x4000  }
0xae: {  	[sflag:s8] =	ssyncset.done $0x0  }
0xaf: {  	s18 =	simm.s32 $0xC80;
	[sflag:s8] =	ssyncadd.s32 $0xFFFFC000  }
0xb0: {  	[spmem:s3] =	stream.indirect.scatter.add.f32 [tilespmem:s7], [sflag:$0x3], $0x80, s18, s21, $0xb8;
	[tilespmem:$0x1D000] =	vst v63  }
0xb1: {  	_ =	swait.ge [sflag:s1], $0x4000  }
0xb2: {  	[sflag:s1] =	ssyncset.done $0x0  }
0xb3: {  	s19 =	simm.s32 $0xD00;
	[sflag:s1] =	ssyncadd.s32 $0xFFFFC000  }
0xb4: {  	[tilespmem:s9], [sflag:$0x2] =	stream.indirect.gather [hbm4b:s0+s21], $0x80, s19, s21, $0xb8;
	[tilespmem:$0x1D000] =	vst v63  }
0xb5: {  	_ =	swait.ge [sflag:s25], $0x4000  }
0xb6: {  	[sflag:s25] =	ssyncset.done $0x0  }
0xb7: {  	s22 =	simm.s32 $0xD80;
	[sflag:s25] =	ssyncadd.s32 $0xFFFFC000  }
0xb8: {  	[spmem:s3] =	stream.indirect.scatter.add.f32 [tilespmem:s9], [sflag:$0x4], $0x80, s22, s21, $0xb8;
	[tilespmem:$0x1D000] =	vst v63  }
0xb9: {  	_ =	swait.ge [sflag:s29], $0x4000  }
0xba: {  	[sflag:s29] =	ssyncset.done $0x0  }
0xbb: {  	s23 =	simm.s32 $0xE00;
	[sflag:s29] =	ssyncadd.s32 $0xFFFFC000  }
0xbc: {  	[tilespmem:s7], [sflag:$0x1] =	stream.indirect.gather [hbm4b:s0+s21], $0x80, s23, s21, $0xb8;
	[tilespmem:$0x1D000] =	vst v63  }
0xbd: {  	_ =	swait.ge [sflag:s8], $0x4000  }
0xbe: {  	[sflag:s8] =	ssyncset.done $0x0  }
0xbf: {  	s24 =	simm.s32 $0xE80;
	[sflag:s8] =	ssyncadd.s32 $0xFFFFC000  }
0xc0: {  	[spmem:s3] =	stream.indirect.scatter.add.f32 [tilespmem:s7], [sflag:$0x3], $0x80, s24, s21, $0xb8;
	[tilespmem:$0x1D000] =	vst v63  }
0xc1: {  	_ =	swait.ge [sflag:s1], $0x4000  }
0xc2: {  	[sflag:s1] =	ssyncset.done $0x0  }
0xc3: {  	s26 =	simm.s32 $0xF00;
	[sflag:s1] =	ssyncadd.s32 $0xFFFFC000  }
0xc4: {  	[tilespmem:s9], [sflag:$0x2] =	stream.indirect.gather [hbm4b:s0+s21], $0x80, s26, s21, $0xb8;
	[tilespmem:$0x1D000] =	vst v63  }
0xc5: {  	_ =	swait.ge [sflag:s25], $0x4000  }
0xc6: {  	[sflag:s25] =	ssyncset.done $0x0  }
0xc7: {  	s31 =	simm.s32 $0xF80;
	[sflag:s25] =	ssyncadd.s32 $0xFFFFC000  }
0xc8: {  	[spmem:s3] =	stream.indirect.scatter.add.f32 [tilespmem:s9], [sflag:$0x4], $0x80, s31, s21, $0xb8;
	[tilespmem:$0x1D000] =	vst v63  }
0xc9: {  	_ =	swait.ge [sflag:s20], $0x800  }
0xca: {  	[sflag:s20] =	ssyncset.done $0x0  }
0xcb: {  	[sflag:s20] =	ssyncadd.s32 $0xFFFFF800  }
0xcc: {  	_ =	swait.ge [sflag:s29], $0x4000  }
0xcd: {  	[sflag:s29] =	ssyncset.done $0x0  }
0xce: {  	s8 =	rddreg [dreg:$0x5];
	[sflag:s29] =	ssyncadd.s32 $0xFFFFC000  }
0xcf: {  	[tilespmem:s7], [sflag:$0x1] =	stream.indirect.gather [hbm4b:s0+s21], $0x80, s2, s21, $0xb8;
	[tilespmem:$0x1D000] =	vst v63  }
0xd0: {  	s2 =	sadd.s32 $0x0, s8  }
0xd1: {  	s6 =	sadd.s32 $0x10, s2  }
0xd2: {  	p1 =	sge.u32 s6, s5  }
0xd3: {  	s6 =	simm.s32 @!p1 $0x1  }
0xd4: {  	s9 =	sadd.s32 $0x11, s2;
	_ =	swait.ge @!p1 [sflag:s6], $0x4000  }
0xd5: {  	p0 =	sge.u32 s9, s5;
	s8 =	simm.s32 @!p1 $0x1000;
	[sflag:s6] =	ssyncset.done @!p1 $0x0  }
0xd6: {  	s7 =	simm.s32 @!p1 $0x80;
	s9 =	simm.s32 @!p0 $0x4;
	[sflag:s6] =	ssyncadd.s32 @!p1 $0xFFFFC000  }
0xd7: {  	[spmem:s3] =	stream.indirect.scatter.add.f32 @!p1 [tilespmem:s8], [sflag:$0x3], $0x80, s7, s7, $0xb8;
	[tilespmem:$0x1D000] =	vst v63  }
0xd8: {  	_ =	swait.ge @!p0 [sflag:s9], $0x4000  }
0xd9: {  	s6 =	simm.s32 @!p0 $0x5000;
	s7 =	simm.s32 @!p0 $0x2;
	[sflag:s9] =	ssyncset.done @!p0 $0x0  }
0xda: {  	s8 =	simm.s32 @!p0 $0x80;
	[sflag:s9] =	ssyncadd.s32 @!p0 $0xFFFFC000;
	s9 =	simm.s32 @!p0 $0x100  }
0xdb: {  	[tilespmem:s6], [sflag:$0x2] =	stream.indirect.gather @!p0 [hbm4b:s0+s8], $0x80, s9, s8, $0xb8;
	[tilespmem:$0x1D000] =	vst v63  }
0xdc: {  	_ =	swait.ge @!p0 [sflag:s7], $0x4000  }
0xdd: {  	s10 =	sadd.s32 $0x12, s2;
	[sflag:s7] =	ssyncset.done @!p0 $0x0  }
0xde: {  	p1 =	sge.u32 s10, s5;
	[sflag:s7] =	ssyncadd.s32 @!p0 $0xFFFFC000;
	s7 =	simm.s32 @!p0 $0x180  }
0xdf: {  	[spmem:s3] =	stream.indirect.scatter.add.f32 @!p0 [tilespmem:s6], [sflag:$0x4], $0x80, s7, s8, $0xb8;
	[tilespmem:$0x1D000] =	vst v63  }
0xe0: {  	s17 =	rddreg [dreg:$0x11];
	s6 =	simm.s32 @!p1 $0x3  }
0xe1: {  	[tilespmem:s28], [sflag:$0x5] =	stream.linear.gather [hbm4b:s17+s4], $0x800, $0x38;
	[tilespmem:$0x1D000] =	vst v63  }
0xe2: {  	_ =	swait.ge @!p1 [sflag:s6], $0x4000  }
0xe3: {  	s9 =	simm.s32 @!p1 $0x200;
	s7 =	simm.s32 @!p1 $0x1000;
	[sflag:s6] =	ssyncset.done @!p1 $0x0  }
0xe4: {  	s8 =	simm.s32 @!p1 $0x80;
	[sflag:s6] =	ssyncadd.s32 @!p1 $0xFFFFC000;
	s6 =	simm.s32 @!p1 $0x1  }
0xe5: {  	[tilespmem:s7], [sflag:$0x1] =	stream.indirect.gather @!p1 [hbm4b:s0+s8], $0x80, s9, s8, $0xb8;
	[tilespmem:$0x1D000] =	vst v63  }
0xe6: {  	s11 =	sadd.s32 $0x13, s2;
	_ =	swait.ge @!p1 [sflag:s6], $0x4000  }
0xe7: {  	p0 =	sge.u32 s11, s5;
	[sflag:s6] =	ssyncset.done @!p1 $0x0  }
0xe8: {  	s9 =	simm.s32 @!p1 $0x280;
	[sflag:s6] =	ssyncadd.s32 @!p1 $0xFFFFC000;
	s6 =	simm.s32 @!p0 $0x4  }
0xe9: {  	[spmem:s3] =	stream.indirect.scatter.add.f32 @!p1 [tilespmem:s7], [sflag:$0x3], $0x80, s9, s8, $0xb8;
	[tilespmem:$0x1D000] =	vst v63  }
0xea: {  	_ =	swait.ge @!p0 [sflag:s6], $0x4000  }
0xeb: {  	s7 =	simm.s32 @!p0 $0x5000;
	s8 =	simm.s32 @!p0 $0x80;
	[sflag:s6] =	ssyncset.done @!p0 $0x0  }
0xec: {  	s9 =	simm.s32 @!p0 $0x300;
	[sflag:s6] =	ssyncadd.s32 @!p0 $0xFFFFC000;
	s6 =	simm.s32 @!p0 $0x2  }
0xed: {  	[tilespmem:s7], [sflag:$0x2] =	stream.indirect.gather @!p0 [hbm4b:s0+s8], $0x80, s9, s8, $0xb8;
	[tilespmem:$0x1D000] =	vst v63  }
0xee: {  	s12 =	sadd.s32 $0x14, s2;
	_ =	swait.ge @!p0 [sflag:s6], $0x4000  }
0xef: {  	p1 =	sge.u32 s12, s5;
	[sflag:s6] =	ssyncset.done @!p0 $0x0  }
0xf0: {  	s9 =	simm.s32 @!p0 $0x380;
	[sflag:s6] =	ssyncadd.s32 @!p0 $0xFFFFC000;
	s6 =	simm.s32 @!p1 $0x3  }
0xf1: {  	[spmem:s3] =	stream.indirect.scatter.add.f32 @!p0 [tilespmem:s7], [sflag:$0x4], $0x80, s9, s8, $0xb8;
	[tilespmem:$0x1D000] =	vst v63  }
0xf2: {  	_ =	swait.ge @!p1 [sflag:s6], $0x4000  }
0xf3: {  	s7 =	simm.s32 @!p1 $0x1000;
	s8 =	simm.s32 @!p1 $0x80;
	[sflag:s6] =	ssyncset.done @!p1 $0x0  }
0xf4: {  	s9 =	simm.s32 @!p1 $0x400;
	[sflag:s6] =	ssyncadd.s32 @!p1 $0xFFFFC000;
	s6 =	simm.s32 @!p1 $0x1  }
0xf5: {  	[tilespmem:s7], [sflag:$0x1] =	stream.indirect.gather @!p1 [hbm4b:s0+s8], $0x80, s9, s8, $0xb8;
	[tilespmem:$0x1D000] =	vst v63  }
0xf6: {  	s13 =	sadd.s32 $0x15, s2;
	_ =	swait.ge @!p1 [sflag:s6], $0x4000  }
0xf7: {  	p0 =	sge.u32 s13, s5;
	[sflag:s6] =	ssyncset.done @!p1 $0x0  }
0xf8: {  	s9 =	simm.s32 @!p1 $0x480;
	[sflag:s6] =	ssyncadd.s32 @!p1 $0xFFFFC000;
	s6 =	simm.s32 @!p0 $0x4  }
0xf9: {  	[spmem:s3] =	stream.indirect.scatter.add.f32 @!p1 [tilespmem:s7], [sflag:$0x3], $0x80, s9, s8, $0xb8;
	[tilespmem:$0x1D000] =	vst v63  }
0xfa: {  	_ =	swait.ge @!p0 [sflag:s6], $0x4000  }
0xfb: {  	s7 =	simm.s32 @!p0 $0x5000;
	s8 =	simm.s32 @!p0 $0x80;
	[sflag:s6] =	ssyncset.done @!p0 $0x0  }
0xfc: {  	s9 =	simm.s32 @!p0 $0x500;
	[sflag:s6] =	ssyncadd.s32 @!p0 $0xFFFFC000;
	s6 =	simm.s32 @!p0 $0x2  }
0xfd: {  	[tilespmem:s7], [sflag:$0x2] =	stream.indirect.gather @!p0 [hbm4b:s0+s8], $0x80, s9, s8, $0xb8;
	[tilespmem:$0x1D000] =	vst v63  }
0xfe: {  	s14 =	sadd.s32 $0x16, s2;
	_ =	swait.ge @!p0 [sflag:s6], $0x4000  }
0xff: {  	p1 =	sge.u32 s14, s5;
	[sflag:s6] =	ssyncset.done @!p0 $0x0  }
0x100: {  	s9 =	simm.s32 @!p0 $0x580;
	[sflag:s6] =	ssyncadd.s32 @!p0 $0xFFFFC000;
	s6 =	simm.s32 @!p1 $0x3  }
0x101: {  	[spmem:s3] =	stream.indirect.scatter.add.f32 @!p0 [tilespmem:s7], [sflag:$0x4], $0x80, s9, s8, $0xb8;
	[tilespmem:$0x1D000] =	vst v63  }
0x102: {  	_ =	swait.ge @!p1 [sflag:s6], $0x4000  }
0x103: {  	s7 =	simm.s32 @!p1 $0x1000;
	s8 =	simm.s32 @!p1 $0x80;
	[sflag:s6] =	ssyncset.done @!p1 $0x0  }
0x104: {  	s9 =	simm.s32 @!p1 $0x600;
	[sflag:s6] =	ssyncadd.s32 @!p1 $0xFFFFC000;
	s6 =	simm.s32 @!p1 $0x1  }
0x105: {  	[tilespmem:s7], [sflag:$0x1] =	stream.indirect.gather @!p1 [hbm4b:s0+s8], $0x80, s9, s8, $0xb8;
	[tilespmem:$0x1D000] =	vst v63  }
0x106: {  	s15 =	sadd.s32 $0x17, s2;
	_ =	swait.ge @!p1 [sflag:s6], $0x4000  }
0x107: {  	p0 =	sge.u32 s15, s5;
	[sflag:s6] =	ssyncset.done @!p1 $0x0  }
0x108: {  	s9 =	simm.s32 @!p1 $0x680;
	[sflag:s6] =	ssyncadd.s32 @!p1 $0xFFFFC000;
	s6 =	simm.s32 @!p0 $0x4  }
0x109: {  	[spmem:s3] =	stream.indirect.scatter.add.f32 @!p1 [tilespmem:s7], [sflag:$0x3], $0x80, s9, s8, $0xb8;
	[tilespmem:$0x1D000] =	vst v63  }
0x10a: {  	_ =	swait.ge @!p0 [sflag:s6], $0x4000  }
0x10b: {  	s7 =	simm.s32 @!p0 $0x5000;
	s8 =	simm.s32 @!p0 $0x80;
	[sflag:s6] =	ssyncset.done @!p0 $0x0  }
0x10c: {  	s9 =	simm.s32 @!p0 $0x700;
	[sflag:s6] =	ssyncadd.s32 @!p0 $0xFFFFC000;
	s6 =	simm.s32 @!p0 $0x2  }
0x10d: {  	[tilespmem:s7], [sflag:$0x2] =	stream.indirect.gather @!p0 [hbm4b:s0+s8], $0x80, s9, s8, $0xb8;
	[tilespmem:$0x1D000] =	vst v63  }
0x10e: {  	_ =	swait.ge @!p0 [sflag:s6], $0x4000  }
0x10f: {  	[sflag:s6] =	ssyncset.done @!p0 $0x0  }
0x110: {  	s9 =	simm.s32 @!p0 $0x780;
	[sflag:s6] =	ssyncadd.s32 @!p0 $0xFFFFC000  }
0x111: {  	[spmem:s3] =	stream.indirect.scatter.add.f32 @!p0 [tilespmem:s7], [sflag:$0x4], $0x80, s9, s8, $0xb8;
	[tilespmem:$0x1D000] =	vst v63  }
0x112: {  	s16 =	sadd.s32 $0x18, s2;
	_ =	swait.ge [sflag:s20], $0x800  }
0x113: {  	p0 =	sge.u32 s16, s5;
	[sflag:s20] =	ssyncset.done $0x0  }
0x114: {  	s6 =	simm.s32 @!p0 $0x3;
	[sflag:s20] =	ssyncadd.s32 $0xFFFFF800  }
0x115: {  	_ =	swait.ge @!p0 [sflag:s6], $0x4000  }
0x116: {  	s7 =	simm.s32 @!p0 $0x1000;
	s8 =	simm.s32 @!p0 $0x80;
	[sflag:s6] =	ssyncset.done @!p0 $0x0  }
0x117: {  	s9 =	simm.s32 @!p0 $0x800;
	[sflag:s6] =	ssyncadd.s32 @!p0 $0xFFFFC000;
	s6 =	simm.s32 @!p0 $0x1  }
0x118: {  	[tilespmem:s7], [sflag:$0x1] =	stream.indirect.gather @!p0 [hbm4b:s0+s8], $0x80, s9, s8, $0xb8;
	[tilespmem:$0x1D000] =	vst v63  }
0x119: {  	s18 =	sadd.s32 $0x19, s2;
	_ =	swait.ge @!p0 [sflag:s6], $0x4000  }
0x11a: {  	p1 =	sge.u32 s18, s5;
	[sflag:s6] =	ssyncset.done @!p0 $0x0  }
0x11b: {  	s9 =	simm.s32 @!p0 $0x880;
	[sflag:s6] =	ssyncadd.s32 @!p0 $0xFFFFC000;
	s6 =	simm.s32 @!p1 $0x4  }
0x11c: {  	[spmem:s3] =	stream.indirect.scatter.add.f32 @!p0 [tilespmem:s7], [sflag:$0x3], $0x80, s9, s8, $0xb8;
	[tilespmem:$0x1D000] =	vst v63  }
0x11d: {  	_ =	swait.ge @!p1 [sflag:s6], $0x4000  }
0x11e: {  	s7 =	simm.s32 @!p1 $0x5000;
	s8 =	simm.s32 @!p1 $0x80;
	[sflag:s6] =	ssyncset.done @!p1 $0x0  }
0x11f: {  	s9 =	simm.s32 @!p1 $0x900;
	[sflag:s6] =	ssyncadd.s32 @!p1 $0xFFFFC000;
	s6 =	simm.s32 @!p1 $0x2  }
0x120: {  	[tilespmem:s7], [sflag:$0x2] =	stream.indirect.gather @!p1 [hbm4b:s0+s8], $0x80, s9, s8, $0xb8;
	[tilespmem:$0x1D000] =	vst v63  }
0x121: {  	_ =	swait.ge @!p1 [sflag:s6], $0x4000  }
0x122: {  	s19 =	sadd.s32 $0x1A, s2;
	[sflag:s6] =	ssyncset.done @!p1 $0x0  }
0x123: {  	p2 =	sge.u32 s19, s5;
	[sflag:s6] =	ssyncadd.s32 @!p1 $0xFFFFC000;
	s6 =	simm.s32 @!p1 $0x980  }
0x124: {  	[spmem:s3] =	stream.indirect.scatter.add.f32 @!p1 [tilespmem:s7], [sflag:$0x4], $0x80, s6, s8, $0xb8;
	[tilespmem:$0x1D000] =	vst v63  }
0x125: {  	s16 =	rddreg [dreg:$0x10];
	s6 =	simm.s32 @!p2 $0x3  }
0x126: {  	[tilespmem:s4], [sflag:$0x5] =	stream.linear.gather [hbm4b:s16+s4], $0x800, $0x38;
	[tilespmem:$0x1D000] =	vst v63  }
0x127: {  	_ =	swait.ge @!p2 [sflag:s6], $0x4000  }
0x128: {  	s9 =	simm.s32 @!p2 $0xA00;
	s7 =	simm.s32 @!p2 $0x1000;
	[sflag:s6] =	ssyncset.done @!p2 $0x0  }
0x129: {  	s8 =	simm.s32 @!p2 $0x80;
	[sflag:s6] =	ssyncadd.s32 @!p2 $0xFFFFC000;
	s6 =	simm.s32 @!p2 $0x1  }
0x12a: {  	[tilespmem:s7], [sflag:$0x1] =	stream.indirect.gather @!p2 [hbm4b:s0+s8], $0x80, s9, s8, $0xb8;
	[tilespmem:$0x1D000] =	vst v63  }
0x12b: {  	s22 =	sadd.s32 $0x1B, s2;
	_ =	swait.ge @!p2 [sflag:s6], $0x4000  }
0x12c: {  	p0 =	sge.u32 s22, s5;
	[sflag:s6] =	ssyncset.done @!p2 $0x0  }
0x12d: {  	s9 =	simm.s32 @!p2 $0xA80;
	[sflag:s6] =	ssyncadd.s32 @!p2 $0xFFFFC000;
	s6 =	simm.s32 @!p0 $0x4  }
0x12e: {  	[spmem:s3] =	stream.indirect.scatter.add.f32 @!p2 [tilespmem:s7], [sflag:$0x3], $0x80, s9, s8, $0xb8;
	[tilespmem:$0x1D000] =	vst v63  }
0x12f: {  	_ =	swait.ge @!p0 [sflag:s6], $0x4000  }
0x130: {  	s7 =	simm.s32 @!p0 $0x5000;
	s8 =	simm.s32 @!p0 $0x80;
	[sflag:s6] =	ssyncset.done @!p0 $0x0  }
0x131: {  	s9 =	simm.s32 @!p0 $0xB00;
	[sflag:s6] =	ssyncadd.s32 @!p0 $0xFFFFC000;
	s6 =	simm.s32 @!p0 $0x2  }
0x132: {  	[tilespmem:s7], [sflag:$0x2] =	stream.indirect.gather @!p0 [hbm4b:s0+s8], $0x80, s9, s8, $0xb8;
	[tilespmem:$0x1D000] =	vst v63  }
0x133: {  	s23 =	sadd.s32 $0x1C, s2;
	_ =	swait.ge @!p0 [sflag:s6], $0x4000  }
0x134: {  	p1 =	sge.u32 s23, s5;
	[sflag:s6] =	ssyncset.done @!p0 $0x0  }
0x135: {  	s9 =	simm.s32 @!p0 $0xB80;
	[sflag:s6] =	ssyncadd.s32 @!p0 $0xFFFFC000;
	s6 =	simm.s32 @!p1 $0x3  }
0x136: {  	[spmem:s3] =	stream.indirect.scatter.add.f32 @!p0 [tilespmem:s7], [sflag:$0x4], $0x80, s9, s8, $0xb8;
	[tilespmem:$0x1D000] =	vst v63  }
0x137: {  	_ =	swait.ge @!p1 [sflag:s6], $0x4000  }
0x138: {  	s7 =	simm.s32 @!p1 $0x1000;
	s8 =	simm.s32 @!p1 $0x80;
	[sflag:s6] =	ssyncset.done @!p1 $0x0  }
0x139: {  	s9 =	simm.s32 @!p1 $0xC00;
	[sflag:s6] =	ssyncadd.s32 @!p1 $0xFFFFC000;
	s6 =	simm.s32 @!p1 $0x1  }
0x13a: {  	[tilespmem:s7], [sflag:$0x1] =	stream.indirect.gather @!p1 [hbm4b:s0+s8], $0x80, s9, s8, $0xb8;
	[tilespmem:$0x1D000] =	vst v63  }
0x13b: {  	s24 =	sadd.s32 $0x1D, s2;
	_ =	swait.ge @!p1 [sflag:s6], $0x4000  }
0x13c: {  	p0 =	sge.u32 s24, s5;
	[sflag:s6] =	ssyncset.done @!p1 $0x0  }
0x13d: {  	s9 =	simm.s32 @!p1 $0xC80;
	[sflag:s6] =	ssyncadd.s32 @!p1 $0xFFFFC000;
	s6 =	simm.s32 @!p0 $0x4  }
0x13e: {  	[spmem:s3] =	stream.indirect.scatter.add.f32 @!p1 [tilespmem:s7], [sflag:$0x3], $0x80, s9, s8, $0xb8;
	[tilespmem:$0x1D000] =	vst v63  }
0x13f: {  	_ =	swait.ge @!p0 [sflag:s6], $0x4000  }
0x140: {  	s7 =	simm.s32 @!p0 $0x5000;
	s8 =	simm.s32 @!p0 $0x80;
	[sflag:s6] =	ssyncset.done @!p0 $0x0  }
0x141: {  	s9 =	simm.s32 @!p0 $0xD00;
	[sflag:s6] =	ssyncadd.s32 @!p0 $0xFFFFC000;
	s6 =	simm.s32 @!p0 $0x2  }
0x142: {  	[tilespmem:s7], [sflag:$0x2] =	stream.indirect.gather @!p0 [hbm4b:s0+s8], $0x80, s9, s8, $0xb8;
	[tilespmem:$0x1D000] =	vst v63  }
0x143: {  	s26 =	sadd.s32 $0x1E, s2;
	_ =	swait.ge @!p0 [sflag:s6], $0x4000  }
0x144: {  	p1 =	sge.u32 s26, s5;
	[sflag:s6] =	ssyncset.done @!p0 $0x0  }
0x145: {  	s9 =	simm.s32 @!p0 $0xD80;
	[sflag:s6] =	ssyncadd.s32 @!p0 $0xFFFFC000;
	s6 =	simm.s32 @!p1 $0x3  }
0x146: {  	[spmem:s3] =	stream.indirect.scatter.add.f32 @!p0 [tilespmem:s7], [sflag:$0x4], $0x80, s9, s8, $0xb8;
	[tilespmem:$0x1D000] =	vst v63  }
0x147: {  	_ =	swait.ge @!p1 [sflag:s6], $0x4000  }
0x148: {  	s7 =	simm.s32 @!p1 $0x1000;
	s8 =	simm.s32 @!p1 $0x80;
	[sflag:s6] =	ssyncset.done @!p1 $0x0  }
0x149: {  	s9 =	simm.s32 @!p1 $0xE00;
	[sflag:s6] =	ssyncadd.s32 @!p1 $0xFFFFC000;
	s6 =	simm.s32 @!p1 $0x1  }
0x14a: {  	[tilespmem:s7], [sflag:$0x1] =	stream.indirect.gather @!p1 [hbm4b:s0+s8], $0x80, s9, s8, $0xb8;
	[tilespmem:$0x1D000] =	vst v63  }
0x14b: {  	_ =	swait.ge @!p1 [sflag:s6], $0x4000  }
0x14c: {  	s31 =	sadd.s32 $0x1F, s2;
	[sflag:s6] =	ssyncset.done @!p1 $0x0  }
0x14d: {  	p0 =	sge.u32 s31, s5;
	[sflag:s6] =	ssyncadd.s32 @!p1 $0xFFFFC000;
	s6 =	simm.s32 @!p1 $0xE80  }
0x14e: {  	[spmem:s3] =	stream.indirect.scatter.add.f32 @!p1 [tilespmem:s7], [sflag:$0x3], $0x80, s6, s8, $0xb8;
	[tilespmem:$0x1D000] =	vst v63  }
0x14f: {  	s6 =	simm.s32 @!p0 $0x4  }
0x150: {  	_ =	swait.ge @!p0 [sflag:s6], $0x4000  }
0x151: {  	s7 =	simm.s32 @!p0 $0x5000;
	[sflag:s6] =	ssyncset.done @!p0 $0x0  }
0x152: {  	s8 =	simm.s32 @!p0 $0x80;
	[sflag:s6] =	ssyncadd.s32 @!p0 $0xFFFFC000;
	s6 =	simm.s32 @!p0 $0xF00  }
0x153: {  	[tilespmem:s7], [sflag:$0x2] =	stream.indirect.gather @!p0 [hbm4b:s0+s8], $0x80, s6, s8, $0xb8;
	[tilespmem:$0x1D000] =	vst v63  }
0x154: {  	s6 =	simm.s32 @!p0 $0x2  }
0x155: {  	_ =	swait.ge @!p0 [sflag:s6], $0x4000  }
0x156: {  	[sflag:s6] =	ssyncset.done @!p0 $0x0  }
0x157: {  	[sflag:s6] =	ssyncadd.s32 @!p0 $0xFFFFC000;
	s6 =	simm.s32 @!p0 $0xF80  }
0x158: {  	[spmem:s3] =	stream.indirect.scatter.add.f32 @!p0 [tilespmem:s7], [sflag:$0x4], $0x80, s6, s8, $0xb8;
	[tilespmem:$0x1D000] =	vst v63  }
0x159: {  	s2 =	sadd.s32 $0x20, s2;
	_ =	swait.ge [sflag:s20], $0x800  }
0x15a: {  	p1 =	sge.u32 s2, s5;
	[sflag:s20] =	ssyncset.done $0x0  }
0x15b: {  	s30 =	simm.s32 $0x10;
	s2 =	simm.s32 @!p1 $0x3;
	[sflag:s20] =	ssyncadd.s32 $0xFFFFF800  }
.LBB2_4:
0x15c: {  	_ =	swait.ge @!p1 [sflag:s2], $0x4000;
	s6 =	smov.u32 s30  }
0x15d: {  	s8 =	simm.s32 @!p1 $0x1000;
	s9 =	simm.s32 @!p1 $0x0;
	[sflag:s2] =	ssyncset.done @!p1 $0x0  }
0x15e: {  	s7 =	rddreg [dreg:$0x5];
	[sflag:s2] =	ssyncadd.s32 @!p1 $0xFFFFC000;
	s2 =	simm.s32 @!p1 $0x80  }
0x15f: {  	[tilespmem:s8], [sflag:$0x1] =	stream.indirect.gather @!p1 [hbm4b:s0+s2], $0x80, s9, s2, $0xb8;
	[tilespmem:$0x1D000] =	vst v63  }
0x160: {  	s2 =	sadd.s32 s6, s7  }
0x161: {  	s6 =	sadd.s32 $0x10, s2  }
0x162: {  	p2 =	sge.u32 s6, s5  }
0x163: {  	s6 =	simm.s32 @!p2 $0x1  }
0x164: {  	s22 =	sadd.s32 $0x11, s2;
	_ =	swait.ge @!p2 [sflag:s6], $0x4000  }
0x165: {  	p1 =	sge.u32 s22, s5;
	s9 =	simm.s32 @!p2 $0x1000;
	[sflag:s6] =	ssyncset.done @!p2 $0x0  }
0x166: {  	s8 =	simm.s32 @!p2 $0x80;
	s10 =	simm.s32 @!p1 $0x4;
	[sflag:s6] =	ssyncadd.s32 @!p2 $0xFFFFC000  }
0x167: {  	[spmem:s3] =	stream.indirect.scatter.add.f32 @!p2 [tilespmem:s9], [sflag:$0x3], $0x80, s8, s8, $0xb8;
	[tilespmem:$0x1D000] =	vst v63  }
0x168: {  	_ =	swait.ge @!p1 [sflag:s10], $0x4000  }
0x169: {  	s19 =	simm.s32 @!p1 $0x5000;
	s18 =	simm.s32 @!p1 $0x80;
	[sflag:s10] =	ssyncset.done @!p1 $0x0  }
0x16a: {  	s6 =	simm.s32 @!p1 $0x2;
	s8 =	simm.s32 @!p1 $0x100;
	[sflag:s10] =	ssyncadd.s32 @!p1 $0xFFFFC000  }
0x16b: {  	[tilespmem:s19], [sflag:$0x2] =	stream.indirect.gather @!p1 [hbm4b:s0+s18], $0x80, s8, s18, $0xb8;
	[tilespmem:$0x1D000] =	vst v63  }
0x16c: {  	_ =	swait.ge @!p1 [sflag:s6], $0x4000  }
0x16d: {  	[sflag:s6] =	ssyncset.done @!p1 $0x0  }
0x16e: {  	s24 =	sadd.s32 $0x12, s2;
	s22 =	simm.s32 @!p1 $0x180;
	[sflag:s6] =	ssyncadd.s32 @!p1 $0xFFFFC000  }
0x16f: {  	[spmem:s3] =	stream.indirect.scatter.add.f32 @!p1 [tilespmem:s19], [sflag:$0x4], $0x80, s22, s18, $0xb8;
	[tilespmem:$0x1D000] =	vst v63  }
0x170: {  	p1 =	sge.u32 s24, s5  }
0x171: {  	s17 =	sadd.s32 $0x200, s17;
	s18 =	simm.s32 @!p1 $0x3  }
0x172: {  	[tilespmem:s28], [sflag:$0x5] =	stream.linear.gather [hbm4b:s17+s4], $0x800, $0x38;
	[tilespmem:$0x1D000] =	vst v63  }
0x173: {  	_ =	swait.ge @!p1 [sflag:s18], $0x4000  }
0x174: {  	s19 =	simm.s32 @!p1 $0x1000;
	s22 =	simm.s32 @!p1 $0x80;
	[sflag:s18] =	ssyncset.done @!p1 $0x0  }
0x175: {  	s24 =	simm.s32 @!p1 $0x200;
	[sflag:s18] =	ssyncadd.s32 @!p1 $0xFFFFC000;
	s18 =	simm.s32 @!p1 $0x1  }
0x176: {  	[tilespmem:s19], [sflag:$0x1] =	stream.indirect.gather @!p1 [hbm4b:s0+s22], $0x80, s24, s22, $0xb8;
	[tilespmem:$0x1D000] =	vst v63  }
0x177: {  	s26 =	sadd.s32 $0x13, s2;
	_ =	swait.ge @!p1 [sflag:s18], $0x4000  }
0x178: {  	p2 =	sge.u32 s26, s5;
	[sflag:s18] =	ssyncset.done @!p1 $0x0  }
0x179: {  	s24 =	simm.s32 @!p1 $0x280;
	[sflag:s18] =	ssyncadd.s32 @!p1 $0xFFFFC000;
	s18 =	simm.s32 @!p2 $0x4  }
0x17a: {  	[spmem:s3] =	stream.indirect.scatter.add.f32 @!p1 [tilespmem:s19], [sflag:$0x3], $0x80, s24, s22, $0xb8;
	[tilespmem:$0x1D000] =	vst v63  }
0x17b: {  	_ =	swait.ge @!p2 [sflag:s18], $0x4000  }
0x17c: {  	s19 =	simm.s32 @!p2 $0x5000;
	s22 =	simm.s32 @!p2 $0x80;
	[sflag:s18] =	ssyncset.done @!p2 $0x0  }
0x17d: {  	s24 =	simm.s32 @!p2 $0x300;
	[sflag:s18] =	ssyncadd.s32 @!p2 $0xFFFFC000;
	s18 =	simm.s32 @!p2 $0x2  }
0x17e: {  	[tilespmem:s19], [sflag:$0x2] =	stream.indirect.gather @!p2 [hbm4b:s0+s22], $0x80, s24, s22, $0xb8;
	[tilespmem:$0x1D000] =	vst v63  }
0x17f: {  	s7 =	sadd.s32 $0x14, s2;
	_ =	swait.ge @!p2 [sflag:s18], $0x4000  }
0x180: {  	p1 =	sge.u32 s7, s5;
	[sflag:s18] =	ssyncset.done @!p2 $0x0  }
0x181: {  	s7 =	simm.s32 @!p1 $0x3;
	s24 =	simm.s32 @!p2 $0x380;
	[sflag:s18] =	ssyncadd.s32 @!p2 $0xFFFFC000  }
0x182: {  	[spmem:s3] =	stream.indirect.scatter.add.f32 @!p2 [tilespmem:s19], [sflag:$0x4], $0x80, s24, s22, $0xb8;
	[tilespmem:$0x1D000] =	vst v63  }
0x183: {  	_ =	swait.ge @!p1 [sflag:s7], $0x4000  }
0x184: {  	s18 =	simm.s32 @!p1 $0x1000;
	s19 =	simm.s32 @!p1 $0x80;
	[sflag:s7] =	ssyncset.done @!p1 $0x0  }
0x185: {  	s22 =	simm.s32 @!p1 $0x400;
	[sflag:s7] =	ssyncadd.s32 @!p1 $0xFFFFC000;
	s7 =	simm.s32 @!p1 $0x1  }
0x186: {  	[tilespmem:s18], [sflag:$0x1] =	stream.indirect.gather @!p1 [hbm4b:s0+s19], $0x80, s22, s19, $0xb8;
	[tilespmem:$0x1D000] =	vst v63  }
0x187: {  	s31 =	sadd.s32 $0x15, s2;
	_ =	swait.ge @!p1 [sflag:s7], $0x4000  }
0x188: {  	p2 =	sge.u32 s31, s5;
	[sflag:s7] =	ssyncset.done @!p1 $0x0  }
0x189: {  	s22 =	simm.s32 @!p1 $0x480;
	[sflag:s7] =	ssyncadd.s32 @!p1 $0xFFFFC000;
	s7 =	simm.s32 @!p2 $0x4  }
0x18a: {  	[spmem:s3] =	stream.indirect.scatter.add.f32 @!p1 [tilespmem:s18], [sflag:$0x3], $0x80, s22, s19, $0xb8;
	[tilespmem:$0x1D000] =	vst v63  }
0x18b: {  	_ =	swait.ge @!p2 [sflag:s7], $0x4000  }
0x18c: {  	s18 =	simm.s32 @!p2 $0x5000;
	s19 =	simm.s32 @!p2 $0x80;
	[sflag:s7] =	ssyncset.done @!p2 $0x0  }
0x18d: {  	s22 =	simm.s32 @!p2 $0x500;
	[sflag:s7] =	ssyncadd.s32 @!p2 $0xFFFFC000;
	s7 =	simm.s32 @!p2 $0x2  }
0x18e: {  	[tilespmem:s18], [sflag:$0x2] =	stream.indirect.gather @!p2 [hbm4b:s0+s19], $0x80, s22, s19, $0xb8;
	[tilespmem:$0x1D000] =	vst v63  }
0x18f: {  	s23 =	sadd.s32 $0x16, s2;
	_ =	swait.ge @!p2 [sflag:s7], $0x4000  }
0x190: {  	p1 =	sge.u32 s23, s5;
	[sflag:s7] =	ssyncset.done @!p2 $0x0  }
0x191: {  	s22 =	simm.s32 @!p2 $0x580;
	[sflag:s7] =	ssyncadd.s32 @!p2 $0xFFFFC000;
	s7 =	simm.s32 @!p1 $0x3  }
0x192: {  	[spmem:s3] =	stream.indirect.scatter.add.f32 @!p2 [tilespmem:s18], [sflag:$0x4], $0x80, s22, s19, $0xb8;
	[tilespmem:$0x1D000] =	vst v63  }
0x193: {  	_ =	swait.ge @!p1 [sflag:s7], $0x4000  }
0x194: {  	s18 =	simm.s32 @!p1 $0x1000;
	s19 =	simm.s32 @!p1 $0x80;
	[sflag:s7] =	ssyncset.done @!p1 $0x0  }
0x195: {  	s22 =	simm.s32 @!p1 $0x600;
	[sflag:s7] =	ssyncadd.s32 @!p1 $0xFFFFC000;
	s7 =	simm.s32 @!p1 $0x1  }
0x196: {  	[tilespmem:s18], [sflag:$0x1] =	stream.indirect.gather @!p1 [hbm4b:s0+s19], $0x80, s22, s19, $0xb8;
	[tilespmem:$0x1D000] =	vst v63  }
0x197: {  	s15 =	sadd.s32 $0x17, s2;
	_ =	swait.ge @!p1 [sflag:s7], $0x4000  }
0x198: {  	p2 =	sge.u32 s15, s5;
	[sflag:s7] =	ssyncset.done @!p1 $0x0  }
0x199: {  	s22 =	simm.s32 @!p1 $0x680;
	[sflag:s7] =	ssyncadd.s32 @!p1 $0xFFFFC000;
	s7 =	simm.s32 @!p2 $0x4  }
0x19a: {  	[spmem:s3] =	stream.indirect.scatter.add.f32 @!p1 [tilespmem:s18], [sflag:$0x3], $0x80, s22, s19, $0xb8;
	[tilespmem:$0x1D000] =	vst v63  }
0x19b: {  	_ =	swait.ge @!p2 [sflag:s7], $0x4000  }
0x19c: {  	s15 =	simm.s32 @!p2 $0x5000;
	s18 =	simm.s32 @!p2 $0x80;
	[sflag:s7] =	ssyncset.done @!p2 $0x0  }
0x19d: {  	s19 =	simm.s32 @!p2 $0x700;
	[sflag:s7] =	ssyncadd.s32 @!p2 $0xFFFFC000;
	s7 =	simm.s32 @!p2 $0x2  }
0x19e: {  	[tilespmem:s15], [sflag:$0x2] =	stream.indirect.gather @!p2 [hbm4b:s0+s18], $0x80, s19, s18, $0xb8;
	[tilespmem:$0x1D000] =	vst v63  }
0x19f: {  	_ =	swait.ge @!p2 [sflag:s7], $0x4000  }
0x1a0: {  	[sflag:s7] =	ssyncset.done @!p2 $0x0  }
0x1a1: {  	s19 =	simm.s32 @!p2 $0x780;
	[sflag:s7] =	ssyncadd.s32 @!p2 $0xFFFFC000  }
0x1a2: {  	[spmem:s3] =	stream.indirect.scatter.add.f32 @!p2 [tilespmem:s15], [sflag:$0x4], $0x80, s19, s18, $0xb8;
	[tilespmem:$0x1D000] =	vst v63  }
0x1a3: {  	s14 =	sadd.s32 $0x18, s2;
	_ =	swait.ge [sflag:s20], $0x800  }
0x1a4: {  	p1 =	sge.u32 s14, s5;
	[sflag:s20] =	ssyncset.done $0x0  }
0x1a5: {  	s7 =	simm.s32 @!p1 $0x3;
	[sflag:s20] =	ssyncadd.s32 $0xFFFFF800  }
0x1a6: {  	_ =	swait.ge @!p1 [sflag:s7], $0x4000  }
0x1a7: {  	s14 =	simm.s32 @!p1 $0x1000;
	s15 =	simm.s32 @!p1 $0x80;
	[sflag:s7] =	ssyncset.done @!p1 $0x0  }
0x1a8: {  	s18 =	simm.s32 @!p1 $0x800;
	[sflag:s7] =	ssyncadd.s32 @!p1 $0xFFFFC000;
	s7 =	simm.s32 @!p1 $0x1  }
0x1a9: {  	[tilespmem:s14], [sflag:$0x1] =	stream.indirect.gather @!p1 [hbm4b:s0+s15], $0x80, s18, s15, $0xb8;
	[tilespmem:$0x1D000] =	vst v63  }
0x1aa: {  	s13 =	sadd.s32 $0x19, s2;
	_ =	swait.ge @!p1 [sflag:s7], $0x4000  }
0x1ab: {  	p2 =	sge.u32 s13, s5;
	[sflag:s7] =	ssyncset.done @!p1 $0x0  }
0x1ac: {  	s18 =	simm.s32 @!p1 $0x880;
	[sflag:s7] =	ssyncadd.s32 @!p1 $0xFFFFC000;
	s7 =	simm.s32 @!p2 $0x4  }
0x1ad: {  	[spmem:s3] =	stream.indirect.scatter.add.f32 @!p1 [tilespmem:s14], [sflag:$0x3], $0x80, s18, s15, $0xb8;
	[tilespmem:$0x1D000] =	vst v63  }
0x1ae: {  	_ =	swait.ge @!p2 [sflag:s7], $0x4000  }
0x1af: {  	s13 =	simm.s32 @!p2 $0x5000;
	s14 =	simm.s32 @!p2 $0x80;
	[sflag:s7] =	ssyncset.done @!p2 $0x0  }
0x1b0: {  	s15 =	simm.s32 @!p2 $0x900;
	[sflag:s7] =	ssyncadd.s32 @!p2 $0xFFFFC000;
	s7 =	simm.s32 @!p2 $0x2  }
0x1b1: {  	[tilespmem:s13], [sflag:$0x2] =	stream.indirect.gather @!p2 [hbm4b:s0+s14], $0x80, s15, s14, $0xb8;
	[tilespmem:$0x1D000] =	vst v63  }
0x1b2: {  	_ =	swait.ge @!p2 [sflag:s7], $0x4000  }
0x1b3: {  	s12 =	sadd.s32 $0x1A, s2;
	[sflag:s7] =	ssyncset.done @!p2 $0x0  }
0x1b4: {  	p1 =	sge.u32 s12, s5;
	s15 =	simm.s32 @!p2 $0x980;
	[sflag:s7] =	ssyncadd.s32 @!p2 $0xFFFFC000  }
0x1b5: {  	[spmem:s3] =	stream.indirect.scatter.add.f32 @!p2 [tilespmem:s13], [sflag:$0x4], $0x80, s15, s14, $0xb8;
	[tilespmem:$0x1D000] =	vst v63  }
0x1b6: {  	s16 =	sadd.s32 $0x200, s16;
	s7 =	simm.s32 @!p1 $0x3  }
0x1b7: {  	[tilespmem:s4], [sflag:$0x5] =	stream.linear.gather [hbm4b:s16+s4], $0x800, $0x38;
	[tilespmem:$0x1D000] =	vst v63  }
0x1b8: {  	_ =	swait.ge @!p1 [sflag:s7], $0x4000  }
0x1b9: {  	s12 =	simm.s32 @!p1 $0x1000;
	s13 =	simm.s32 @!p1 $0x80;
	[sflag:s7] =	ssyncset.done @!p1 $0x0  }
0x1ba: {  	s14 =	simm.s32 @!p1 $0xA00;
	[sflag:s7] =	ssyncadd.s32 @!p1 $0xFFFFC000;
	s7 =	simm.s32 @!p1 $0x1  }
0x1bb: {  	[tilespmem:s12], [sflag:$0x1] =	stream.indirect.gather @!p1 [hbm4b:s0+s13], $0x80, s14, s13, $0xb8;
	[tilespmem:$0x1D000] =	vst v63  }
0x1bc: {  	s11 =	sadd.s32 $0x1B, s2;
	_ =	swait.ge @!p1 [sflag:s7], $0x4000  }
0x1bd: {  	p2 =	sge.u32 s11, s5;
	[sflag:s7] =	ssyncset.done @!p1 $0x0  }
0x1be: {  	s14 =	simm.s32 @!p1 $0xA80;
	[sflag:s7] =	ssyncadd.s32 @!p1 $0xFFFFC000;
	s7 =	simm.s32 @!p2 $0x4  }
0x1bf: {  	[spmem:s3] =	stream.indirect.scatter.add.f32 @!p1 [tilespmem:s12], [sflag:$0x3], $0x80, s14, s13, $0xb8;
	[tilespmem:$0x1D000] =	vst v63  }
0x1c0: {  	_ =	swait.ge @!p2 [sflag:s7], $0x4000  }
0x1c1: {  	s11 =	simm.s32 @!p2 $0x5000;
	s12 =	simm.s32 @!p2 $0x80;
	[sflag:s7] =	ssyncset.done @!p2 $0x0  }
0x1c2: {  	s13 =	simm.s32 @!p2 $0xB00;
	[sflag:s7] =	ssyncadd.s32 @!p2 $0xFFFFC000;
	s7 =	simm.s32 @!p2 $0x2  }
0x1c3: {  	[tilespmem:s11], [sflag:$0x2] =	stream.indirect.gather @!p2 [hbm4b:s0+s12], $0x80, s13, s12, $0xb8;
	[tilespmem:$0x1D000] =	vst v63  }
0x1c4: {  	s10 =	sadd.s32 $0x1C, s2;
	_ =	swait.ge @!p2 [sflag:s7], $0x4000  }
0x1c5: {  	p1 =	sge.u32 s10, s5;
	[sflag:s7] =	ssyncset.done @!p2 $0x0  }
0x1c6: {  	s13 =	simm.s32 @!p2 $0xB80;
	[sflag:s7] =	ssyncadd.s32 @!p2 $0xFFFFC000;
	s7 =	simm.s32 @!p1 $0x3  }
0x1c7: {  	[spmem:s3] =	stream.indirect.scatter.add.f32 @!p2 [tilespmem:s11], [sflag:$0x4], $0x80, s13, s12, $0xb8;
	[tilespmem:$0x1D000] =	vst v63  }
0x1c8: {  	_ =	swait.ge @!p1 [sflag:s7], $0x4000  }
0x1c9: {  	s10 =	simm.s32 @!p1 $0x1000;
	s11 =	simm.s32 @!p1 $0x80;
	[sflag:s7] =	ssyncset.done @!p1 $0x0  }
0x1ca: {  	s12 =	simm.s32 @!p1 $0xC00;
	[sflag:s7] =	ssyncadd.s32 @!p1 $0xFFFFC000;
	s7 =	simm.s32 @!p1 $0x1  }
0x1cb: {  	[tilespmem:s10], [sflag:$0x1] =	stream.indirect.gather @!p1 [hbm4b:s0+s11], $0x80, s12, s11, $0xb8;
	[tilespmem:$0x1D000] =	vst v63  }
0x1cc: {  	s9 =	sadd.s32 $0x1D, s2;
	_ =	swait.ge @!p1 [sflag:s7], $0x4000  }
0x1cd: {  	p2 =	sge.u32 s9, s5;
	[sflag:s7] =	ssyncset.done @!p1 $0x0  }
0x1ce: {  	s12 =	simm.s32 @!p1 $0xC80;
	[sflag:s7] =	ssyncadd.s32 @!p1 $0xFFFFC000;
	s7 =	simm.s32 @!p2 $0x4  }
0x1cf: {  	[spmem:s3] =	stream.indirect.scatter.add.f32 @!p1 [tilespmem:s10], [sflag:$0x3], $0x80, s12, s11, $0xb8;
	[tilespmem:$0x1D000] =	vst v63  }
0x1d0: {  	_ =	swait.ge @!p2 [sflag:s7], $0x4000  }
0x1d1: {  	s9 =	simm.s32 @!p2 $0x5000;
	s10 =	simm.s32 @!p2 $0x80;
	[sflag:s7] =	ssyncset.done @!p2 $0x0  }
0x1d2: {  	s11 =	simm.s32 @!p2 $0xD00;
	[sflag:s7] =	ssyncadd.s32 @!p2 $0xFFFFC000;
	s7 =	simm.s32 @!p2 $0x2  }
0x1d3: {  	[tilespmem:s9], [sflag:$0x2] =	stream.indirect.gather @!p2 [hbm4b:s0+s10], $0x80, s11, s10, $0xb8;
	[tilespmem:$0x1D000] =	vst v63  }
0x1d4: {  	s8 =	sadd.s32 $0x1E, s2;
	_ =	swait.ge @!p2 [sflag:s7], $0x4000  }
0x1d5: {  	p1 =	sge.u32 s8, s5;
	[sflag:s7] =	ssyncset.done @!p2 $0x0  }
0x1d6: {  	s11 =	simm.s32 @!p2 $0xD80;
	[sflag:s7] =	ssyncadd.s32 @!p2 $0xFFFFC000;
	s7 =	simm.s32 @!p1 $0x3  }
0x1d7: {  	[spmem:s3] =	stream.indirect.scatter.add.f32 @!p2 [tilespmem:s9], [sflag:$0x4], $0x80, s11, s10, $0xb8;
	[tilespmem:$0x1D000] =	vst v63  }
0x1d8: {  	_ =	swait.ge @!p1 [sflag:s7], $0x4000  }
0x1d9: {  	s8 =	simm.s32 @!p1 $0x1000;
	s9 =	simm.s32 @!p1 $0x80;
	[sflag:s7] =	ssyncset.done @!p1 $0x0  }
0x1da: {  	s10 =	simm.s32 @!p1 $0xE00;
	[sflag:s7] =	ssyncadd.s32 @!p1 $0xFFFFC000;
	s7 =	simm.s32 @!p1 $0x1  }
0x1db: {  	[tilespmem:s8], [sflag:$0x1] =	stream.indirect.gather @!p1 [hbm4b:s0+s9], $0x80, s10, s9, $0xb8;
	[tilespmem:$0x1D000] =	vst v63  }
0x1dc: {  	s6 =	sadd.s32 $0x1F, s2;
	_ =	swait.ge @!p1 [sflag:s7], $0x4000  }
0x1dd: {  	p2 =	sge.u32 s6, s5;
	[sflag:s7] =	ssyncset.done @!p1 $0x0  }
0x1de: {  	s6 =	simm.s32 @!p2 $0x4;
	s10 =	simm.s32 @!p1 $0xE80;
	[sflag:s7] =	ssyncadd.s32 @!p1 $0xFFFFC000  }
0x1df: {  	[spmem:s3] =	stream.indirect.scatter.add.f32 @!p1 [tilespmem:s8], [sflag:$0x3], $0x80, s10, s9, $0xb8;
	[tilespmem:$0x1D000] =	vst v63  }
0x1e0: {  	_ =	swait.ge @!p2 [sflag:s6], $0x4000  }
0x1e1: {  	s7 =	simm.s32 @!p2 $0x5000;
	s8 =	simm.s32 @!p2 $0x80;
	[sflag:s6] =	ssyncset.done @!p2 $0x0  }
0x1e2: {  	s9 =	simm.s32 @!p2 $0xF00;
	[sflag:s6] =	ssyncadd.s32 @!p2 $0xFFFFC000;
	s6 =	simm.s32 @!p2 $0x2  }
0x1e3: {  	[tilespmem:s7], [sflag:$0x2] =	stream.indirect.gather @!p2 [hbm4b:s0+s8], $0x80, s9, s8, $0xb8;
	[tilespmem:$0x1D000] =	vst v63  }
0x1e4: {  	s30 =	sadd.s32 $0x10, s30;
	_ =	swait.ge @!p2 [sflag:s6], $0x4000  }
0x1e5: {  	p0 =	sne.s32 s30, $0x40;
	[sflag:s6] =	ssyncset.done @!p2 $0x0  }
.Ltmp1:
0x1e6: {  	s9 =	simm.s32 @!p2 $0xF80;
	[sflag:s6] =	ssyncadd.s32 @!p2 $0xFFFFC000;
	(pc) =	sbr.rel @p0 .LBB2_4-.Ltmp1, $4  }
0x1e7: {  	[spmem:s3] =	stream.indirect.scatter.add.f32 @!p2 [tilespmem:s7], [sflag:$0x4], $0x80, s9, s8, $0xb8;
	[tilespmem:$0x1D000] =	vst v63  }
0x1e8: {  	s2 =	sadd.s32 $0x20, s2;
	_ =	swait.ge [sflag:s20], $0x800  }
0x1e9: {  	p1 =	sge.u32 s2, s5;
	[sflag:s20] =	ssyncset.done $0x0  }
0x1ea: {  	s2 =	simm.s32 @!p1 $0x3;
	[sflag:s20] =	ssyncadd.s32 $0xFFFFF800  }
0x1eb: {  	_ =	swait.ge @!p1 [sflag:s2], $0x4000  }
0x1ec: {  	s6 =	simm.s32 @!p1 $0x1000;
	[sflag:s2] =	ssyncset.done @!p1 $0x0  }
0x1ed: {  	s7 =	simm.s32 @!p1 $0x0;
	[sflag:s2] =	ssyncadd.s32 @!p1 $0xFFFFC000;
	s2 =	simm.s32 @!p1 $0x80  }
0x1ee: {  	[tilespmem:s6], [sflag:$0x1] =	stream.indirect.gather @!p1 [hbm4b:s0+s2], $0x80, s7, s2, $0xb8;
	[tilespmem:$0x1D000] =	vst v63  }
0x1ef: {  	_ =	swait.ge [sflag:s29], $0x4000  }
0x1f0: {  	[sflag:s29] =	ssyncset.done $0x0  }
0x1f1: {  	[sflag:s29] =	ssyncadd.s32 $0xFFFFC000  }
0x1f2: {  	_ =	swait.ge [sflag:s1], $0x4000  }
0x1f3: {  	[sflag:s1] =	ssyncset.done $0x0  }
0x1f4: {  	[sflag:s1] =	ssyncadd.s32 $0xFFFFC000  }
0x1f5: {  	s23 =	stileid.u32;
	[bflag:$0x0] =	sbarrier.arrive $0xFFFF  }
0x1f6: {  	s8 =	simm.s32 $0x6;
	s2 =	sshll.u32 s23, $0x6;
	s12 =	rddreg [dreg:$0x7]  }
0x1f7: {  	s2 =	sor.u32 $0x1C06, s2;
	s26 =	rddreg [dreg:$0xe];
	s24 =	sshrl.u32 s12, $0x3  }
0x1f8: {  	[hbm:s26], [sflag:s2] =	dma.local [spmem:s24], $0x2800  }
0x1f9: {  	_ =	swait.ge [sflag:s8], $0x2800  }
0x1fa: {  	s30 =	rddreg [dreg:$0x12]  }
0x1fb: {  	s31 =	rddreg [dreg:$0xf];
	s6 =	sadd.s32 $0x1, s30  }
0x1fc: {  	p0 =	sne.s32 s6, s31  }
.Ltmp2:
0x1fd: {  	_ = 	snop;
	(pc) =	sbr.rel @p0 .LBB2_1-.Ltmp2, $3  }
0x1fe: {  	_ =	sdelay $0x1  }
0x1ff: {  	[sflag:s8] =	ssyncset.done $0x0  }
0x200: {  	[sflag:s8] =	ssyncadd.s32 $0xFFFFD800  }
0x201: {  	_ =	sfence.sel $0x180000  }
0x202: {  	[bflag:$0x0] =	sbarrier.arrive $0xFFFF  }
0x203: {  	_ =	strace $0x90000047  }
0x204: {  	s0 =	stileid.u32;
	[bflag:$0x2] =	sbarrier.arrive $0xFFFF  }
0x205: {  	p0 =	sne.s32 s0, $0x0;
	s0 =	rddreg [dreg:$0x4]  }
0x206: {  	s0 =	sadd.s32 @!p0 $0x100000, s0  }
0x207: {  	[sflag:s0] =	ssyncadd.tile.s32 @!p0 $0x1;
	_ =	shalt  }
.Lfunc_end2:
_tile_overlayer_lowered:
.L_overlay_start_2:
0x208: {  	(tag) =	ssettag $0x2  }
0x209: {  	s0 =	rddreg [dreg:$0x0];
	s2 =	stileid.u32  }
0x20a: {  	s1 =	rddreg [dreg:$0x1];
	p0 =	sne.s32 s2, $0x0  }
0x20b: {  	s3 =	rddreg [dreg:$0x2];
	[bflag:$0x3] =	sbarrier.arrive $0xFFFF;
	s2 =	simm.s32 @!p0 $0x1C06  }
0x20c: {  	[timem:s3], [sflag:s2] =	dma.local @!p0 [hbm:s0], s1  }
0x20d: {  	s0 =	simm.s32 @!p0 $0x6  }
0x20e: {  	_ =	swait.ge @!p0 [sflag:s0], s1  }
0x20f: {  	s1 =	ssub.s32 @!p0 $0x0, s1;
	[sflag:s0] =	ssyncset.done @!p0 $0x0  }
0x210: {  	[sflag:s0] =	ssyncadd.s32 @!p0 s1  }
0x211: {  	[bflag:$0x3] =	sbarrier.arrive $0xFFFF  }
0x212: {  	_ =	shalt  }

</sc_bundles>
